<compile_context>
chip_gen: v7x
topology: tpu7x:2x2x1
jax: 0.10.2.dev20260603
libtpu: 0.0.44.dev20260713+nightly
codegen_flags: <defaults>
</compile_context>

<pallas_src>
import functools

import jax
import jax.numpy as jnp
from jax import lax
from jax.experimental import pallas as pl
from jax.experimental.pallas import tpu as pltpu
from jax.experimental.pallas import tpu_sc as plsc

D = 64
SI = 10
NBUF = 5
PRE = 3


@functools.cache
def _make_gather(BATCH, S, W):
    info = plsc.get_sparse_core_info()
    nw = info.num_cores * info.num_subcores
    B = BATCH * S * W
    b_per_w = BATCH // nw
    cpb = S // SI
    n_chunks = b_per_w * cpb
    CH = SI * W
    assert S % SI == 0 and BATCH % nw == 0 and n_chunks % NBUF == 0

    mesh = plsc.VectorSubcoreMesh(core_axis_name="c", subcore_axis_name="s")

    @functools.partial(
        pl.kernel,
        mesh=mesh,
        out_type=jax.ShapeDtypeStruct((B, 2 * D), jnp.float32),
        scratch_types=[
            pltpu.VMEM((b_per_w, S, W), jnp.int32),
            pltpu.VMEM((NBUF, CH, D), jnp.float32),
        ]
        + [pltpu.SemaphoreType.DMA] * (2 * NBUF),
        compiler_params=pltpu.CompilerParams(use_tc_tiling_on_sc=False),
    )
    def emb(x_hbm, table_hbm, out_hbm, idx_all, rows, *sems):
        sem_g, sem_w = sems[:NBUF], sems[NBUF:]
        wid = lax.axis_index("s") * info.num_cores + lax.axis_index("c")
        b0 = wid * b_per_w

        pltpu.sync_copy(x_hbm.at[pl.ds(b0, b_per_w)], idx_all)

        def fire_gather(c, slot):
            bi = c // cpb
            si0 = (c % cpb) * SI
            for t in range(SI):
                pltpu.async_copy(
                    table_hbm.at[idx_all.at[bi, si0 + t]],
                    rows.at[slot].at[pl.ds(t * W, W)],
                    sem_g[slot],
                )

        def wait_gather(slot):
            pltpu.make_async_copy(
                table_hbm.at[pl.ds(0, CH)], rows.at[slot], sem_g[slot]
            ).wait()

        def _write_copy(c, slot):
            flat0 = (b0 + c // cpb) * S * W + (c % cpb) * SI * W
            return pltpu.make_async_copy(
                rows.at[slot],
                out_hbm.at[pl.ds(flat0, CH), pl.ds(0, D)],
                sem_w[slot],
            )

        def fire_write(c, slot):
            _write_copy(c, slot).start()

        def wait_write(c, slot):
            _write_copy(c, slot).wait()

        for c0 in range(PRE):
            fire_gather(c0, c0)

        def group(t, carry):
            for b in range(NBUF):
                c = t * NBUF + b
                wait_gather(b)
                fire_write(c, b)
                s2 = (b + PRE) % NBUF

                @pl.when(c + PRE < n_chunks)
                def _():
                    @pl.when(c >= NBUF - PRE)
                    def _():
                        wait_write(c - (NBUF - PRE), s2)

                    fire_gather(c + PRE, s2)

            return carry

        lax.fori_loop(0, n_chunks // NBUF, group, 0)

        for b in range(NBUF):
            wait_write(n_chunks - NBUF + b, b)

    return emb


def kernel(x, table):
    BATCH, S, W = x.shape
    out = _make_gather(BATCH, S, W)(x.astype(jnp.int32), table)
    return out.reshape(BATCH, S, W, 2 * D)[..., :D]

# --- scband reference (transcript-rebuilt; emitter-appended) ---
"""Pipeline reference for scband-embedding-layer-19928648254300 (READ-ONLY COPY).

The authoritative reference and input builder live on the scoring server;
editing this copy changes nothing except your own understanding.
"""

import jax, jax.numpy as jnp
import numpy as np

VOCAB = 100000
EMBED_DIM = 64
PADDING_IDX = 0


def setup_inputs(seed: int = 0) -> dict:
    key = jax.random.key(seed)
    k1, k2 = jax.random.split(key)
    x = jax.random.randint(k1, (1024, 50, 16), 0, VOCAB, dtype=jnp.int64 if jax.config.jax_enable_x64 else jnp.int32)
    table = jax.random.normal(k2, (VOCAB, EMBED_DIM), dtype=jnp.float32)
    table = table.at[PADDING_IDX].set(0.0)  # nn.Embedding zeroes the padding row
    return {"x": x, "table": table}


def reference(x, table):
    # nn.Embedding forward: simple row gather from the table.
    # padding_idx row is zero (enforced at init), lookup is a plain gather.
    return jnp.take(table, x, axis=0)

if __name__ == "__main__":
    import jax
    _d = setup_inputs()
    print(jax.jit(kernel)(*tuple(_d.values())))

</pallas_src>

<mosaic_0001>
#map = affine_map<(d0, d1) -> (0, 0, 0)>
#map1 = affine_map<(d0, d1) -> (0, 0)>
module attributes {stable_mosaic.version = 14 : i64} {
  func.func @emb(%arg0: i32, %arg1: i32, %arg2: memref<1024x50x16xi32, #tpu.memory_space<hbm>>, %arg3: memref<100000x64xf32, #tpu.memory_space<hbm>>, %arg4: memref<819200x128xf32, #tpu.memory_space<hbm>>, %arg5: memref<32x50x16xi32, #tpu.memory_space<vmem>>, %arg6: memref<5x160x64xf32, #tpu.memory_space<vmem>>, %arg7: memref<!tpu.dma_semaphore, #tpu.memory_space<semaphore_mem>>, %arg8: memref<!tpu.dma_semaphore, #tpu.memory_space<semaphore_mem>>, %arg9: memref<!tpu.dma_semaphore, #tpu.memory_space<semaphore_mem>>, %arg10: memref<!tpu.dma_semaphore, #tpu.memory_space<semaphore_mem>>, %arg11: memref<!tpu.dma_semaphore, #tpu.memory_space<semaphore_mem>>, %arg12: memref<!tpu.dma_semaphore, #tpu.memory_space<semaphore_mem>>, %arg13: memref<!tpu.dma_semaphore, #tpu.memory_space<semaphore_mem>>, %arg14: memref<!tpu.dma_semaphore, #tpu.memory_space<semaphore_mem>>, %arg15: memref<!tpu.dma_semaphore, #tpu.memory_space<semaphore_mem>>, %arg16: memref<!tpu.dma_semaphore, #tpu.memory_space<semaphore_mem>>) attributes {dimension_semantics = [#tpu.dimension_semantics<core_parallel>, #tpu.dimension_semantics<subcore_parallel>], iteration_bounds = array<i64: 2, 16>, scalar_prefetch = 0 : i64, scratch_operands = 12 : i64, tpu.core_type = #tpu.core_type<sc_vector_subcore>, window_params = [{transform_indices = #map}, {transform_indices = #map1}, {transform_indices = #map1}]} {
    %mul3A = arith.constant 2 : i32
    %mul3A_0 = arith.muli %arg1, %mul3A : i32
    %add3A = arith.addi %mul3A_0, %arg0 : i32
    %mul3A_1 = arith.constant 32 : i32
    %mul3A_2 = arith.muli %add3A, %mul3A_1 : i32
    "tpu.region"() ({
      %run_scoped3A = tpu.sem_alloc : memref<!tpu.dma_semaphore, #tpu.memory_space<semaphore_mem>>
      %dma_start3A_591 = arith.constant 0 : i32
      %dma_start3A_592 = arith.constant 0 : i32
      %dma_start3A_593 = tpu.memref_slice %arg2[%mul3A_2, %dma_start3A_591, %dma_start3A_592] : memref<1024x50x16xi32, #tpu.memory_space<hbm>> -> memref<32x50x16xi32, #tpu.memory_space<hbm>>
      %dma_start3A_594 = arith.constant 0 : i32
      %dma_start3A_595 = arith.constant 0 : i32
      %dma_start3A_596 = tpu.memref_slice %arg2[%mul3A_2, %dma_start3A_594, %dma_start3A_595] : memref<1024x50x16xi32, #tpu.memory_space<hbm>> -> memref<32x50x16xi32, #tpu.memory_space<hbm>>
      tpu.enqueue_dma source(%dma_start3A_596 : memref<32x50x16xi32, #tpu.memory_space<hbm>>) target(%arg5 : memref<32x50x16xi32, #tpu.memory_space<vmem>>) target_semaphore(%run_scoped3A : memref<!tpu.dma_semaphore, #tpu.memory_space<semaphore_mem>>)
      %dma_wait3A_597 = arith.constant 0 : i32
      %dma_wait3A_598 = arith.constant 0 : i32
      %dma_wait3A_599 = tpu.memref_slice %arg2[%mul3A_2, %dma_wait3A_597, %dma_wait3A_598] : memref<1024x50x16xi32, #tpu.memory_space<hbm>> -> memref<32x50x16xi32, #tpu.memory_space<hbm>>
      %dma_wait3A_600 = arith.constant 0 : i32
      %dma_wait3A_601 = arith.constant 0 : i32
      %dma_wait3A_602 = tpu.memref_slice %arg2[%mul3A_2, %dma_wait3A_600, %dma_wait3A_601] : memref<1024x50x16xi32, #tpu.memory_space<hbm>> -> memref<32x50x16xi32, #tpu.memory_space<hbm>>
      tpu.wait_dma2 semaphore(%run_scoped3A : memref<!tpu.dma_semaphore, #tpu.memory_space<semaphore_mem>>) src(%dma_wait3A_602 : memref<32x50x16xi32, #tpu.memory_space<hbm>>) dst(%arg5 : memref<32x50x16xi32, #tpu.memory_space<vmem>>)
      tpu.yield
    }) : () -> ()
    %dma_start3A = arith.constant 0 : i32
    %dma_start3A_3 = arith.constant 0 : i32
    %dma_start3A_4 = arith.constant 0 : i32
    %dma_start3A_5 = arith.constant 0 : i32
    %dma_start3A_6 = arith.constant 0 : i32
    %dma_start3A_7 = tpu.memref_slice %arg6[%dma_start3A_4, %dma_start3A_5, %dma_start3A_6] : memref<5x160x64xf32, #tpu.memory_space<vmem>> -> memref<1x160x64xf32, #tpu.memory_space<vmem>>
    %dma_start3A_8 = tpu.memref_squeeze %dma_start3A_7 : memref<1x160x64xf32, #tpu.memory_space<vmem>> -> memref<160x64xf32, #tpu.memory_space<vmem>>
    %dma_start3A_9 = arith.constant 0 : i32
    %dma_start3A_10 = arith.constant 0 : i32
    %dma_start3A_11 = tpu.memref_slice %dma_start3A_8[%dma_start3A_9, %dma_start3A_10] : memref<160x64xf32, #tpu.memory_space<vmem>> -> memref<16x64xf32, #tpu.memory_space<vmem>>
    %dma_start3A_12 = arith.constant 0 : i32
    %dma_start3A_13 = tpu.memref_slice %arg5[%dma_start3A, %dma_start3A_3, %dma_start3A_12] : memref<32x50x16xi32, #tpu.memory_space<vmem>> -> memref<1x1x16xi32, #tpu.memory_space<vmem>>
    %dma_start3A_14 = tpu.memref_squeeze %dma_start3A_13 : memref<1x1x16xi32, #tpu.memory_space<vmem>> -> memref<16xi32, #tpu.memory_space<vmem>>
    %dma_start3A_15 = arith.constant 0 : i32
    %dma_start3A_16 = arith.constant 0 : i32
    %dma_start3A_17 = tpu.memref_slice %arg3[%dma_start3A_15, %dma_start3A_16] : memref<100000x64xf32, #tpu.memory_space<hbm>> -> memref<100000x64xf32, #tpu.memory_space<hbm>>
    tpu.enqueue_indirect_dma source(%dma_start3A_17 : memref<100000x64xf32, #tpu.memory_space<hbm>>) target(%dma_start3A_11 : memref<16x64xf32, #tpu.memory_space<vmem>>) offsets(%dma_start3A_14 : memref<16xi32, #tpu.memory_space<vmem>>) semaphore(%arg7 : memref<!tpu.dma_semaphore, #tpu.memory_space<semaphore_mem>>)
    %dma_start3A_18 = arith.constant 0 : i32
    %dma_start3A_19 = arith.constant 1 : i32
    %dma_start3A_20 = arith.constant 0 : i32
    %dma_start3A_21 = arith.constant 0 : i32
    %dma_start3A_22 = arith.constant 0 : i32
    %dma_start3A_23 = tpu.memref_slice %arg6[%dma_start3A_20, %dma_start3A_21, %dma_start3A_22] : memref<5x160x64xf32, #tpu.memory_space<vmem>> -> memref<1x160x64xf32, #tpu.memory_space<vmem>>
    %dma_start3A_24 = tpu.memref_squeeze %dma_start3A_23 : memref<1x160x64xf32, #tpu.memory_space<vmem>> -> memref<160x64xf32, #tpu.memory_space<vmem>>
    %dma_start3A_25 = arith.constant 16 : i32
    %dma_start3A_26 = arith.constant 0 : i32
    %dma_start3A_27 = tpu.memref_slice %dma_start3A_24[%dma_start3A_25, %dma_start3A_26] : memref<160x64xf32, #tpu.memory_space<vmem>> -> memref<16x64xf32, #tpu.memory_space<vmem>>
    %dma_start3A_28 = arith.constant 0 : i32
    %dma_start3A_29 = tpu.memref_slice %arg5[%dma_start3A_18, %dma_start3A_19, %dma_start3A_28] : memref<32x50x16xi32, #tpu.memory_space<vmem>> -> memref<1x1x16xi32, #tpu.memory_space<vmem>>
    %dma_start3A_30 = tpu.memref_squeeze %dma_start3A_29 : memref<1x1x16xi32, #tpu.memory_space<vmem>> -> memref<16xi32, #tpu.memory_space<vmem>>
    %dma_start3A_31 = arith.constant 0 : i32
    %dma_start3A_32 = arith.constant 0 : i32
    %dma_start3A_33 = tpu.memref_slice %arg3[%dma_start3A_31, %dma_start3A_32] : memref<100000x64xf32, #tpu.memory_space<hbm>> -> memref<100000x64xf32, #tpu.memory_space<hbm>>
    tpu.enqueue_indirect_dma source(%dma_start3A_33 : memref<100000x64xf32, #tpu.memory_space<hbm>>) target(%dma_start3A_27 : memref<16x64xf32, #tpu.memory_space<vmem>>) offsets(%dma_start3A_30 : memref<16xi32, #tpu.memory_space<vmem>>) semaphore(%arg7 : memref<!tpu.dma_semaphore, #tpu.memory_space<semaphore_mem>>)
    %dma_start3A_34 = arith.constant 0 : i32
    %dma_start3A_35 = arith.constant 2 : i32
    %dma_start3A_36 = arith.constant 0 : i32
    %dma_start3A_37 = arith.constant 0 : i32
    %dma_start3A_38 = arith.constant 0 : i32
    %dma_start3A_39 = tpu.memref_slice %arg6[%dma_start3A_36, %dma_start3A_37, %dma_start3A_38] : memref<5x160x64xf32, #tpu.memory_space<vmem>> -> memref<1x160x64xf32, #tpu.memory_space<vmem>>
    %dma_start3A_40 = tpu.memref_squeeze %dma_start3A_39 : memref<1x160x64xf32, #tpu.memory_space<vmem>> -> memref<160x64xf32, #tpu.memory_space<vmem>>
    %dma_start3A_41 = arith.constant 32 : i32
    %dma_start3A_42 = arith.constant 0 : i32
    %dma_start3A_43 = tpu.memref_slice %dma_start3A_40[%dma_start3A_41, %dma_start3A_42] : memref<160x64xf32, #tpu.memory_space<vmem>> -> memref<16x64xf32, #tpu.memory_space<vmem>>
    %dma_start3A_44 = arith.constant 0 : i32
    %dma_start3A_45 = tpu.memref_slice %arg5[%dma_start3A_34, %dma_start3A_35, %dma_start3A_44] : memref<32x50x16xi32, #tpu.memory_space<vmem>> -> memref<1x1x16xi32, #tpu.memory_space<vmem>>
    %dma_start3A_46 = tpu.memref_squeeze %dma_start3A_45 : memref<1x1x16xi32, #tpu.memory_space<vmem>> -> memref<16xi32, #tpu.memory_space<vmem>>
    %dma_start3A_47 = arith.constant 0 : i32
    %dma_start3A_48 = arith.constant 0 : i32
    %dma_start3A_49 = tpu.memref_slice %arg3[%dma_start3A_47, %dma_start3A_48] : memref<100000x64xf32, #tpu.memory_space<hbm>> -> memref<100000x64xf32, #tpu.memory_space<hbm>>
    tpu.enqueue_indirect_dma source(%dma_start3A_49 : memref<100000x64xf32, #tpu.memory_space<hbm>>) target(%dma_start3A_43 : memref<16x64xf32, #tpu.memory_space<vmem>>) offsets(%dma_start3A_46 : memref<16xi32, #tpu.memory_space<vmem>>) semaphore(%arg7 : memref<!tpu.dma_semaphore, #tpu.memory_space<semaphore_mem>>)
    %dma_start3A_50 = arith.constant 0 : i32
    %dma_start3A_51 = arith.constant 3 : i32
    %dma_start3A_52 = arith.constant 0 : i32
    %dma_start3A_53 = arith.constant 0 : i32
    %dma_start3A_54 = arith.constant 0 : i32
    %dma_start3A_55 = tpu.memref_slice %arg6[%dma_start3A_52, %dma_start3A_53, %dma_start3A_54] : memref<5x160x64xf32, #tpu.memory_space<vmem>> -> memref<1x160x64xf32, #tpu.memory_space<vmem>>
    %dma_start3A_56 = tpu.memref_squeeze %dma_start3A_55 : memref<1x160x64xf32, #tpu.memory_space<vmem>> -> memref<160x64xf32, #tpu.memory_space<vmem>>
    %dma_start3A_57 = arith.constant 48 : i32
    %dma_start3A_58 = arith.constant 0 : i32
    %dma_start3A_59 = tpu.memref_slice %dma_start3A_56[%dma_start3A_57, %dma_start3A_58] : memref<160x64xf32, #tpu.memory_space<vmem>> -> memref<16x64xf32, #tpu.memory_space<vmem>>
    %dma_start3A_60 = arith.constant 0 : i32
    %dma_start3A_61 = tpu.memref_slice %arg5[%dma_start3A_50, %dma_start3A_51, %dma_start3A_60] : memref<32x50x16xi32, #tpu.memory_space<vmem>> -> memref<1x1x16xi32, #tpu.memory_space<vmem>>
    %dma_start3A_62 = tpu.memref_squeeze %dma_start3A_61 : memref<1x1x16xi32, #tpu.memory_space<vmem>> -> memref<16xi32, #tpu.memory_space<vmem>>
    %dma_start3A_63 = arith.constant 0 : i32
    %dma_start3A_64 = arith.constant 0 : i32
    %dma_start3A_65 = tpu.memref_slice %arg3[%dma_start3A_63, %dma_start3A_64] : memref<100000x64xf32, #tpu.memory_space<hbm>> -> memref<100000x64xf32, #tpu.memory_space<hbm>>
    tpu.enqueue_indirect_dma source(%dma_start3A_65 : memref<100000x64xf32, #tpu.memory_space<hbm>>) target(%dma_start3A_59 : memref<16x64xf32, #tpu.memory_space<vmem>>) offsets(%dma_start3A_62 : memref<16xi32, #tpu.memory_space<vmem>>) semaphore(%arg7 : memref<!tpu.dma_semaphore, #tpu.memory_space<semaphore_mem>>)
    %dma_start3A_66 = arith.constant 0 : i32
    %dma_start3A_67 = arith.constant 4 : i32
    %dma_start3A_68 = arith.constant 0 : i32
    %dma_start3A_69 = arith.constant 0 : i32
    %dma_start3A_70 = arith.constant 0 : i32
    %dma_start3A_71 = tpu.memref_slice %arg6[%dma_start3A_68, %dma_start3A_69, %dma_start3A_70] : memref<5x160x64xf32, #tpu.memory_space<vmem>> -> memref<1x160x64xf32, #tpu.memory_space<vmem>>
    %dma_start3A_72 = tpu.memref_squeeze %dma_start3A_71 : memref<1x160x64xf32, #tpu.memory_space<vmem>> -> memref<160x64xf32, #tpu.memory_space<vmem>>
    %dma_start3A_73 = arith.constant 64 : i32
    %dma_start3A_74 = arith.constant 0 : i32
    %dma_start3A_75 = tpu.memref_slice %dma_start3A_72[%dma_start3A_73, %dma_start3A_74] : memref<160x64xf32, #tpu.memory_space<vmem>> -> memref<16x64xf32, #tpu.memory_space<vmem>>
    %dma_start3A_76 = arith.constant 0 : i32
    %dma_start3A_77 = tpu.memref_slice %arg5[%dma_start3A_66, %dma_start3A_67, %dma_start3A_76] : memref<32x50x16xi32, #tpu.memory_space<vmem>> -> memref<1x1x16xi32, #tpu.memory_space<vmem>>
    %dma_start3A_78 = tpu.memref_squeeze %dma_start3A_77 : memref<1x1x16xi32, #tpu.memory_space<vmem>> -> memref<16xi32, #tpu.memory_space<vmem>>
    %dma_start3A_79 = arith.constant 0 : i32
    %dma_start3A_80 = arith.constant 0 : i32
    %dma_start3A_81 = tpu.memref_slice %arg3[%dma_start3A_79, %dma_start3A_80] : memref<100000x64xf32, #tpu.memory_space<hbm>> -> memref<100000x64xf32, #tpu.memory_space<hbm>>
    tpu.enqueue_indirect_dma source(%dma_start3A_81 : memref<100000x64xf32, #tpu.memory_space<hbm>>) target(%dma_start3A_75 : memref<16x64xf32, #tpu.memory_space<vmem>>) offsets(%dma_start3A_78 : memref<16xi32, #tpu.memory_space<vmem>>) semaphore(%arg7 : memref<!tpu.dma_semaphore, #tpu.memory_space<semaphore_mem>>)
    %dma_start3A_82 = arith.constant 0 : i32
    %dma_start3A_83 = arith.constant 5 : i32
    %dma_start3A_84 = arith.constant 0 : i32
    %dma_start3A_85 = arith.constant 0 : i32
    %dma_start3A_86 = arith.constant 0 : i32
    %dma_start3A_87 = tpu.memref_slice %arg6[%dma_start3A_84, %dma_start3A_85, %dma_start3A_86] : memref<5x160x64xf32, #tpu.memory_space<vmem>> -> memref<1x160x64xf32, #tpu.memory_space<vmem>>
    %dma_start3A_88 = tpu.memref_squeeze %dma_start3A_87 : memref<1x160x64xf32, #tpu.memory_space<vmem>> -> memref<160x64xf32, #tpu.memory_space<vmem>>
    %dma_start3A_89 = arith.constant 80 : i32
    %dma_start3A_90 = arith.constant 0 : i32
    %dma_start3A_91 = tpu.memref_slice %dma_start3A_88[%dma_start3A_89, %dma_start3A_90] : memref<160x64xf32, #tpu.memory_space<vmem>> -> memref<16x64xf32, #tpu.memory_space<vmem>>
    %dma_start3A_92 = arith.constant 0 : i32
    %dma_start3A_93 = tpu.memref_slice %arg5[%dma_start3A_82, %dma_start3A_83, %dma_start3A_92] : memref<32x50x16xi32, #tpu.memory_space<vmem>> -> memref<1x1x16xi32, #tpu.memory_space<vmem>>
    %dma_start3A_94 = tpu.memref_squeeze %dma_start3A_93 : memref<1x1x16xi32, #tpu.memory_space<vmem>> -> memref<16xi32, #tpu.memory_space<vmem>>
    %dma_start3A_95 = arith.constant 0 : i32
    %dma_start3A_96 = arith.constant 0 : i32
    %dma_start3A_97 = tpu.memref_slice %arg3[%dma_start3A_95, %dma_start3A_96] : memref<100000x64xf32, #tpu.memory_space<hbm>> -> memref<100000x64xf32, #tpu.memory_space<hbm>>
    tpu.enqueue_indirect_dma source(%dma_start3A_97 : memref<100000x64xf32, #tpu.memory_space<hbm>>) target(%dma_start3A_91 : memref<16x64xf32, #tpu.memory_space<vmem>>) offsets(%dma_start3A_94 : memref<16xi32, #tpu.memory_space<vmem>>) semaphore(%arg7 : memref<!tpu.dma_semaphore, #tpu.memory_space<semaphore_mem>>)
    %dma_start3A_98 = arith.constant 0 : i32
    %dma_start3A_99 = arith.constant 6 : i32
    %dma_start3A_100 = arith.constant 0 : i32
    %dma_start3A_101 = arith.constant 0 : i32
    %dma_start3A_102 = arith.constant 0 : i32
    %dma_start3A_103 = tpu.memref_slice %arg6[%dma_start3A_100, %dma_start3A_101, %dma_start3A_102] : memref<5x160x64xf32, #tpu.memory_space<vmem>> -> memref<1x160x64xf32, #tpu.memory_space<vmem>>
    %dma_start3A_104 = tpu.memref_squeeze %dma_start3A_103 : memref<1x160x64xf32, #tpu.memory_space<vmem>> -> memref<160x64xf32, #tpu.memory_space<vmem>>
    %dma_start3A_105 = arith.constant 96 : i32
    %dma_start3A_106 = arith.constant 0 : i32
    %dma_start3A_107 = tpu.memref_slice %dma_start3A_104[%dma_start3A_105, %dma_start3A_106] : memref<160x64xf32, #tpu.memory_space<vmem>> -> memref<16x64xf32, #tpu.memory_space<vmem>>
    %dma_start3A_108 = arith.constant 0 : i32
    %dma_start3A_109 = tpu.memref_slice %arg5[%dma_start3A_98, %dma_start3A_99, %dma_start3A_108] : memref<32x50x16xi32, #tpu.memory_space<vmem>> -> memref<1x1x16xi32, #tpu.memory_space<vmem>>
    %dma_start3A_110 = tpu.memref_squeeze %dma_start3A_109 : memref<1x1x16xi32, #tpu.memory_space<vmem>> -> memref<16xi32, #tpu.memory_space<vmem>>
    %dma_start3A_111 = arith.constant 0 : i32
    %dma_start3A_112 = arith.constant 0 : i32
    %dma_start3A_113 = tpu.memref_slice %arg3[%dma_start3A_111, %dma_start3A_112] : memref<100000x64xf32, #tpu.memory_space<hbm>> -> memref<100000x64xf32, #tpu.memory_space<hbm>>
    tpu.enqueue_indirect_dma source(%dma_start3A_113 : memref<100000x64xf32, #tpu.memory_space<hbm>>) target(%dma_start3A_107 : memref<16x64xf32, #tpu.memory_space<vmem>>) offsets(%dma_start3A_110 : memref<16xi32, #tpu.memory_space<vmem>>) semaphore(%arg7 : memref<!tpu.dma_semaphore, #tpu.memory_space<semaphore_mem>>)
    %dma_start3A_114 = arith.constant 0 : i32
    %dma_start3A_115 = arith.constant 7 : i32
    %dma_start3A_116 = arith.constant 0 : i32
    %dma_start3A_117 = arith.constant 0 : i32
    %dma_start3A_118 = arith.constant 0 : i32
    %dma_start3A_119 = tpu.memref_slice %arg6[%dma_start3A_116, %dma_start3A_117, %dma_start3A_118] : memref<5x160x64xf32, #tpu.memory_space<vmem>> -> memref<1x160x64xf32, #tpu.memory_space<vmem>>
    %dma_start3A_120 = tpu.memref_squeeze %dma_start3A_119 : memref<1x160x64xf32, #tpu.memory_space<vmem>> -> memref<160x64xf32, #tpu.memory_space<vmem>>
    %dma_start3A_121 = arith.constant 112 : i32
    %dma_start3A_122 = arith.constant 0 : i32
    %dma_start3A_123 = tpu.memref_slice %dma_start3A_120[%dma_start3A_121, %dma_start3A_122] : memref<160x64xf32, #tpu.memory_space<vmem>> -> memref<16x64xf32, #tpu.memory_space<vmem>>
    %dma_start3A_124 = arith.constant 0 : i32
    %dma_start3A_125 = tpu.memref_slice %arg5[%dma_start3A_114, %dma_start3A_115, %dma_start3A_124] : memref<32x50x16xi32, #tpu.memory_space<vmem>> -> memref<1x1x16xi32, #tpu.memory_space<vmem>>
    %dma_start3A_126 = tpu.memref_squeeze %dma_start3A_125 : memref<1x1x16xi32, #tpu.memory_space<vmem>> -> memref<16xi32, #tpu.memory_space<vmem>>
    %dma_start3A_127 = arith.constant 0 : i32
    %dma_start3A_128 = arith.constant 0 : i32
    %dma_start3A_129 = tpu.memref_slice %arg3[%dma_start3A_127, %dma_start3A_128] : memref<100000x64xf32, #tpu.memory_space<hbm>> -> memref<100000x64xf32, #tpu.memory_space<hbm>>
    tpu.enqueue_indirect_dma source(%dma_start3A_129 : memref<100000x64xf32, #tpu.memory_space<hbm>>) target(%dma_start3A_123 : memref<16x64xf32, #tpu.memory_space<vmem>>) offsets(%dma_start3A_126 : memref<16xi32, #tpu.memory_space<vmem>>) semaphore(%arg7 : memref<!tpu.dma_semaphore, #tpu.memory_space<semaphore_mem>>)
    %dma_start3A_130 = arith.constant 0 : i32
    %dma_start3A_131 = arith.constant 8 : i32
    %dma_start3A_132 = arith.constant 0 : i32
    %dma_start3A_133 = arith.constant 0 : i32
    %dma_start3A_134 = arith.constant 0 : i32
    %dma_start3A_135 = tpu.memref_slice %arg6[%dma_start3A_132, %dma_start3A_133, %dma_start3A_134] : memref<5x160x64xf32, #tpu.memory_space<vmem>> -> memref<1x160x64xf32, #tpu.memory_space<vmem>>
    %dma_start3A_136 = tpu.memref_squeeze %dma_start3A_135 : memref<1x160x64xf32, #tpu.memory_space<vmem>> -> memref<160x64xf32, #tpu.memory_space<vmem>>
    %dma_start3A_137 = arith.constant 128 : i32
    %dma_start3A_138 = arith.constant 0 : i32
    %dma_start3A_139 = tpu.memref_slice %dma_start3A_136[%dma_start3A_137, %dma_start3A_138] : memref<160x64xf32, #tpu.memory_space<vmem>> -> memref<16x64xf32, #tpu.memory_space<vmem>>
    %dma_start3A_140 = arith.constant 0 : i32
    %dma_start3A_141 = tpu.memref_slice %arg5[%dma_start3A_130, %dma_start3A_131, %dma_start3A_140] : memref<32x50x16xi32, #tpu.memory_space<vmem>> -> memref<1x1x16xi32, #tpu.memory_space<vmem>>
    %dma_start3A_142 = tpu.memref_squeeze %dma_start3A_141 : memref<1x1x16xi32, #tpu.memory_space<vmem>> -> memref<16xi32, #tpu.memory_space<vmem>>
    %dma_start3A_143 = arith.constant 0 : i32
    %dma_start3A_144 = arith.constant 0 : i32
    %dma_start3A_145 = tpu.memref_slice %arg3[%dma_start3A_143, %dma_start3A_144] : memref<100000x64xf32, #tpu.memory_space<hbm>> -> memref<100000x64xf32, #tpu.memory_space<hbm>>
    tpu.enqueue_indirect_dma source(%dma_start3A_145 : memref<100000x64xf32, #tpu.memory_space<hbm>>) target(%dma_start3A_139 : memref<16x64xf32, #tpu.memory_space<vmem>>) offsets(%dma_start3A_142 : memref<16xi32, #tpu.memory_space<vmem>>) semaphore(%arg7 : memref<!tpu.dma_semaphore, #tpu.memory_space<semaphore_mem>>)
    %dma_start3A_146 = arith.constant 0 : i32
    %dma_start3A_147 = arith.constant 9 : i32
    %dma_start3A_148 = arith.constant 0 : i32
    %dma_start3A_149 = arith.constant 0 : i32
    %dma_start3A_150 = arith.constant 0 : i32
    %dma_start3A_151 = tpu.memref_slice %arg6[%dma_start3A_148, %dma_start3A_149, %dma_start3A_150] : memref<5x160x64xf32, #tpu.memory_space<vmem>> -> memref<1x160x64xf32, #tpu.memory_space<vmem>>
    %dma_start3A_152 = tpu.memref_squeeze %dma_start3A_151 : memref<1x160x64xf32, #tpu.memory_space<vmem>> -> memref<160x64xf32, #tpu.memory_space<vmem>>
    %dma_start3A_153 = arith.constant 144 : i32
    %dma_start3A_154 = arith.constant 0 : i32
    %dma_start3A_155 = tpu.memref_slice %dma_start3A_152[%dma_start3A_153, %dma_start3A_154] : memref<160x64xf32, #tpu.memory_space<vmem>> -> memref<16x64xf32, #tpu.memory_space<vmem>>
    %dma_start3A_156 = arith.constant 0 : i32
    %dma_start3A_157 = tpu.memref_slice %arg5[%dma_start3A_146, %dma_start3A_147, %dma_start3A_156] : memref<32x50x16xi32, #tpu.memory_space<vmem>> -> memref<1x1x16xi32, #tpu.memory_space<vmem>>
    %dma_start3A_158 = tpu.memref_squeeze %dma_start3A_157 : memref<1x1x16xi32, #tpu.memory_space<vmem>> -> memref<16xi32, #tpu.memory_space<vmem>>
    %dma_start3A_159 = arith.constant 0 : i32
    %dma_start3A_160 = arith.constant 0 : i32
    %dma_start3A_161 = tpu.memref_slice %arg3[%dma_start3A_159, %dma_start3A_160] : memref<100000x64xf32, #tpu.memory_space<hbm>> -> memref<100000x64xf32, #tpu.memory_space<hbm>>
    tpu.enqueue_indirect_dma source(%dma_start3A_161 : memref<100000x64xf32, #tpu.memory_space<hbm>>) target(%dma_start3A_155 : memref<16x64xf32, #tpu.memory_space<vmem>>) offsets(%dma_start3A_158 : memref<16xi32, #tpu.memory_space<vmem>>) semaphore(%arg7 : memref<!tpu.dma_semaphore, #tpu.memory_space<semaphore_mem>>)
    %dma_start3A_162 = arith.constant 0 : i32
    %dma_start3A_163 = arith.constant 10 : i32
    %dma_start3A_164 = arith.constant 1 : i32
    %dma_start3A_165 = arith.constant 0 : i32
    %dma_start3A_166 = arith.constant 0 : i32
    %dma_start3A_167 = tpu.memref_slice %arg6[%dma_start3A_164, %dma_start3A_165, %dma_start3A_166] : memref<5x160x64xf32, #tpu.memory_space<vmem>> -> memref<1x160x64xf32, #tpu.memory_space<vmem>>
    %dma_start3A_168 = tpu.memref_squeeze %dma_start3A_167 : memref<1x160x64xf32, #tpu.memory_space<vmem>> -> memref<160x64xf32, #tpu.memory_space<vmem>>
    %dma_start3A_169 = arith.constant 0 : i32
    %dma_start3A_170 = arith.constant 0 : i32
    %dma_start3A_171 = tpu.memref_slice %dma_start3A_168[%dma_start3A_169, %dma_start3A_170] : memref<160x64xf32, #tpu.memory_space<vmem>> -> memref<16x64xf32, #tpu.memory_space<vmem>>
    %dma_start3A_172 = arith.constant 0 : i32
    %dma_start3A_173 = tpu.memref_slice %arg5[%dma_start3A_162, %dma_start3A_163, %dma_start3A_172] : memref<32x50x16xi32, #tpu.memory_space<vmem>> -> memref<1x1x16xi32, #tpu.memory_space<vmem>>
    %dma_start3A_174 = tpu.memref_squeeze %dma_start3A_173 : memref<1x1x16xi32, #tpu.memory_space<vmem>> -> memref<16xi32, #tpu.memory_space<vmem>>
    %dma_start3A_175 = arith.constant 0 : i32
    %dma_start3A_176 = arith.constant 0 : i32
    %dma_start3A_177 = tpu.memref_slice %arg3[%dma_start3A_175, %dma_start3A_176] : memref<100000x64xf32, #tpu.memory_space<hbm>> -> memref<100000x64xf32, #tpu.memory_space<hbm>>
    tpu.enqueue_indirect_dma source(%dma_start3A_177 : memref<100000x64xf32, #tpu.memory_space<hbm>>) target(%dma_start3A_171 : memref<16x64xf32, #tpu.memory_space<vmem>>) offsets(%dma_start3A_174 : memref<16xi32, #tpu.memory_space<vmem>>) semaphore(%arg8 : memref<!tpu.dma_semaphore, #tpu.memory_space<semaphore_mem>>)
    %dma_start3A_178 = arith.constant 0 : i32
    %dma_start3A_179 = arith.constant 11 : i32
    %dma_start3A_180 = arith.constant 1 : i32
    %dma_start3A_181 = arith.constant 0 : i32
    %dma_start3A_182 = arith.constant 0 : i32
    %dma_start3A_183 = tpu.memref_slice %arg6[%dma_start3A_180, %dma_start3A_181, %dma_start3A_182] : memref<5x160x64xf32, #tpu.memory_space<vmem>> -> memref<1x160x64xf32, #tpu.memory_space<vmem>>
    %dma_start3A_184 = tpu.memref_squeeze %dma_start3A_183 : memref<1x160x64xf32, #tpu.memory_space<vmem>> -> memref<160x64xf32, #tpu.memory_space<vmem>>
    %dma_start3A_185 = arith.constant 16 : i32
    %dma_start3A_186 = arith.constant 0 : i32
    %dma_start3A_187 = tpu.memref_slice %dma_start3A_184[%dma_start3A_185, %dma_start3A_186] : memref<160x64xf32, #tpu.memory_space<vmem>> -> memref<16x64xf32, #tpu.memory_space<vmem>>
    %dma_start3A_188 = arith.constant 0 : i32
    %dma_start3A_189 = tpu.memref_slice %arg5[%dma_start3A_178, %dma_start3A_179, %dma_start3A_188] : memref<32x50x16xi32, #tpu.memory_space<vmem>> -> memref<1x1x16xi32, #tpu.memory_space<vmem>>
    %dma_start3A_190 = tpu.memref_squeeze %dma_start3A_189 : memref<1x1x16xi32, #tpu.memory_space<vmem>> -> memref<16xi32, #tpu.memory_space<vmem>>
    %dma_start3A_191 = arith.constant 0 : i32
    %dma_start3A_192 = arith.constant 0 : i32
    %dma_start3A_193 = tpu.memref_slice %arg3[%dma_start3A_191, %dma_start3A_192] : memref<100000x64xf32, #tpu.memory_space<hbm>> -> memref<100000x64xf32, #tpu.memory_space<hbm>>
    tpu.enqueue_indirect_dma source(%dma_start3A_193 : memref<100000x64xf32, #tpu.memory_space<hbm>>) target(%dma_start3A_187 : memref<16x64xf32, #tpu.memory_space<vmem>>) offsets(%dma_start3A_190 : memref<16xi32, #tpu.memory_space<vmem>>) semaphore(%arg8 : memref<!tpu.dma_semaphore, #tpu.memory_space<semaphore_mem>>)
    %dma_start3A_194 = arith.constant 0 : i32
    %dma_start3A_195 = arith.constant 12 : i32
    %dma_start3A_196 = arith.constant 1 : i32
    %dma_start3A_197 = arith.constant 0 : i32
    %dma_start3A_198 = arith.constant 0 : i32
    %dma_start3A_199 = tpu.memref_slice %arg6[%dma_start3A_196, %dma_start3A_197, %dma_start3A_198] : memref<5x160x64xf32, #tpu.memory_space<vmem>> -> memref<1x160x64xf32, #tpu.memory_space<vmem>>
    %dma_start3A_200 = tpu.memref_squeeze %dma_start3A_199 : memref<1x160x64xf32, #tpu.memory_space<vmem>> -> memref<160x64xf32, #tpu.memory_space<vmem>>
    %dma_start3A_201 = arith.constant 32 : i32
    %dma_start3A_202 = arith.constant 0 : i32
    %dma_start3A_203 = tpu.memref_slice %dma_start3A_200[%dma_start3A_201, %dma_start3A_202] : memref<160x64xf32, #tpu.memory_space<vmem>> -> memref<16x64xf32, #tpu.memory_space<vmem>>
    %dma_start3A_204 = arith.constant 0 : i32
    %dma_start3A_205 = tpu.memref_slice %arg5[%dma_start3A_194, %dma_start3A_195, %dma_start3A_204] : memref<32x50x16xi32, #tpu.memory_space<vmem>> -> memref<1x1x16xi32, #tpu.memory_space<vmem>>
    %dma_start3A_206 = tpu.memref_squeeze %dma_start3A_205 : memref<1x1x16xi32, #tpu.memory_space<vmem>> -> memref<16xi32, #tpu.memory_space<vmem>>
    %dma_start3A_207 = arith.constant 0 : i32
    %dma_start3A_208 = arith.constant 0 : i32
    %dma_start3A_209 = tpu.memref_slice %arg3[%dma_start3A_207, %dma_start3A_208] : memref<100000x64xf32, #tpu.memory_space<hbm>> -> memref<100000x64xf32, #tpu.memory_space<hbm>>
    tpu.enqueue_indirect_dma source(%dma_start3A_209 : memref<100000x64xf32, #tpu.memory_space<hbm>>) target(%dma_start3A_203 : memref<16x64xf32, #tpu.memory_space<vmem>>) offsets(%dma_start3A_206 : memref<16xi32, #tpu.memory_space<vmem>>) semaphore(%arg8 : memref<!tpu.dma_semaphore, #tpu.memory_space<semaphore_mem>>)
    %dma_start3A_210 = arith.constant 0 : i32
    %dma_start3A_211 = arith.constant 13 : i32
    %dma_start3A_212 = arith.constant 1 : i32
    %dma_start3A_213 = arith.constant 0 : i32
    %dma_start3A_214 = arith.constant 0 : i32
    %dma_start3A_215 = tpu.memref_slice %arg6[%dma_start3A_212, %dma_start3A_213, %dma_start3A_214] : memref<5x160x64xf32, #tpu.memory_space<vmem>> -> memref<1x160x64xf32, #tpu.memory_space<vmem>>
    %dma_start3A_216 = tpu.memref_squeeze %dma_start3A_215 : memref<1x160x64xf32, #tpu.memory_space<vmem>> -> memref<160x64xf32, #tpu.memory_space<vmem>>
    %dma_start3A_217 = arith.constant 48 : i32
    %dma_start3A_218 = arith.constant 0 : i32
    %dma_start3A_219 = tpu.memref_slice %dma_start3A_216[%dma_start3A_217, %dma_start3A_218] : memref<160x64xf32, #tpu.memory_space<vmem>> -> memref<16x64xf32, #tpu.memory_space<vmem>>
    %dma_start3A_220 = arith.constant 0 : i32
    %dma_start3A_221 = tpu.memref_slice %arg5[%dma_start3A_210, %dma_start3A_211, %dma_start3A_220] : memref<32x50x16xi32, #tpu.memory_space<vmem>> -> memref<1x1x16xi32, #tpu.memory_space<vmem>>
    %dma_start3A_222 = tpu.memref_squeeze %dma_start3A_221 : memref<1x1x16xi32, #tpu.memory_space<vmem>> -> memref<16xi32, #tpu.memory_space<vmem>>
    %dma_start3A_223 = arith.constant 0 : i32
    %dma_start3A_224 = arith.constant 0 : i32
    %dma_start3A_225 = tpu.memref_slice %arg3[%dma_start3A_223, %dma_start3A_224] : memref<100000x64xf32, #tpu.memory_space<hbm>> -> memref<100000x64xf32, #tpu.memory_space<hbm>>
    tpu.enqueue_indirect_dma source(%dma_start3A_225 : memref<100000x64xf32, #tpu.memory_space<hbm>>) target(%dma_start3A_219 : memref<16x64xf32, #tpu.memory_space<vmem>>) offsets(%dma_start3A_222 : memref<16xi32, #tpu.memory_space<vmem>>) semaphore(%arg8 : memref<!tpu.dma_semaphore, #tpu.memory_space<semaphore_mem>>)
    %dma_start3A_226 = arith.constant 0 : i32
    %dma_start3A_227 = arith.constant 14 : i32
    %dma_start3A_228 = arith.constant 1 : i32
    %dma_start3A_229 = arith.constant 0 : i32
    %dma_start3A_230 = arith.constant 0 : i32
    %dma_start3A_231 = tpu.memref_slice %arg6[%dma_start3A_228, %dma_start3A_229, %dma_start3A_230] : memref<5x160x64xf32, #tpu.memory_space<vmem>> -> memref<1x160x64xf32, #tpu.memory_space<vmem>>
    %dma_start3A_232 = tpu.memref_squeeze %dma_start3A_231 : memref<1x160x64xf32, #tpu.memory_space<vmem>> -> memref<160x64xf32, #tpu.memory_space<vmem>>
    %dma_start3A_233 = arith.constant 64 : i32
    %dma_start3A_234 = arith.constant 0 : i32
    %dma_start3A_235 = tpu.memref_slice %dma_start3A_232[%dma_start3A_233, %dma_start3A_234] : memref<160x64xf32, #tpu.memory_space<vmem>> -> memref<16x64xf32, #tpu.memory_space<vmem>>
    %dma_start3A_236 = arith.constant 0 : i32
    %dma_start3A_237 = tpu.memref_slice %arg5[%dma_start3A_226, %dma_start3A_227, %dma_start3A_236] : memref<32x50x16xi32, #tpu.memory_space<vmem>> -> memref<1x1x16xi32, #tpu.memory_space<vmem>>
    %dma_start3A_238 = tpu.memref_squeeze %dma_start3A_237 : memref<1x1x16xi32, #tpu.memory_space<vmem>> -> memref<16xi32, #tpu.memory_space<vmem>>
    %dma_start3A_239 = arith.constant 0 : i32
    %dma_start3A_240 = arith.constant 0 : i32
    %dma_start3A_241 = tpu.memref_slice %arg3[%dma_start3A_239, %dma_start3A_240] : memref<100000x64xf32, #tpu.memory_space<hbm>> -> memref<100000x64xf32, #tpu.memory_space<hbm>>
    tpu.enqueue_indirect_dma source(%dma_start3A_241 : memref<100000x64xf32, #tpu.memory_space<hbm>>) target(%dma_start3A_235 : memref<16x64xf32, #tpu.memory_space<vmem>>) offsets(%dma_start3A_238 : memref<16xi32, #tpu.memory_space<vmem>>) semaphore(%arg8 : memref<!tpu.dma_semaphore, #tpu.memory_space<semaphore_mem>>)
    %dma_start3A_242 = arith.constant 0 : i32
    %dma_start3A_243 = arith.constant 15 : i32
    %dma_start3A_244 = arith.constant 1 : i32
    %dma_start3A_245 = arith.constant 0 : i32
    %dma_start3A_246 = arith.constant 0 : i32
    %dma_start3A_247 = tpu.memref_slice %arg6[%dma_start3A_244, %dma_start3A_245, %dma_start3A_246] : memref<5x160x64xf32, #tpu.memory_space<vmem>> -> memref<1x160x64xf32, #tpu.memory_space<vmem>>
    %dma_start3A_248 = tpu.memref_squeeze %dma_start3A_247 : memref<1x160x64xf32, #tpu.memory_space<vmem>> -> memref<160x64xf32, #tpu.memory_space<vmem>>
    %dma_start3A_249 = arith.constant 80 : i32
    %dma_start3A_250 = arith.constant 0 : i32
    %dma_start3A_251 = tpu.memref_slice %dma_start3A_248[%dma_start3A_249, %dma_start3A_250] : memref<160x64xf32, #tpu.memory_space<vmem>> -> memref<16x64xf32, #tpu.memory_space<vmem>>
    %dma_start3A_252 = arith.constant 0 : i32
    %dma_start3A_253 = tpu.memref_slice %arg5[%dma_start3A_242, %dma_start3A_243, %dma_start3A_252] : memref<32x50x16xi32, #tpu.memory_space<vmem>> -> memref<1x1x16xi32, #tpu.memory_space<vmem>>
    %dma_start3A_254 = tpu.memref_squeeze %dma_start3A_253 : memref<1x1x16xi32, #tpu.memory_space<vmem>> -> memref<16xi32, #tpu.memory_space<vmem>>
    %dma_start3A_255 = arith.constant 0 : i32
    %dma_start3A_256 = arith.constant 0 : i32
    %dma_start3A_257 = tpu.memref_slice %arg3[%dma_start3A_255, %dma_start3A_256] : memref<100000x64xf32, #tpu.memory_space<hbm>> -> memref<100000x64xf32, #tpu.memory_space<hbm>>
    tpu.enqueue_indirect_dma source(%dma_start3A_257 : memref<100000x64xf32, #tpu.memory_space<hbm>>) target(%dma_start3A_251 : memref<16x64xf32, #tpu.memory_space<vmem>>) offsets(%dma_start3A_254 : memref<16xi32, #tpu.memory_space<vmem>>) semaphore(%arg8 : memref<!tpu.dma_semaphore, #tpu.memory_space<semaphore_mem>>)
    %dma_start3A_258 = arith.constant 0 : i32
    %dma_start3A_259 = arith.constant 16 : i32
    %dma_start3A_260 = arith.constant 1 : i32
    %dma_start3A_261 = arith.constant 0 : i32
    %dma_start3A_262 = arith.constant 0 : i32
    %dma_start3A_263 = tpu.memref_slice %arg6[%dma_start3A_260, %dma_start3A_261, %dma_start3A_262] : memref<5x160x64xf32, #tpu.memory_space<vmem>> -> memref<1x160x64xf32, #tpu.memory_space<vmem>>
    %dma_start3A_264 = tpu.memref_squeeze %dma_start3A_263 : memref<1x160x64xf32, #tpu.memory_space<vmem>> -> memref<160x64xf32, #tpu.memory_space<vmem>>
    %dma_start3A_265 = arith.constant 96 : i32
    %dma_start3A_266 = arith.constant 0 : i32
    %dma_start3A_267 = tpu.memref_slice %dma_start3A_264[%dma_start3A_265, %dma_start3A_266] : memref<160x64xf32, #tpu.memory_space<vmem>> -> memref<16x64xf32, #tpu.memory_space<vmem>>
    %dma_start3A_268 = arith.constant 0 : i32
    %dma_start3A_269 = tpu.memref_slice %arg5[%dma_start3A_258, %dma_start3A_259, %dma_start3A_268] : memref<32x50x16xi32, #tpu.memory_space<vmem>> -> memref<1x1x16xi32, #tpu.memory_space<vmem>>
    %dma_start3A_270 = tpu.memref_squeeze %dma_start3A_269 : memref<1x1x16xi32, #tpu.memory_space<vmem>> -> memref<16xi32, #tpu.memory_space<vmem>>
    %dma_start3A_271 = arith.constant 0 : i32
    %dma_start3A_272 = arith.constant 0 : i32
    %dma_start3A_273 = tpu.memref_slice %arg3[%dma_start3A_271, %dma_start3A_272] : memref<100000x64xf32, #tpu.memory_space<hbm>> -> memref<100000x64xf32, #tpu.memory_space<hbm>>
    tpu.enqueue_indirect_dma source(%dma_start3A_273 : memref<100000x64xf32, #tpu.memory_space<hbm>>) target(%dma_start3A_267 : memref<16x64xf32, #tpu.memory_space<vmem>>) offsets(%dma_start3A_270 : memref<16xi32, #tpu.memory_space<vmem>>) semaphore(%arg8 : memref<!tpu.dma_semaphore, #tpu.memory_space<semaphore_mem>>)
    %dma_start3A_274 = arith.constant 0 : i32
    %dma_start3A_275 = arith.constant 17 : i32
    %dma_start3A_276 = arith.constant 1 : i32
    %dma_start3A_277 = arith.constant 0 : i32
    %dma_start3A_278 = arith.constant 0 : i32
    %dma_start3A_279 = tpu.memref_slice %arg6[%dma_start3A_276, %dma_start3A_277, %dma_start3A_278] : memref<5x160x64xf32, #tpu.memory_space<vmem>> -> memref<1x160x64xf32, #tpu.memory_space<vmem>>
    %dma_start3A_280 = tpu.memref_squeeze %dma_start3A_279 : memref<1x160x64xf32, #tpu.memory_space<vmem>> -> memref<160x64xf32, #tpu.memory_space<vmem>>
    %dma_start3A_281 = arith.constant 112 : i32
    %dma_start3A_282 = arith.constant 0 : i32
    %dma_start3A_283 = tpu.memref_slice %dma_start3A_280[%dma_start3A_281, %dma_start3A_282] : memref<160x64xf32, #tpu.memory_space<vmem>> -> memref<16x64xf32, #tpu.memory_space<vmem>>
    %dma_start3A_284 = arith.constant 0 : i32
    %dma_start3A_285 = tpu.memref_slice %arg5[%dma_start3A_274, %dma_start3A_275, %dma_start3A_284] : memref<32x50x16xi32, #tpu.memory_space<vmem>> -> memref<1x1x16xi32, #tpu.memory_space<vmem>>
    %dma_start3A_286 = tpu.memref_squeeze %dma_start3A_285 : memref<1x1x16xi32, #tpu.memory_space<vmem>> -> memref<16xi32, #tpu.memory_space<vmem>>
    %dma_start3A_287 = arith.constant 0 : i32
    %dma_start3A_288 = arith.constant 0 : i32
    %dma_start3A_289 = tpu.memref_slice %arg3[%dma_start3A_287, %dma_start3A_288] : memref<100000x64xf32, #tpu.memory_space<hbm>> -> memref<100000x64xf32, #tpu.memory_space<hbm>>
    tpu.enqueue_indirect_dma source(%dma_start3A_289 : memref<100000x64xf32, #tpu.memory_space<hbm>>) target(%dma_start3A_283 : memref<16x64xf32, #tpu.memory_space<vmem>>) offsets(%dma_start3A_286 : memref<16xi32, #tpu.memory_space<vmem>>) semaphore(%arg8 : memref<!tpu.dma_semaphore, #tpu.memory_space<semaphore_mem>>)
    %dma_start3A_290 = arith.constant 0 : i32
    %dma_start3A_291 = arith.constant 18 : i32
    %dma_start3A_292 = arith.constant 1 : i32
    %dma_start3A_293 = arith.constant 0 : i32
    %dma_start3A_294 = arith.constant 0 : i32
    %dma_start3A_295 = tpu.memref_slice %arg6[%dma_start3A_292, %dma_start3A_293, %dma_start3A_294] : memref<5x160x64xf32, #tpu.memory_space<vmem>> -> memref<1x160x64xf32, #tpu.memory_space<vmem>>
    %dma_start3A_296 = tpu.memref_squeeze %dma_start3A_295 : memref<1x160x64xf32, #tpu.memory_space<vmem>> -> memref<160x64xf32, #tpu.memory_space<vmem>>
    %dma_start3A_297 = arith.constant 128 : i32
    %dma_start3A_298 = arith.constant 0 : i32
    %dma_start3A_299 = tpu.memref_slice %dma_start3A_296[%dma_start3A_297, %dma_start3A_298] : memref<160x64xf32, #tpu.memory_space<vmem>> -> memref<16x64xf32, #tpu.memory_space<vmem>>
    %dma_start3A_300 = arith.constant 0 : i32
    %dma_start3A_301 = tpu.memref_slice %arg5[%dma_start3A_290, %dma_start3A_291, %dma_start3A_300] : memref<32x50x16xi32, #tpu.memory_space<vmem>> -> memref<1x1x16xi32, #tpu.memory_space<vmem>>
    %dma_start3A_302 = tpu.memref_squeeze %dma_start3A_301 : memref<1x1x16xi32, #tpu.memory_space<vmem>> -> memref<16xi32, #tpu.memory_space<vmem>>
    %dma_start3A_303 = arith.constant 0 : i32
    %dma_start3A_304 = arith.constant 0 : i32
    %dma_start3A_305 = tpu.memref_slice %arg3[%dma_start3A_303, %dma_start3A_304] : memref<100000x64xf32, #tpu.memory_space<hbm>> -> memref<100000x64xf32, #tpu.memory_space<hbm>>
    tpu.enqueue_indirect_dma source(%dma_start3A_305 : memref<100000x64xf32, #tpu.memory_space<hbm>>) target(%dma_start3A_299 : memref<16x64xf32, #tpu.memory_space<vmem>>) offsets(%dma_start3A_302 : memref<16xi32, #tpu.memory_space<vmem>>) semaphore(%arg8 : memref<!tpu.dma_semaphore, #tpu.memory_space<semaphore_mem>>)
    %dma_start3A_306 = arith.constant 0 : i32
    %dma_start3A_307 = arith.constant 19 : i32
    %dma_start3A_308 = arith.constant 1 : i32
    %dma_start3A_309 = arith.constant 0 : i32
    %dma_start3A_310 = arith.constant 0 : i32
    %dma_start3A_311 = tpu.memref_slice %arg6[%dma_start3A_308, %dma_start3A_309, %dma_start3A_310] : memref<5x160x64xf32, #tpu.memory_space<vmem>> -> memref<1x160x64xf32, #tpu.memory_space<vmem>>
    %dma_start3A_312 = tpu.memref_squeeze %dma_start3A_311 : memref<1x160x64xf32, #tpu.memory_space<vmem>> -> memref<160x64xf32, #tpu.memory_space<vmem>>
    %dma_start3A_313 = arith.constant 144 : i32
    %dma_start3A_314 = arith.constant 0 : i32
    %dma_start3A_315 = tpu.memref_slice %dma_start3A_312[%dma_start3A_313, %dma_start3A_314] : memref<160x64xf32, #tpu.memory_space<vmem>> -> memref<16x64xf32, #tpu.memory_space<vmem>>
    %dma_start3A_316 = arith.constant 0 : i32
    %dma_start3A_317 = tpu.memref_slice %arg5[%dma_start3A_306, %dma_start3A_307, %dma_start3A_316] : memref<32x50x16xi32, #tpu.memory_space<vmem>> -> memref<1x1x16xi32, #tpu.memory_space<vmem>>
    %dma_start3A_318 = tpu.memref_squeeze %dma_start3A_317 : memref<1x1x16xi32, #tpu.memory_space<vmem>> -> memref<16xi32, #tpu.memory_space<vmem>>
    %dma_start3A_319 = arith.constant 0 : i32
    %dma_start3A_320 = arith.constant 0 : i32
    %dma_start3A_321 = tpu.memref_slice %arg3[%dma_start3A_319, %dma_start3A_320] : memref<100000x64xf32, #tpu.memory_space<hbm>> -> memref<100000x64xf32, #tpu.memory_space<hbm>>
    tpu.enqueue_indirect_dma source(%dma_start3A_321 : memref<100000x64xf32, #tpu.memory_space<hbm>>) target(%dma_start3A_315 : memref<16x64xf32, #tpu.memory_space<vmem>>) offsets(%dma_start3A_318 : memref<16xi32, #tpu.memory_space<vmem>>) semaphore(%arg8 : memref<!tpu.dma_semaphore, #tpu.memory_space<semaphore_mem>>)
    %dma_start3A_322 = arith.constant 0 : i32
    %dma_start3A_323 = arith.constant 20 : i32
    %dma_start3A_324 = arith.constant 2 : i32
    %dma_start3A_325 = arith.constant 0 : i32
    %dma_start3A_326 = arith.constant 0 : i32
    %dma_start3A_327 = tpu.memref_slice %arg6[%dma_start3A_324, %dma_start3A_325, %dma_start3A_326] : memref<5x160x64xf32, #tpu.memory_space<vmem>> -> memref<1x160x64xf32, #tpu.memory_space<vmem>>
    %dma_start3A_328 = tpu.memref_squeeze %dma_start3A_327 : memref<1x160x64xf32, #tpu.memory_space<vmem>> -> memref<160x64xf32, #tpu.memory_space<vmem>>
    %dma_start3A_329 = arith.constant 0 : i32
    %dma_start3A_330 = arith.constant 0 : i32
    %dma_start3A_331 = tpu.memref_slice %dma_start3A_328[%dma_start3A_329, %dma_start3A_330] : memref<160x64xf32, #tpu.memory_space<vmem>> -> memref<16x64xf32, #tpu.memory_space<vmem>>
    %dma_start3A_332 = arith.constant 0 : i32
    %dma_start3A_333 = tpu.memref_slice %arg5[%dma_start3A_322, %dma_start3A_323, %dma_start3A_332] : memref<32x50x16xi32, #tpu.memory_space<vmem>> -> memref<1x1x16xi32, #tpu.memory_space<vmem>>
    %dma_start3A_334 = tpu.memref_squeeze %dma_start3A_333 : memref<1x1x16xi32, #tpu.memory_space<vmem>> -> memref<16xi32, #tpu.memory_space<vmem>>
    %dma_start3A_335 = arith.constant 0 : i32
    %dma_start3A_336 = arith.constant 0 : i32
    %dma_start3A_337 = tpu.memref_slice %arg3[%dma_start3A_335, %dma_start3A_336] : memref<100000x64xf32, #tpu.memory_space<hbm>> -> memref<100000x64xf32, #tpu.memory_space<hbm>>
    tpu.enqueue_indirect_dma source(%dma_start3A_337 : memref<100000x64xf32, #tpu.memory_space<hbm>>) target(%dma_start3A_331 : memref<16x64xf32, #tpu.memory_space<vmem>>) offsets(%dma_start3A_334 : memref<16xi32, #tpu.memory_space<vmem>>) semaphore(%arg9 : memref<!tpu.dma_semaphore, #tpu.memory_space<semaphore_mem>>)
    %dma_start3A_338 = arith.constant 0 : i32
    %dma_start3A_339 = arith.constant 21 : i32
    %dma_start3A_340 = arith.constant 2 : i32
    %dma_start3A_341 = arith.constant 0 : i32
    %dma_start3A_342 = arith.constant 0 : i32
    %dma_start3A_343 = tpu.memref_slice %arg6[%dma_start3A_340, %dma_start3A_341, %dma_start3A_342] : memref<5x160x64xf32, #tpu.memory_space<vmem>> -> memref<1x160x64xf32, #tpu.memory_space<vmem>>
    %dma_start3A_344 = tpu.memref_squeeze %dma_start3A_343 : memref<1x160x64xf32, #tpu.memory_space<vmem>> -> memref<160x64xf32, #tpu.memory_space<vmem>>
    %dma_start3A_345 = arith.constant 16 : i32
    %dma_start3A_346 = arith.constant 0 : i32
    %dma_start3A_347 = tpu.memref_slice %dma_start3A_344[%dma_start3A_345, %dma_start3A_346] : memref<160x64xf32, #tpu.memory_space<vmem>> -> memref<16x64xf32, #tpu.memory_space<vmem>>
    %dma_start3A_348 = arith.constant 0 : i32
    %dma_start3A_349 = tpu.memref_slice %arg5[%dma_start3A_338, %dma_start3A_339, %dma_start3A_348] : memref<32x50x16xi32, #tpu.memory_space<vmem>> -> memref<1x1x16xi32, #tpu.memory_space<vmem>>
    %dma_start3A_350 = tpu.memref_squeeze %dma_start3A_349 : memref<1x1x16xi32, #tpu.memory_space<vmem>> -> memref<16xi32, #tpu.memory_space<vmem>>
    %dma_start3A_351 = arith.constant 0 : i32
    %dma_start3A_352 = arith.constant 0 : i32
    %dma_start3A_353 = tpu.memref_slice %arg3[%dma_start3A_351, %dma_start3A_352] : memref<100000x64xf32, #tpu.memory_space<hbm>> -> memref<100000x64xf32, #tpu.memory_space<hbm>>
    tpu.enqueue_indirect_dma source(%dma_start3A_353 : memref<100000x64xf32, #tpu.memory_space<hbm>>) target(%dma_start3A_347 : memref<16x64xf32, #tpu.memory_space<vmem>>) offsets(%dma_start3A_350 : memref<16xi32, #tpu.memory_space<vmem>>) semaphore(%arg9 : memref<!tpu.dma_semaphore, #tpu.memory_space<semaphore_mem>>)
    %dma_start3A_354 = arith.constant 0 : i32
    %dma_start3A_355 = arith.constant 22 : i32
    %dma_start3A_356 = arith.constant 2 : i32
    %dma_start3A_357 = arith.constant 0 : i32
    %dma_start3A_358 = arith.constant 0 : i32
    %dma_start3A_359 = tpu.memref_slice %arg6[%dma_start3A_356, %dma_start3A_357, %dma_start3A_358] : memref<5x160x64xf32, #tpu.memory_space<vmem>> -> memref<1x160x64xf32, #tpu.memory_space<vmem>>
    %dma_start3A_360 = tpu.memref_squeeze %dma_start3A_359 : memref<1x160x64xf32, #tpu.memory_space<vmem>> -> memref<160x64xf32, #tpu.memory_space<vmem>>
    %dma_start3A_361 = arith.constant 32 : i32
    %dma_start3A_362 = arith.constant 0 : i32
    %dma_start3A_363 = tpu.memref_slice %dma_start3A_360[%dma_start3A_361, %dma_start3A_362] : memref<160x64xf32, #tpu.memory_space<vmem>> -> memref<16x64xf32, #tpu.memory_space<vmem>>
    %dma_start3A_364 = arith.constant 0 : i32
    %dma_start3A_365 = tpu.memref_slice %arg5[%dma_start3A_354, %dma_start3A_355, %dma_start3A_364] : memref<32x50x16xi32, #tpu.memory_space<vmem>> -> memref<1x1x16xi32, #tpu.memory_space<vmem>>
    %dma_start3A_366 = tpu.memref_squeeze %dma_start3A_365 : memref<1x1x16xi32, #tpu.memory_space<vmem>> -> memref<16xi32, #tpu.memory_space<vmem>>
    %dma_start3A_367 = arith.constant 0 : i32
    %dma_start3A_368 = arith.constant 0 : i32
    %dma_start3A_369 = tpu.memref_slice %arg3[%dma_start3A_367, %dma_start3A_368] : memref<100000x64xf32, #tpu.memory_space<hbm>> -> memref<100000x64xf32, #tpu.memory_space<hbm>>
    tpu.enqueue_indirect_dma source(%dma_start3A_369 : memref<100000x64xf32, #tpu.memory_space<hbm>>) target(%dma_start3A_363 : memref<16x64xf32, #tpu.memory_space<vmem>>) offsets(%dma_start3A_366 : memref<16xi32, #tpu.memory_space<vmem>>) semaphore(%arg9 : memref<!tpu.dma_semaphore, #tpu.memory_space<semaphore_mem>>)
    %dma_start3A_370 = arith.constant 0 : i32
    %dma_start3A_371 = arith.constant 23 : i32
    %dma_start3A_372 = arith.constant 2 : i32
    %dma_start3A_373 = arith.constant 0 : i32
    %dma_start3A_374 = arith.constant 0 : i32
    %dma_start3A_375 = tpu.memref_slice %arg6[%dma_start3A_372, %dma_start3A_373, %dma_start3A_374] : memref<5x160x64xf32, #tpu.memory_space<vmem>> -> memref<1x160x64xf32, #tpu.memory_space<vmem>>
    %dma_start3A_376 = tpu.memref_squeeze %dma_start3A_375 : memref<1x160x64xf32, #tpu.memory_space<vmem>> -> memref<160x64xf32, #tpu.memory_space<vmem>>
    %dma_start3A_377 = arith.constant 48 : i32
    %dma_start3A_378 = arith.constant 0 : i32
    %dma_start3A_379 = tpu.memref_slice %dma_start3A_376[%dma_start3A_377, %dma_start3A_378] : memref<160x64xf32, #tpu.memory_space<vmem>> -> memref<16x64xf32, #tpu.memory_space<vmem>>
    %dma_start3A_380 = arith.constant 0 : i32
    %dma_start3A_381 = tpu.memref_slice %arg5[%dma_start3A_370, %dma_start3A_371, %dma_start3A_380] : memref<32x50x16xi32, #tpu.memory_space<vmem>> -> memref<1x1x16xi32, #tpu.memory_space<vmem>>
    %dma_start3A_382 = tpu.memref_squeeze %dma_start3A_381 : memref<1x1x16xi32, #tpu.memory_space<vmem>> -> memref<16xi32, #tpu.memory_space<vmem>>
    %dma_start3A_383 = arith.constant 0 : i32
    %dma_start3A_384 = arith.constant 0 : i32
    %dma_start3A_385 = tpu.memref_slice %arg3[%dma_start3A_383, %dma_start3A_384] : memref<100000x64xf32, #tpu.memory_space<hbm>> -> memref<100000x64xf32, #tpu.memory_space<hbm>>
    tpu.enqueue_indirect_dma source(%dma_start3A_385 : memref<100000x64xf32, #tpu.memory_space<hbm>>) target(%dma_start3A_379 : memref<16x64xf32, #tpu.memory_space<vmem>>) offsets(%dma_start3A_382 : memref<16xi32, #tpu.memory_space<vmem>>) semaphore(%arg9 : memref<!tpu.dma_semaphore, #tpu.memory_space<semaphore_mem>>)
    %dma_start3A_386 = arith.constant 0 : i32
    %dma_start3A_387 = arith.constant 24 : i32
    %dma_start3A_388 = arith.constant 2 : i32
    %dma_start3A_389 = arith.constant 0 : i32
    %dma_start3A_390 = arith.constant 0 : i32
    %dma_start3A_391 = tpu.memref_slice %arg6[%dma_start3A_388, %dma_start3A_389, %dma_start3A_390] : memref<5x160x64xf32, #tpu.memory_space<vmem>> -> memref<1x160x64xf32, #tpu.memory_space<vmem>>
    %dma_start3A_392 = tpu.memref_squeeze %dma_start3A_391 : memref<1x160x64xf32, #tpu.memory_space<vmem>> -> memref<160x64xf32, #tpu.memory_space<vmem>>
    %dma_start3A_393 = arith.constant 64 : i32
    %dma_start3A_394 = arith.constant 0 : i32
    %dma_start3A_395 = tpu.memref_slice %dma_start3A_392[%dma_start3A_393, %dma_start3A_394] : memref<160x64xf32, #tpu.memory_space<vmem>> -> memref<16x64xf32, #tpu.memory_space<vmem>>
    %dma_start3A_396 = arith.constant 0 : i32
    %dma_start3A_397 = tpu.memref_slice %arg5[%dma_start3A_386, %dma_start3A_387, %dma_start3A_396] : memref<32x50x16xi32, #tpu.memory_space<vmem>> -> memref<1x1x16xi32, #tpu.memory_space<vmem>>
    %dma_start3A_398 = tpu.memref_squeeze %dma_start3A_397 : memref<1x1x16xi32, #tpu.memory_space<vmem>> -> memref<16xi32, #tpu.memory_space<vmem>>
    %dma_start3A_399 = arith.constant 0 : i32
    %dma_start3A_400 = arith.constant 0 : i32
    %dma_start3A_401 = tpu.memref_slice %arg3[%dma_start3A_399, %dma_start3A_400] : memref<100000x64xf32, #tpu.memory_space<hbm>> -> memref<100000x64xf32, #tpu.memory_space<hbm>>
    tpu.enqueue_indirect_dma source(%dma_start3A_401 : memref<100000x64xf32, #tpu.memory_space<hbm>>) target(%dma_start3A_395 : memref<16x64xf32, #tpu.memory_space<vmem>>) offsets(%dma_start3A_398 : memref<16xi32, #tpu.memory_space<vmem>>) semaphore(%arg9 : memref<!tpu.dma_semaphore, #tpu.memory_space<semaphore_mem>>)
    %dma_start3A_402 = arith.constant 0 : i32
    %dma_start3A_403 = arith.constant 25 : i32
    %dma_start3A_404 = arith.constant 2 : i32
    %dma_start3A_405 = arith.constant 0 : i32
    %dma_start3A_406 = arith.constant 0 : i32
    %dma_start3A_407 = tpu.memref_slice %arg6[%dma_start3A_404, %dma_start3A_405, %dma_start3A_406] : memref<5x160x64xf32, #tpu.memory_space<vmem>> -> memref<1x160x64xf32, #tpu.memory_space<vmem>>
    %dma_start3A_408 = tpu.memref_squeeze %dma_start3A_407 : memref<1x160x64xf32, #tpu.memory_space<vmem>> -> memref<160x64xf32, #tpu.memory_space<vmem>>
    %dma_start3A_409 = arith.constant 80 : i32
    %dma_start3A_410 = arith.constant 0 : i32
    %dma_start3A_411 = tpu.memref_slice %dma_start3A_408[%dma_start3A_409, %dma_start3A_410] : memref<160x64xf32, #tpu.memory_space<vmem>> -> memref<16x64xf32, #tpu.memory_space<vmem>>
    %dma_start3A_412 = arith.constant 0 : i32
    %dma_start3A_413 = tpu.memref_slice %arg5[%dma_start3A_402, %dma_start3A_403, %dma_start3A_412] : memref<32x50x16xi32, #tpu.memory_space<vmem>> -> memref<1x1x16xi32, #tpu.memory_space<vmem>>
    %dma_start3A_414 = tpu.memref_squeeze %dma_start3A_413 : memref<1x1x16xi32, #tpu.memory_space<vmem>> -> memref<16xi32, #tpu.memory_space<vmem>>
    %dma_start3A_415 = arith.constant 0 : i32
    %dma_start3A_416 = arith.constant 0 : i32
    %dma_start3A_417 = tpu.memref_slice %arg3[%dma_start3A_415, %dma_start3A_416] : memref<100000x64xf32, #tpu.memory_space<hbm>> -> memref<100000x64xf32, #tpu.memory_space<hbm>>
    tpu.enqueue_indirect_dma source(%dma_start3A_417 : memref<100000x64xf32, #tpu.memory_space<hbm>>) target(%dma_start3A_411 : memref<16x64xf32, #tpu.memory_space<vmem>>) offsets(%dma_start3A_414 : memref<16xi32, #tpu.memory_space<vmem>>) semaphore(%arg9 : memref<!tpu.dma_semaphore, #tpu.memory_space<semaphore_mem>>)
    %dma_start3A_418 = arith.constant 0 : i32
    %dma_start3A_419 = arith.constant 26 : i32
    %dma_start3A_420 = arith.constant 2 : i32
    %dma_start3A_421 = arith.constant 0 : i32
    %dma_start3A_422 = arith.constant 0 : i32
    %dma_start3A_423 = tpu.memref_slice %arg6[%dma_start3A_420, %dma_start3A_421, %dma_start3A_422] : memref<5x160x64xf32, #tpu.memory_space<vmem>> -> memref<1x160x64xf32, #tpu.memory_space<vmem>>
    %dma_start3A_424 = tpu.memref_squeeze %dma_start3A_423 : memref<1x160x64xf32, #tpu.memory_space<vmem>> -> memref<160x64xf32, #tpu.memory_space<vmem>>
    %dma_start3A_425 = arith.constant 96 : i32
    %dma_start3A_426 = arith.constant 0 : i32
    %dma_start3A_427 = tpu.memref_slice %dma_start3A_424[%dma_start3A_425, %dma_start3A_426] : memref<160x64xf32, #tpu.memory_space<vmem>> -> memref<16x64xf32, #tpu.memory_space<vmem>>
    %dma_start3A_428 = arith.constant 0 : i32
    %dma_start3A_429 = tpu.memref_slice %arg5[%dma_start3A_418, %dma_start3A_419, %dma_start3A_428] : memref<32x50x16xi32, #tpu.memory_space<vmem>> -> memref<1x1x16xi32, #tpu.memory_space<vmem>>
    %dma_start3A_430 = tpu.memref_squeeze %dma_start3A_429 : memref<1x1x16xi32, #tpu.memory_space<vmem>> -> memref<16xi32, #tpu.memory_space<vmem>>
    %dma_start3A_431 = arith.constant 0 : i32
    %dma_start3A_432 = arith.constant 0 : i32
    %dma_start3A_433 = tpu.memref_slice %arg3[%dma_start3A_431, %dma_start3A_432] : memref<100000x64xf32, #tpu.memory_space<hbm>> -> memref<100000x64xf32, #tpu.memory_space<hbm>>
    tpu.enqueue_indirect_dma source(%dma_start3A_433 : memref<100000x64xf32, #tpu.memory_space<hbm>>) target(%dma_start3A_427 : memref<16x64xf32, #tpu.memory_space<vmem>>) offsets(%dma_start3A_430 : memref<16xi32, #tpu.memory_space<vmem>>) semaphore(%arg9 : memref<!tpu.dma_semaphore, #tpu.memory_space<semaphore_mem>>)
    %dma_start3A_434 = arith.constant 0 : i32
    %dma_start3A_435 = arith.constant 27 : i32
    %dma_start3A_436 = arith.constant 2 : i32
    %dma_start3A_437 = arith.constant 0 : i32
    %dma_start3A_438 = arith.constant 0 : i32
    %dma_start3A_439 = tpu.memref_slice %arg6[%dma_start3A_436, %dma_start3A_437, %dma_start3A_438] : memref<5x160x64xf32, #tpu.memory_space<vmem>> -> memref<1x160x64xf32, #tpu.memory_space<vmem>>
    %dma_start3A_440 = tpu.memref_squeeze %dma_start3A_439 : memref<1x160x64xf32, #tpu.memory_space<vmem>> -> memref<160x64xf32, #tpu.memory_space<vmem>>
    %dma_start3A_441 = arith.constant 112 : i32
    %dma_start3A_442 = arith.constant 0 : i32
    %dma_start3A_443 = tpu.memref_slice %dma_start3A_440[%dma_start3A_441, %dma_start3A_442] : memref<160x64xf32, #tpu.memory_space<vmem>> -> memref<16x64xf32, #tpu.memory_space<vmem>>
    %dma_start3A_444 = arith.constant 0 : i32
    %dma_start3A_445 = tpu.memref_slice %arg5[%dma_start3A_434, %dma_start3A_435, %dma_start3A_444] : memref<32x50x16xi32, #tpu.memory_space<vmem>> -> memref<1x1x16xi32, #tpu.memory_space<vmem>>
    %dma_start3A_446 = tpu.memref_squeeze %dma_start3A_445 : memref<1x1x16xi32, #tpu.memory_space<vmem>> -> memref<16xi32, #tpu.memory_space<vmem>>
    %dma_start3A_447 = arith.constant 0 : i32
    %dma_start3A_448 = arith.constant 0 : i32
    %dma_start3A_449 = tpu.memref_slice %arg3[%dma_start3A_447, %dma_start3A_448] : memref<100000x64xf32, #tpu.memory_space<hbm>> -> memref<100000x64xf32, #tpu.memory_space<hbm>>
    tpu.enqueue_indirect_dma source(%dma_start3A_449 : memref<100000x64xf32, #tpu.memory_space<hbm>>) target(%dma_start3A_443 : memref<16x64xf32, #tpu.memory_space<vmem>>) offsets(%dma_start3A_446 : memref<16xi32, #tpu.memory_space<vmem>>) semaphore(%arg9 : memref<!tpu.dma_semaphore, #tpu.memory_space<semaphore_mem>>)
    %dma_start3A_450 = arith.constant 0 : i32
    %dma_start3A_451 = arith.constant 28 : i32
    %dma_start3A_452 = arith.constant 2 : i32
    %dma_start3A_453 = arith.constant 0 : i32
    %dma_start3A_454 = arith.constant 0 : i32
    %dma_start3A_455 = tpu.memref_slice %arg6[%dma_start3A_452, %dma_start3A_453, %dma_start3A_454] : memref<5x160x64xf32, #tpu.memory_space<vmem>> -> memref<1x160x64xf32, #tpu.memory_space<vmem>>
    %dma_start3A_456 = tpu.memref_squeeze %dma_start3A_455 : memref<1x160x64xf32, #tpu.memory_space<vmem>> -> memref<160x64xf32, #tpu.memory_space<vmem>>
    %dma_start3A_457 = arith.constant 128 : i32
    %dma_start3A_458 = arith.constant 0 : i32
    %dma_start3A_459 = tpu.memref_slice %dma_start3A_456[%dma_start3A_457, %dma_start3A_458] : memref<160x64xf32, #tpu.memory_space<vmem>> -> memref<16x64xf32, #tpu.memory_space<vmem>>
    %dma_start3A_460 = arith.constant 0 : i32
    %dma_start3A_461 = tpu.memref_slice %arg5[%dma_start3A_450, %dma_start3A_451, %dma_start3A_460] : memref<32x50x16xi32, #tpu.memory_space<vmem>> -> memref<1x1x16xi32, #tpu.memory_space<vmem>>
    %dma_start3A_462 = tpu.memref_squeeze %dma_start3A_461 : memref<1x1x16xi32, #tpu.memory_space<vmem>> -> memref<16xi32, #tpu.memory_space<vmem>>
    %dma_start3A_463 = arith.constant 0 : i32
    %dma_start3A_464 = arith.constant 0 : i32
    %dma_start3A_465 = tpu.memref_slice %arg3[%dma_start3A_463, %dma_start3A_464] : memref<100000x64xf32, #tpu.memory_space<hbm>> -> memref<100000x64xf32, #tpu.memory_space<hbm>>
    tpu.enqueue_indirect_dma source(%dma_start3A_465 : memref<100000x64xf32, #tpu.memory_space<hbm>>) target(%dma_start3A_459 : memref<16x64xf32, #tpu.memory_space<vmem>>) offsets(%dma_start3A_462 : memref<16xi32, #tpu.memory_space<vmem>>) semaphore(%arg9 : memref<!tpu.dma_semaphore, #tpu.memory_space<semaphore_mem>>)
    %dma_start3A_466 = arith.constant 0 : i32
    %dma_start3A_467 = arith.constant 29 : i32
    %dma_start3A_468 = arith.constant 2 : i32
    %dma_start3A_469 = arith.constant 0 : i32
    %dma_start3A_470 = arith.constant 0 : i32
    %dma_start3A_471 = tpu.memref_slice %arg6[%dma_start3A_468, %dma_start3A_469, %dma_start3A_470] : memref<5x160x64xf32, #tpu.memory_space<vmem>> -> memref<1x160x64xf32, #tpu.memory_space<vmem>>
    %dma_start3A_472 = tpu.memref_squeeze %dma_start3A_471 : memref<1x160x64xf32, #tpu.memory_space<vmem>> -> memref<160x64xf32, #tpu.memory_space<vmem>>
    %dma_start3A_473 = arith.constant 144 : i32
    %dma_start3A_474 = arith.constant 0 : i32
    %dma_start3A_475 = tpu.memref_slice %dma_start3A_472[%dma_start3A_473, %dma_start3A_474] : memref<160x64xf32, #tpu.memory_space<vmem>> -> memref<16x64xf32, #tpu.memory_space<vmem>>
    %dma_start3A_476 = arith.constant 0 : i32
    %dma_start3A_477 = tpu.memref_slice %arg5[%dma_start3A_466, %dma_start3A_467, %dma_start3A_476] : memref<32x50x16xi32, #tpu.memory_space<vmem>> -> memref<1x1x16xi32, #tpu.memory_space<vmem>>
    %dma_start3A_478 = tpu.memref_squeeze %dma_start3A_477 : memref<1x1x16xi32, #tpu.memory_space<vmem>> -> memref<16xi32, #tpu.memory_space<vmem>>
    %dma_start3A_479 = arith.constant 0 : i32
    %dma_start3A_480 = arith.constant 0 : i32
    %dma_start3A_481 = tpu.memref_slice %arg3[%dma_start3A_479, %dma_start3A_480] : memref<100000x64xf32, #tpu.memory_space<hbm>> -> memref<100000x64xf32, #tpu.memory_space<hbm>>
    tpu.enqueue_indirect_dma source(%dma_start3A_481 : memref<100000x64xf32, #tpu.memory_space<hbm>>) target(%dma_start3A_475 : memref<16x64xf32, #tpu.memory_space<vmem>>) offsets(%dma_start3A_478 : memref<16xi32, #tpu.memory_space<vmem>>) semaphore(%arg9 : memref<!tpu.dma_semaphore, #tpu.memory_space<semaphore_mem>>)
    %scan3A = arith.constant 0 : i32
    %scan3A_482 = arith.constant 0 : i32
    %scan3A_483 = arith.constant 32 : i32
    %scan3A_484 = arith.addi %scan3A_482, %scan3A_483 : i32
    %scan3A_485 = arith.constant 1 : i32
    scf.for %scan3A_591 = %scan3A_482 to %scan3A_484 step %scan3A_485  : i32 {
      %mul3A_592 = arith.constant 5 : i32
      %mul3A_593 = arith.muli %scan3A_591, %mul3A_592 : i32
      %add3A_594 = arith.constant 0 : i32
      %add3A_595 = arith.addi %mul3A_593, %add3A_594 : i32
      %dma_wait3A_596 = arith.constant 0 : i32
      %dma_wait3A_597 = arith.constant 0 : i32
      %dma_wait3A_598 = arith.constant 0 : i32
      %dma_wait3A_599 = tpu.memref_slice %arg6[%dma_wait3A_596, %dma_wait3A_597, %dma_wait3A_598] : memref<5x160x64xf32, #tpu.memory_space<vmem>> -> memref<1x160x64xf32, #tpu.memory_space<vmem>>
      %dma_wait3A_600 = tpu.memref_squeeze %dma_wait3A_599 : memref<1x160x64xf32, #tpu.memory_space<vmem>> -> memref<160x64xf32, #tpu.memory_space<vmem>>
      %dma_wait3A_601 = arith.constant 0 : i32
      %dma_wait3A_602 = arith.constant 0 : i32
      %dma_wait3A_603 = tpu.memref_slice %arg3[%dma_wait3A_601, %dma_wait3A_602] : memref<100000x64xf32, #tpu.memory_space<hbm>> -> memref<160x64xf32, #tpu.memory_space<hbm>>
      %dma_wait3A_604 = arith.constant 0 : i32
      %dma_wait3A_605 = arith.constant 0 : i32
      %dma_wait3A_606 = tpu.memref_slice %arg6[%dma_wait3A_596, %dma_wait3A_604, %dma_wait3A_605] : memref<5x160x64xf32, #tpu.memory_space<vmem>> -> memref<1x160x64xf32, #tpu.memory_space<vmem>>
      %dma_wait3A_607 = tpu.memref_squeeze %dma_wait3A_606 : memref<1x160x64xf32, #tpu.memory_space<vmem>> -> memref<160x64xf32, #tpu.memory_space<vmem>>
      %dma_wait3A_608 = arith.constant 0 : i32
      %dma_wait3A_609 = arith.constant 0 : i32
      %dma_wait3A_610 = tpu.memref_slice %arg3[%dma_wait3A_608, %dma_wait3A_609] : memref<100000x64xf32, #tpu.memory_space<hbm>> -> memref<160x64xf32, #tpu.memory_space<hbm>>
      tpu.wait_dma2 semaphore(%arg7 : memref<!tpu.dma_semaphore, #tpu.memory_space<semaphore_mem>>) src(%dma_wait3A_610 : memref<160x64xf32, #tpu.memory_space<hbm>>) dst(%dma_wait3A_607 : memref<160x64xf32, #tpu.memory_space<vmem>>)
      %jit3A = arith.constant 5 : i32
      %div3A = arith.divsi %add3A_595, %jit3A : i32
      %sign3A = arith.constant 0 : i32
      %sign3A_611 = arith.cmpi sgt, %add3A_595, %sign3A : i32
      %sign3A_612 = arith.extui %sign3A_611 : i1 to i32
      %sign3A_613 = arith.constant 0 : i32
      %sign3A_614 = arith.cmpi slt, %add3A_595, %sign3A_613 : i32
      %sign3A_615 = arith.extui %sign3A_614 : i1 to i32
      %sign3A_616 = arith.subi %sign3A_612, %sign3A_615 : i32
      %sign3A_617 = arith.constant 0 : i32
      %sign3A_618 = arith.cmpi sgt, %jit3A, %sign3A_617 : i32
      %sign3A_619 = arith.extui %sign3A_618 : i1 to i32
      %sign3A_620 = arith.constant 0 : i32
      %sign3A_621 = arith.cmpi slt, %jit3A, %sign3A_620 : i32
      %sign3A_622 = arith.extui %sign3A_621 : i1 to i32
      %sign3A_623 = arith.subi %sign3A_619, %sign3A_622 : i32
      %ne3A = arith.cmpi ne, %sign3A_616, %sign3A_623 : i32
      %rem3A = arith.remsi %add3A_595, %jit3A : i32
      %ne3A_624 = arith.constant 0 : i32
      %ne3A_625 = arith.cmpi ne, %rem3A, %ne3A_624 : i32
      %and3A = arith.andi %ne3A, %ne3A_625 : i1
      %sub3A = arith.constant 1 : i32
      %sub3A_626 = arith.subi %div3A, %sub3A : i32
      %select_n3A = arith.select %and3A, %sub3A_626, %div3A : i32
      %add3A_627 = arith.addi %mul3A_2, %select_n3A : i32
      %mul3A_628 = arith.constant 50 : i32
      %mul3A_629 = arith.muli %add3A_627, %mul3A_628 : i32
      %mul3A_630 = arith.constant 16 : i32
      %mul3A_631 = arith.muli %mul3A_629, %mul3A_630 : i32
      %jit3A_632 = arith.constant 5 : i32
      %eq3A = arith.constant 0 : i32
      %eq3A_633 = arith.cmpi eq, %jit3A_632, %eq3A : i32
      %jit3A_634 = arith.constant 1 : i32
      %select_n3A_635 = arith.select %eq3A_633, %jit3A_634, %jit3A_632 : i32
      %rem3A_636 = arith.remsi %add3A_595, %select_n3A_635 : i32
      %ne3A_637 = arith.constant 0 : i32
      %ne3A_638 = arith.cmpi ne, %rem3A_636, %ne3A_637 : i32
      %lt3A = arith.constant 0 : i32
      %lt3A_639 = arith.cmpi slt, %rem3A_636, %lt3A : i32
      %lt3A_640 = arith.constant 0 : i32
      %lt3A_641 = arith.cmpi slt, %select_n3A_635, %lt3A_640 : i32
      %ne3A_642 = arith.xori %lt3A_639, %lt3A_641 : i1
      %and3A_643 = arith.andi %ne3A_642, %ne3A_638 : i1
      %add3A_644 = arith.addi %rem3A_636, %select_n3A_635 : i32
      %select_n3A_645 = arith.select %and3A_643, %add3A_644, %rem3A_636 : i32
      %mul3A_646 = arith.constant 10 : i32
      %mul3A_647 = arith.muli %select_n3A_645, %mul3A_646 : i32
      %mul3A_648 = arith.constant 16 : i32
      %mul3A_649 = arith.muli %mul3A_647, %mul3A_648 : i32
      %add3A_650 = arith.addi %mul3A_631, %mul3A_649 : i32
      %dma_start3A_651 = arith.constant 0 : i32
      %dma_start3A_652 = arith.constant 0 : i32
      %dma_start3A_653 = arith.constant 0 : i32
      %dma_start3A_654 = tpu.memref_slice %arg6[%dma_start3A_651, %dma_start3A_652, %dma_start3A_653] : memref<5x160x64xf32, #tpu.memory_space<vmem>> -> memref<1x160x64xf32, #tpu.memory_space<vmem>>
      %dma_start3A_655 = tpu.memref_squeeze %dma_start3A_654 : memref<1x160x64xf32, #tpu.memory_space<vmem>> -> memref<160x64xf32, #tpu.memory_space<vmem>>
      %dma_start3A_656 = arith.constant 0 : i32
      %dma_start3A_657 = tpu.memref_slice %arg4[%add3A_650, %dma_start3A_656] : memref<819200x128xf32, #tpu.memory_space<hbm>> -> memref<160x64xf32, #tpu.memory_space<hbm>>
      %dma_start3A_658 = arith.constant 0 : i32
      %dma_start3A_659 = tpu.memref_slice %arg4[%add3A_650, %dma_start3A_658] : memref<819200x128xf32, #tpu.memory_space<hbm>> -> memref<160x64xf32, #tpu.memory_space<hbm>>
      %dma_start3A_660 = arith.constant 0 : i32
      %dma_start3A_661 = arith.constant 0 : i32
      %dma_start3A_662 = tpu.memref_slice %arg6[%dma_start3A_651, %dma_start3A_660, %dma_start3A_661] : memref<5x160x64xf32, #tpu.memory_space<vmem>> -> memref<1x160x64xf32, #tpu.memory_space<vmem>>
      %dma_start3A_663 = tpu.memref_squeeze %dma_start3A_662 : memref<1x160x64xf32, #tpu.memory_space<vmem>> -> memref<160x64xf32, #tpu.memory_space<vmem>>
      tpu.enqueue_dma source(%dma_start3A_663 : memref<160x64xf32, #tpu.memory_space<vmem>>) target(%dma_start3A_659 : memref<160x64xf32, #tpu.memory_space<hbm>>) target_semaphore(%arg12 : memref<!tpu.dma_semaphore, #tpu.memory_space<semaphore_mem>>)
      %add3A_664 = arith.constant 3 : i32
      %add3A_665 = arith.addi %add3A_595, %add3A_664 : i32
      %lt3A_666 = arith.constant 160 : i32
      %lt3A_667 = arith.cmpi slt, %add3A_665, %lt3A_666 : i32
      %convert_element_type3A = arith.extui %lt3A_667 : i1 to i32
      %cond3A = arith.constant 0 : i32
      %cond3A_668 = arith.cmpi ne, %convert_element_type3A, %cond3A : i32
      scf.if %cond3A_668 {
        %ge3A = arith.constant 2 : i32
        %ge3A_1025 = arith.cmpi sge, %add3A_595, %ge3A : i32
        %convert_element_type3A_1026 = arith.extui %ge3A_1025 : i1 to i32
        %cond3A_1027 = arith.constant 0 : i32
        %cond3A_1028 = arith.cmpi ne, %convert_element_type3A_1026, %cond3A_1027 : i32
        scf.if %cond3A_1028 {
          %sub3A_1233 = arith.constant 2 : i32
          %sub3A_1234 = arith.subi %add3A_595, %sub3A_1233 : i32
          %jit3A_1235 = arith.constant 5 : i32
          %div3A_1236 = arith.divsi %sub3A_1234, %jit3A_1235 : i32
          %sign3A_1237 = arith.constant 0 : i32
          %sign3A_1238 = arith.cmpi sgt, %sub3A_1234, %sign3A_1237 : i32
          %sign3A_1239 = arith.extui %sign3A_1238 : i1 to i32
          %sign3A_1240 = arith.constant 0 : i32
          %sign3A_1241 = arith.cmpi slt, %sub3A_1234, %sign3A_1240 : i32
          %sign3A_1242 = arith.extui %sign3A_1241 : i1 to i32
          %sign3A_1243 = arith.subi %sign3A_1239, %sign3A_1242 : i32
          %sign3A_1244 = arith.constant 0 : i32
          %sign3A_1245 = arith.cmpi sgt, %jit3A_1235, %sign3A_1244 : i32
          %sign3A_1246 = arith.extui %sign3A_1245 : i1 to i32
          %sign3A_1247 = arith.constant 0 : i32
          %sign3A_1248 = arith.cmpi slt, %jit3A_1235, %sign3A_1247 : i32
          %sign3A_1249 = arith.extui %sign3A_1248 : i1 to i32
          %sign3A_1250 = arith.subi %sign3A_1246, %sign3A_1249 : i32
          %ne3A_1251 = arith.cmpi ne, %sign3A_1243, %sign3A_1250 : i32
          %rem3A_1252 = arith.remsi %sub3A_1234, %jit3A_1235 : i32
          %ne3A_1253 = arith.constant 0 : i32
          %ne3A_1254 = arith.cmpi ne, %rem3A_1252, %ne3A_1253 : i32
          %and3A_1255 = arith.andi %ne3A_1251, %ne3A_1254 : i1
          %sub3A_1256 = arith.constant 1 : i32
          %sub3A_1257 = arith.subi %div3A_1236, %sub3A_1256 : i32
          %select_n3A_1258 = arith.select %and3A_1255, %sub3A_1257, %div3A_1236 : i32
          %add3A_1259 = arith.addi %mul3A_2, %select_n3A_1258 : i32
          %mul3A_1260 = arith.constant 50 : i32
          %mul3A_1261 = arith.muli %add3A_1259, %mul3A_1260 : i32
          %mul3A_1262 = arith.constant 16 : i32
          %mul3A_1263 = arith.muli %mul3A_1261, %mul3A_1262 : i32
          %jit3A_1264 = arith.constant 5 : i32
          %eq3A_1265 = arith.constant 0 : i32
          %eq3A_1266 = arith.cmpi eq, %jit3A_1264, %eq3A_1265 : i32
          %jit3A_1267 = arith.constant 1 : i32
          %select_n3A_1268 = arith.select %eq3A_1266, %jit3A_1267, %jit3A_1264 : i32
          %rem3A_1269 = arith.remsi %sub3A_1234, %select_n3A_1268 : i32
          %ne3A_1270 = arith.constant 0 : i32
          %ne3A_1271 = arith.cmpi ne, %rem3A_1269, %ne3A_1270 : i32
          %lt3A_1272 = arith.constant 0 : i32
          %lt3A_1273 = arith.cmpi slt, %rem3A_1269, %lt3A_1272 : i32
          %lt3A_1274 = arith.constant 0 : i32
          %lt3A_1275 = arith.cmpi slt, %select_n3A_1268, %lt3A_1274 : i32
          %ne3A_1276 = arith.xori %lt3A_1273, %lt3A_1275 : i1
          %and3A_1277 = arith.andi %ne3A_1276, %ne3A_1271 : i1
          %add3A_1278 = arith.addi %rem3A_1269, %select_n3A_1268 : i32
          %select_n3A_1279 = arith.select %and3A_1277, %add3A_1278, %rem3A_1269 : i32
          %mul3A_1280 = arith.constant 10 : i32
          %mul3A_1281 = arith.muli %select_n3A_1279, %mul3A_1280 : i32
          %mul3A_1282 = arith.constant 16 : i32
          %mul3A_1283 = arith.muli %mul3A_1281, %mul3A_1282 : i32
          %add3A_1284 = arith.addi %mul3A_1263, %mul3A_1283 : i32
          %dma_wait3A_1285 = arith.constant 3 : i32
          %dma_wait3A_1286 = arith.constant 0 : i32
          %dma_wait3A_1287 = arith.constant 0 : i32
          %dma_wait3A_1288 = tpu.memref_slice %arg6[%dma_wait3A_1285, %dma_wait3A_1286, %dma_wait3A_1287] : memref<5x160x64xf32, #tpu.memory_space<vmem>> -> memref<1x160x64xf32, #tpu.memory_space<vmem>>
          %dma_wait3A_1289 = tpu.memref_squeeze %dma_wait3A_1288 : memref<1x160x64xf32, #tpu.memory_space<vmem>> -> memref<160x64xf32, #tpu.memory_space<vmem>>
          %dma_wait3A_1290 = arith.constant 0 : i32
          %dma_wait3A_1291 = tpu.memref_slice %arg4[%add3A_1284, %dma_wait3A_1290] : memref<819200x128xf32, #tpu.memory_space<hbm>> -> memref<160x64xf32, #tpu.memory_space<hbm>>
          %dma_wait3A_1292 = arith.constant 0 : i32
          %dma_wait3A_1293 = tpu.memref_slice %arg4[%add3A_1284, %dma_wait3A_1292] : memref<819200x128xf32, #tpu.memory_space<hbm>> -> memref<160x64xf32, #tpu.memory_space<hbm>>
          %dma_wait3A_1294 = arith.constant 0 : i32
          %dma_wait3A_1295 = arith.constant 0 : i32
          %dma_wait3A_1296 = tpu.memref_slice %arg6[%dma_wait3A_1285, %dma_wait3A_1294, %dma_wait3A_1295] : memref<5x160x64xf32, #tpu.memory_space<vmem>> -> memref<1x160x64xf32, #tpu.memory_space<vmem>>
          %dma_wait3A_1297 = tpu.memref_squeeze %dma_wait3A_1296 : memref<1x160x64xf32, #tpu.memory_space<vmem>> -> memref<160x64xf32, #tpu.memory_space<vmem>>
          tpu.wait_dma2 semaphore(%arg15 : memref<!tpu.dma_semaphore, #tpu.memory_space<semaphore_mem>>) src(%dma_wait3A_1297 : memref<160x64xf32, #tpu.memory_space<vmem>>) dst(%dma_wait3A_1293 : memref<160x64xf32, #tpu.memory_space<hbm>>)
        } else {
        }
        %add3A_1029 = arith.constant 3 : i32
        %add3A_1030 = arith.addi %add3A_595, %add3A_1029 : i32
        %jit3A_1031 = arith.constant 5 : i32
        %div3A_1032 = arith.divsi %add3A_1030, %jit3A_1031 : i32
        %sign3A_1033 = arith.constant 0 : i32
        %sign3A_1034 = arith.cmpi sgt, %add3A_1030, %sign3A_1033 : i32
        %sign3A_1035 = arith.extui %sign3A_1034 : i1 to i32
        %sign3A_1036 = arith.constant 0 : i32
        %sign3A_1037 = arith.cmpi slt, %add3A_1030, %sign3A_1036 : i32
        %sign3A_1038 = arith.extui %sign3A_1037 : i1 to i32
        %sign3A_1039 = arith.subi %sign3A_1035, %sign3A_1038 : i32
        %sign3A_1040 = arith.constant 0 : i32
        %sign3A_1041 = arith.cmpi sgt, %jit3A_1031, %sign3A_1040 : i32
        %sign3A_1042 = arith.extui %sign3A_1041 : i1 to i32
        %sign3A_1043 = arith.constant 0 : i32
        %sign3A_1044 = arith.cmpi slt, %jit3A_1031, %sign3A_1043 : i32
        %sign3A_1045 = arith.extui %sign3A_1044 : i1 to i32
        %sign3A_1046 = arith.subi %sign3A_1042, %sign3A_1045 : i32
        %ne3A_1047 = arith.cmpi ne, %sign3A_1039, %sign3A_1046 : i32
        %rem3A_1048 = arith.remsi %add3A_1030, %jit3A_1031 : i32
        %ne3A_1049 = arith.constant 0 : i32
        %ne3A_1050 = arith.cmpi ne, %rem3A_1048, %ne3A_1049 : i32
        %and3A_1051 = arith.andi %ne3A_1047, %ne3A_1050 : i1
        %sub3A_1052 = arith.constant 1 : i32
        %sub3A_1053 = arith.subi %div3A_1032, %sub3A_1052 : i32
        %select_n3A_1054 = arith.select %and3A_1051, %sub3A_1053, %div3A_1032 : i32
        %jit3A_1055 = arith.constant 5 : i32
        %eq3A_1056 = arith.constant 0 : i32
        %eq3A_1057 = arith.cmpi eq, %jit3A_1055, %eq3A_1056 : i32
        %jit3A_1058 = arith.constant 1 : i32
        %select_n3A_1059 = arith.select %eq3A_1057, %jit3A_1058, %jit3A_1055 : i32
        %rem3A_1060 = arith.remsi %add3A_1030, %select_n3A_1059 : i32
        %ne3A_1061 = arith.constant 0 : i32
        %ne3A_1062 = arith.cmpi ne, %rem3A_1060, %ne3A_1061 : i32
        %lt3A_1063 = arith.constant 0 : i32
        %lt3A_1064 = arith.cmpi slt, %rem3A_1060, %lt3A_1063 : i32
        %lt3A_1065 = arith.constant 0 : i32
        %lt3A_1066 = arith.cmpi slt, %select_n3A_1059, %lt3A_1065 : i32
        %ne3A_1067 = arith.xori %lt3A_1064, %lt3A_1066 : i1
        %and3A_1068 = arith.andi %ne3A_1067, %ne3A_1062 : i1
        %add3A_1069 = arith.addi %rem3A_1060, %select_n3A_1059 : i32
        %select_n3A_1070 = arith.select %and3A_1068, %add3A_1069, %rem3A_1060 : i32
        %mul3A_1071 = arith.constant 10 : i32
        %mul3A_1072 = arith.muli %select_n3A_1070, %mul3A_1071 : i32
        %add3A_1073 = arith.constant 0 : i32
        %add3A_1074 = arith.addi %mul3A_1072, %add3A_1073 : i32
        %dma_start3A_1075 = arith.constant 3 : i32
        %dma_start3A_1076 = arith.constant 0 : i32
        %dma_start3A_1077 = arith.constant 0 : i32
        %dma_start3A_1078 = tpu.memref_slice %arg6[%dma_start3A_1075, %dma_start3A_1076, %dma_start3A_1077] : memref<5x160x64xf32, #tpu.memory_space<vmem>> -> memref<1x160x64xf32, #tpu.memory_space<vmem>>
        %dma_start3A_1079 = tpu.memref_squeeze %dma_start3A_1078 : memref<1x160x64xf32, #tpu.memory_space<vmem>> -> memref<160x64xf32, #tpu.memory_space<vmem>>
        %dma_start3A_1080 = arith.constant 0 : i32
        %dma_start3A_1081 = arith.constant 0 : i32
        %dma_start3A_1082 = tpu.memref_slice %dma_start3A_1079[%dma_start3A_1080, %dma_start3A_1081] : memref<160x64xf32, #tpu.memory_space<vmem>> -> memref<16x64xf32, #tpu.memory_space<vmem>>
        %dma_start3A_1083 = arith.constant 0 : i32
        %dma_start3A_1084 = tpu.memref_slice %arg5[%select_n3A_1054, %add3A_1074, %dma_start3A_1083] : memref<32x50x16xi32, #tpu.memory_space<vmem>> -> memref<1x1x16xi32, #tpu.memory_space<vmem>>
        %dma_start3A_1085 = tpu.memref_squeeze %dma_start3A_1084 : memref<1x1x16xi32, #tpu.memory_space<vmem>> -> memref<16xi32, #tpu.memory_space<vmem>>
        %dma_start3A_1086 = arith.constant 0 : i32
        %dma_start3A_1087 = arith.constant 0 : i32
        %dma_start3A_1088 = tpu.memref_slice %arg3[%dma_start3A_1086, %dma_start3A_1087] : memref<100000x64xf32, #tpu.memory_space<hbm>> -> memref<100000x64xf32, #tpu.memory_space<hbm>>
        tpu.enqueue_indirect_dma source(%dma_start3A_1088 : memref<100000x64xf32, #tpu.memory_space<hbm>>) target(%dma_start3A_1082 : memref<16x64xf32, #tpu.memory_space<vmem>>) offsets(%dma_start3A_1085 : memref<16xi32, #tpu.memory_space<vmem>>) semaphore(%arg10 : memref<!tpu.dma_semaphore, #tpu.memory_space<semaphore_mem>>)
        %add3A_1089 = arith.constant 1 : i32
        %add3A_1090 = arith.addi %mul3A_1072, %add3A_1089 : i32
        %dma_start3A_1091 = arith.constant 3 : i32
        %dma_start3A_1092 = arith.constant 0 : i32
        %dma_start3A_1093 = arith.constant 0 : i32
        %dma_start3A_1094 = tpu.memref_slice %arg6[%dma_start3A_1091, %dma_start3A_1092, %dma_start3A_1093] : memref<5x160x64xf32, #tpu.memory_space<vmem>> -> memref<1x160x64xf32, #tpu.memory_space<vmem>>
        %dma_start3A_1095 = tpu.memref_squeeze %dma_start3A_1094 : memref<1x160x64xf32, #tpu.memory_space<vmem>> -> memref<160x64xf32, #tpu.memory_space<vmem>>
        %dma_start3A_1096 = arith.constant 16 : i32
        %dma_start3A_1097 = arith.constant 0 : i32
        %dma_start3A_1098 = tpu.memref_slice %dma_start3A_1095[%dma_start3A_1096, %dma_start3A_1097] : memref<160x64xf32, #tpu.memory_space<vmem>> -> memref<16x64xf32, #tpu.memory_space<vmem>>
        %dma_start3A_1099 = arith.constant 0 : i32
        %dma_start3A_1100 = tpu.memref_slice %arg5[%select_n3A_1054, %add3A_1090, %dma_start3A_1099] : memref<32x50x16xi32, #tpu.memory_space<vmem>> -> memref<1x1x16xi32, #tpu.memory_space<vmem>>
        %dma_start3A_1101 = tpu.memref_squeeze %dma_start3A_1100 : memref<1x1x16xi32, #tpu.memory_space<vmem>> -> memref<16xi32, #tpu.memory_space<vmem>>
        %dma_start3A_1102 = arith.constant 0 : i32
        %dma_start3A_1103 = arith.constant 0 : i32
        %dma_start3A_1104 = tpu.memref_slice %arg3[%dma_start3A_1102, %dma_start3A_1103] : memref<100000x64xf32, #tpu.memory_space<hbm>> -> memref<100000x64xf32, #tpu.memory_space<hbm>>
        tpu.enqueue_indirect_dma source(%dma_start3A_1104 : memref<100000x64xf32, #tpu.memory_space<hbm>>) target(%dma_start3A_1098 : memref<16x64xf32, #tpu.memory_space<vmem>>) offsets(%dma_start3A_1101 : memref<16xi32, #tpu.memory_space<vmem>>) semaphore(%arg10 : memref<!tpu.dma_semaphore, #tpu.memory_space<semaphore_mem>>)
        %add3A_1105 = arith.constant 2 : i32
        %add3A_1106 = arith.addi %mul3A_1072, %add3A_1105 : i32
        %dma_start3A_1107 = arith.constant 3 : i32
        %dma_start3A_1108 = arith.constant 0 : i32
        %dma_start3A_1109 = arith.constant 0 : i32
        %dma_start3A_1110 = tpu.memref_slice %arg6[%dma_start3A_1107, %dma_start3A_1108, %dma_start3A_1109] : memref<5x160x64xf32, #tpu.memory_space<vmem>> -> memref<1x160x64xf32, #tpu.memory_space<vmem>>
        %dma_start3A_1111 = tpu.memref_squeeze %dma_start3A_1110 : memref<1x160x64xf32, #tpu.memory_space<vmem>> -> memref<160x64xf32, #tpu.memory_space<vmem>>
        %dma_start3A_1112 = arith.constant 32 : i32
        %dma_start3A_1113 = arith.constant 0 : i32
        %dma_start3A_1114 = tpu.memref_slice %dma_start3A_1111[%dma_start3A_1112, %dma_start3A_1113] : memref<160x64xf32, #tpu.memory_space<vmem>> -> memref<16x64xf32, #tpu.memory_space<vmem>>
        %dma_start3A_1115 = arith.constant 0 : i32
        %dma_start3A_1116 = tpu.memref_slice %arg5[%select_n3A_1054, %add3A_1106, %dma_start3A_1115] : memref<32x50x16xi32, #tpu.memory_space<vmem>> -> memref<1x1x16xi32, #tpu.memory_space<vmem>>
        %dma_start3A_1117 = tpu.memref_squeeze %dma_start3A_1116 : memref<1x1x16xi32, #tpu.memory_space<vmem>> -> memref<16xi32, #tpu.memory_space<vmem>>
        %dma_start3A_1118 = arith.constant 0 : i32
        %dma_start3A_1119 = arith.constant 0 : i32
        %dma_start3A_1120 = tpu.memref_slice %arg3[%dma_start3A_1118, %dma_start3A_1119] : memref<100000x64xf32, #tpu.memory_space<hbm>> -> memref<100000x64xf32, #tpu.memory_space<hbm>>
        tpu.enqueue_indirect_dma source(%dma_start3A_1120 : memref<100000x64xf32, #tpu.memory_space<hbm>>) target(%dma_start3A_1114 : memref<16x64xf32, #tpu.memory_space<vmem>>) offsets(%dma_start3A_1117 : memref<16xi32, #tpu.memory_space<vmem>>) semaphore(%arg10 : memref<!tpu.dma_semaphore, #tpu.memory_space<semaphore_mem>>)
        %add3A_1121 = arith.constant 3 : i32
        %add3A_1122 = arith.addi %mul3A_1072, %add3A_1121 : i32
        %dma_start3A_1123 = arith.constant 3 : i32
        %dma_start3A_1124 = arith.constant 0 : i32
        %dma_start3A_1125 = arith.constant 0 : i32
        %dma_start3A_1126 = tpu.memref_slice %arg6[%dma_start3A_1123, %dma_start3A_1124, %dma_start3A_1125] : memref<5x160x64xf32, #tpu.memory_space<vmem>> -> memref<1x160x64xf32, #tpu.memory_space<vmem>>
        %dma_start3A_1127 = tpu.memref_squeeze %dma_start3A_1126 : memref<1x160x64xf32, #tpu.memory_space<vmem>> -> memref<160x64xf32, #tpu.memory_space<vmem>>
        %dma_start3A_1128 = arith.constant 48 : i32
        %dma_start3A_1129 = arith.constant 0 : i32
        %dma_start3A_1130 = tpu.memref_slice %dma_start3A_1127[%dma_start3A_1128, %dma_start3A_1129] : memref<160x64xf32, #tpu.memory_space<vmem>> -> memref<16x64xf32, #tpu.memory_space<vmem>>
        %dma_start3A_1131 = arith.constant 0 : i32
        %dma_start3A_1132 = tpu.memref_slice %arg5[%select_n3A_1054, %add3A_1122, %dma_start3A_1131] : memref<32x50x16xi32, #tpu.memory_space<vmem>> -> memref<1x1x16xi32, #tpu.memory_space<vmem>>
        %dma_start3A_1133 = tpu.memref_squeeze %dma_start3A_1132 : memref<1x1x16xi32, #tpu.memory_space<vmem>> -> memref<16xi32, #tpu.memory_space<vmem>>
        %dma_start3A_1134 = arith.constant 0 : i32
        %dma_start3A_1135 = arith.constant 0 : i32
        %dma_start3A_1136 = tpu.memref_slice %arg3[%dma_start3A_1134, %dma_start3A_1135] : memref<100000x64xf32, #tpu.memory_space<hbm>> -> memref<100000x64xf32, #tpu.memory_space<hbm>>
        tpu.enqueue_indirect_dma source(%dma_start3A_1136 : memref<100000x64xf32, #tpu.memory_space<hbm>>) target(%dma_start3A_1130 : memref<16x64xf32, #tpu.memory_space<vmem>>) offsets(%dma_start3A_1133 : memref<16xi32, #tpu.memory_space<vmem>>) semaphore(%arg10 : memref<!tpu.dma_semaphore, #tpu.memory_space<semaphore_mem>>)
        %add3A_1137 = arith.constant 4 : i32
        %add3A_1138 = arith.addi %mul3A_1072, %add3A_1137 : i32
        %dma_start3A_1139 = arith.constant 3 : i32
        %dma_start3A_1140 = arith.constant 0 : i32
        %dma_start3A_1141 = arith.constant 0 : i32
        %dma_start3A_1142 = tpu.memref_slice %arg6[%dma_start3A_1139, %dma_start3A_1140, %dma_start3A_1141] : memref<5x160x64xf32, #tpu.memory_space<vmem>> -> memref<1x160x64xf32, #tpu.memory_space<vmem>>
        %dma_start3A_1143 = tpu.memref_squeeze %dma_start3A_1142 : memref<1x160x64xf32, #tpu.memory_space<vmem>> -> memref<160x64xf32, #tpu.memory_space<vmem>>
        %dma_start3A_1144 = arith.constant 64 : i32
        %dma_start3A_1145 = arith.constant 0 : i32
        %dma_start3A_1146 = tpu.memref_slice %dma_start3A_1143[%dma_start3A_1144, %dma_start3A_1145] : memref<160x64xf32, #tpu.memory_space<vmem>> -> memref<16x64xf32, #tpu.memory_space<vmem>>
        %dma_start3A_1147 = arith.constant 0 : i32
        %dma_start3A_1148 = tpu.memref_slice %arg5[%select_n3A_1054, %add3A_1138, %dma_start3A_1147] : memref<32x50x16xi32, #tpu.memory_space<vmem>> -> memref<1x1x16xi32, #tpu.memory_space<vmem>>
        %dma_start3A_1149 = tpu.memref_squeeze %dma_start3A_1148 : memref<1x1x16xi32, #tpu.memory_space<vmem>> -> memref<16xi32, #tpu.memory_space<vmem>>
        %dma_start3A_1150 = arith.constant 0 : i32
        %dma_start3A_1151 = arith.constant 0 : i32
        %dma_start3A_1152 = tpu.memref_slice %arg3[%dma_start3A_1150, %dma_start3A_1151] : memref<100000x64xf32, #tpu.memory_space<hbm>> -> memref<100000x64xf32, #tpu.memory_space<hbm>>
        tpu.enqueue_indirect_dma source(%dma_start3A_1152 : memref<100000x64xf32, #tpu.memory_space<hbm>>) target(%dma_start3A_1146 : memref<16x64xf32, #tpu.memory_space<vmem>>) offsets(%dma_start3A_1149 : memref<16xi32, #tpu.memory_space<vmem>>) semaphore(%arg10 : memref<!tpu.dma_semaphore, #tpu.memory_space<semaphore_mem>>)
        %add3A_1153 = arith.constant 5 : i32
        %add3A_1154 = arith.addi %mul3A_1072, %add3A_1153 : i32
        %dma_start3A_1155 = arith.constant 3 : i32
        %dma_start3A_1156 = arith.constant 0 : i32
        %dma_start3A_1157 = arith.constant 0 : i32
        %dma_start3A_1158 = tpu.memref_slice %arg6[%dma_start3A_1155, %dma_start3A_1156, %dma_start3A_1157] : memref<5x160x64xf32, #tpu.memory_space<vmem>> -> memref<1x160x64xf32, #tpu.memory_space<vmem>>
        %dma_start3A_1159 = tpu.memref_squeeze %dma_start3A_1158 : memref<1x160x64xf32, #tpu.memory_space<vmem>> -> memref<160x64xf32, #tpu.memory_space<vmem>>
        %dma_start3A_1160 = arith.constant 80 : i32
        %dma_start3A_1161 = arith.constant 0 : i32
        %dma_start3A_1162 = tpu.memref_slice %dma_start3A_1159[%dma_start3A_1160, %dma_start3A_1161] : memref<160x64xf32, #tpu.memory_space<vmem>> -> memref<16x64xf32, #tpu.memory_space<vmem>>
        %dma_start3A_1163 = arith.constant 0 : i32
        %dma_start3A_1164 = tpu.memref_slice %arg5[%select_n3A_1054, %add3A_1154, %dma_start3A_1163] : memref<32x50x16xi32, #tpu.memory_space<vmem>> -> memref<1x1x16xi32, #tpu.memory_space<vmem>>
        %dma_start3A_1165 = tpu.memref_squeeze %dma_start3A_1164 : memref<1x1x16xi32, #tpu.memory_space<vmem>> -> memref<16xi32, #tpu.memory_space<vmem>>
        %dma_start3A_1166 = arith.constant 0 : i32
        %dma_start3A_1167 = arith.constant 0 : i32
        %dma_start3A_1168 = tpu.memref_slice %arg3[%dma_start3A_1166, %dma_start3A_1167] : memref<100000x64xf32, #tpu.memory_space<hbm>> -> memref<100000x64xf32, #tpu.memory_space<hbm>>
        tpu.enqueue_indirect_dma source(%dma_start3A_1168 : memref<100000x64xf32, #tpu.memory_space<hbm>>) target(%dma_start3A_1162 : memref<16x64xf32, #tpu.memory_space<vmem>>) offsets(%dma_start3A_1165 : memref<16xi32, #tpu.memory_space<vmem>>) semaphore(%arg10 : memref<!tpu.dma_semaphore, #tpu.memory_space<semaphore_mem>>)
        %add3A_1169 = arith.constant 6 : i32
        %add3A_1170 = arith.addi %mul3A_1072, %add3A_1169 : i32
        %dma_start3A_1171 = arith.constant 3 : i32
        %dma_start3A_1172 = arith.constant 0 : i32
        %dma_start3A_1173 = arith.constant 0 : i32
        %dma_start3A_1174 = tpu.memref_slice %arg6[%dma_start3A_1171, %dma_start3A_1172, %dma_start3A_1173] : memref<5x160x64xf32, #tpu.memory_space<vmem>> -> memref<1x160x64xf32, #tpu.memory_space<vmem>>
        %dma_start3A_1175 = tpu.memref_squeeze %dma_start3A_1174 : memref<1x160x64xf32, #tpu.memory_space<vmem>> -> memref<160x64xf32, #tpu.memory_space<vmem>>
        %dma_start3A_1176 = arith.constant 96 : i32
        %dma_start3A_1177 = arith.constant 0 : i32
        %dma_start3A_1178 = tpu.memref_slice %dma_start3A_1175[%dma_start3A_1176, %dma_start3A_1177] : memref<160x64xf32, #tpu.memory_space<vmem>> -> memref<16x64xf32, #tpu.memory_space<vmem>>
        %dma_start3A_1179 = arith.constant 0 : i32
        %dma_start3A_1180 = tpu.memref_slice %arg5[%select_n3A_1054, %add3A_1170, %dma_start3A_1179] : memref<32x50x16xi32, #tpu.memory_space<vmem>> -> memref<1x1x16xi32, #tpu.memory_space<vmem>>
        %dma_start3A_1181 = tpu.memref_squeeze %dma_start3A_1180 : memref<1x1x16xi32, #tpu.memory_space<vmem>> -> memref<16xi32, #tpu.memory_space<vmem>>
        %dma_start3A_1182 = arith.constant 0 : i32
        %dma_start3A_1183 = arith.constant 0 : i32
        %dma_start3A_1184 = tpu.memref_slice %arg3[%dma_start3A_1182, %dma_start3A_1183] : memref<100000x64xf32, #tpu.memory_space<hbm>> -> memref<100000x64xf32, #tpu.memory_space<hbm>>
        tpu.enqueue_indirect_dma source(%dma_start3A_1184 : memref<100000x64xf32, #tpu.memory_space<hbm>>) target(%dma_start3A_1178 : memref<16x64xf32, #tpu.memory_space<vmem>>) offsets(%dma_start3A_1181 : memref<16xi32, #tpu.memory_space<vmem>>) semaphore(%arg10 : memref<!tpu.dma_semaphore, #tpu.memory_space<semaphore_mem>>)
        %add3A_1185 = arith.constant 7 : i32
        %add3A_1186 = arith.addi %mul3A_1072, %add3A_1185 : i32
        %dma_start3A_1187 = arith.constant 3 : i32
        %dma_start3A_1188 = arith.constant 0 : i32
        %dma_start3A_1189 = arith.constant 0 : i32
        %dma_start3A_1190 = tpu.memref_slice %arg6[%dma_start3A_1187, %dma_start3A_1188, %dma_start3A_1189] : memref<5x160x64xf32, #tpu.memory_space<vmem>> -> memref<1x160x64xf32, #tpu.memory_space<vmem>>
        %dma_start3A_1191 = tpu.memref_squeeze %dma_start3A_1190 : memref<1x160x64xf32, #tpu.memory_space<vmem>> -> memref<160x64xf32, #tpu.memory_space<vmem>>
        %dma_start3A_1192 = arith.constant 112 : i32
        %dma_start3A_1193 = arith.constant 0 : i32
        %dma_start3A_1194 = tpu.memref_slice %dma_start3A_1191[%dma_start3A_1192, %dma_start3A_1193] : memref<160x64xf32, #tpu.memory_space<vmem>> -> memref<16x64xf32, #tpu.memory_space<vmem>>
        %dma_start3A_1195 = arith.constant 0 : i32
        %dma_start3A_1196 = tpu.memref_slice %arg5[%select_n3A_1054, %add3A_1186, %dma_start3A_1195] : memref<32x50x16xi32, #tpu.memory_space<vmem>> -> memref<1x1x16xi32, #tpu.memory_space<vmem>>
        %dma_start3A_1197 = tpu.memref_squeeze %dma_start3A_1196 : memref<1x1x16xi32, #tpu.memory_space<vmem>> -> memref<16xi32, #tpu.memory_space<vmem>>
        %dma_start3A_1198 = arith.constant 0 : i32
        %dma_start3A_1199 = arith.constant 0 : i32
        %dma_start3A_1200 = tpu.memref_slice %arg3[%dma_start3A_1198, %dma_start3A_1199] : memref<100000x64xf32, #tpu.memory_space<hbm>> -> memref<100000x64xf32, #tpu.memory_space<hbm>>
        tpu.enqueue_indirect_dma source(%dma_start3A_1200 : memref<100000x64xf32, #tpu.memory_space<hbm>>) target(%dma_start3A_1194 : memref<16x64xf32, #tpu.memory_space<vmem>>) offsets(%dma_start3A_1197 : memref<16xi32, #tpu.memory_space<vmem>>) semaphore(%arg10 : memref<!tpu.dma_semaphore, #tpu.memory_space<semaphore_mem>>)
        %add3A_1201 = arith.constant 8 : i32
        %add3A_1202 = arith.addi %mul3A_1072, %add3A_1201 : i32
        %dma_start3A_1203 = arith.constant 3 : i32
        %dma_start3A_1204 = arith.constant 0 : i32
        %dma_start3A_1205 = arith.constant 0 : i32
        %dma_start3A_1206 = tpu.memref_slice %arg6[%dma_start3A_1203, %dma_start3A_1204, %dma_start3A_1205] : memref<5x160x64xf32, #tpu.memory_space<vmem>> -> memref<1x160x64xf32, #tpu.memory_space<vmem>>
        %dma_start3A_1207 = tpu.memref_squeeze %dma_start3A_1206 : memref<1x160x64xf32, #tpu.memory_space<vmem>> -> memref<160x64xf32, #tpu.memory_space<vmem>>
        %dma_start3A_1208 = arith.constant 128 : i32
        %dma_start3A_1209 = arith.constant 0 : i32
        %dma_start3A_1210 = tpu.memref_slice %dma_start3A_1207[%dma_start3A_1208, %dma_start3A_1209] : memref<160x64xf32, #tpu.memory_space<vmem>> -> memref<16x64xf32, #tpu.memory_space<vmem>>
        %dma_start3A_1211 = arith.constant 0 : i32
        %dma_start3A_1212 = tpu.memref_slice %arg5[%select_n3A_1054, %add3A_1202, %dma_start3A_1211] : memref<32x50x16xi32, #tpu.memory_space<vmem>> -> memref<1x1x16xi32, #tpu.memory_space<vmem>>
        %dma_start3A_1213 = tpu.memref_squeeze %dma_start3A_1212 : memref<1x1x16xi32, #tpu.memory_space<vmem>> -> memref<16xi32, #tpu.memory_space<vmem>>
        %dma_start3A_1214 = arith.constant 0 : i32
        %dma_start3A_1215 = arith.constant 0 : i32
        %dma_start3A_1216 = tpu.memref_slice %arg3[%dma_start3A_1214, %dma_start3A_1215] : memref<100000x64xf32, #tpu.memory_space<hbm>> -> memref<100000x64xf32, #tpu.memory_space<hbm>>
        tpu.enqueue_indirect_dma source(%dma_start3A_1216 : memref<100000x64xf32, #tpu.memory_space<hbm>>) target(%dma_start3A_1210 : memref<16x64xf32, #tpu.memory_space<vmem>>) offsets(%dma_start3A_1213 : memref<16xi32, #tpu.memory_space<vmem>>) semaphore(%arg10 : memref<!tpu.dma_semaphore, #tpu.memory_space<semaphore_mem>>)
        %add3A_1217 = arith.constant 9 : i32
        %add3A_1218 = arith.addi %mul3A_1072, %add3A_1217 : i32
        %dma_start3A_1219 = arith.constant 3 : i32
        %dma_start3A_1220 = arith.constant 0 : i32
        %dma_start3A_1221 = arith.constant 0 : i32
        %dma_start3A_1222 = tpu.memref_slice %arg6[%dma_start3A_1219, %dma_start3A_1220, %dma_start3A_1221] : memref<5x160x64xf32, #tpu.memory_space<vmem>> -> memref<1x160x64xf32, #tpu.memory_space<vmem>>
        %dma_start3A_1223 = tpu.memref_squeeze %dma_start3A_1222 : memref<1x160x64xf32, #tpu.memory_space<vmem>> -> memref<160x64xf32, #tpu.memory_space<vmem>>
        %dma_start3A_1224 = arith.constant 144 : i32
        %dma_start3A_1225 = arith.constant 0 : i32
        %dma_start3A_1226 = tpu.memref_slice %dma_start3A_1223[%dma_start3A_1224, %dma_start3A_1225] : memref<160x64xf32, #tpu.memory_space<vmem>> -> memref<16x64xf32, #tpu.memory_space<vmem>>
        %dma_start3A_1227 = arith.constant 0 : i32
        %dma_start3A_1228 = tpu.memref_slice %arg5[%select_n3A_1054, %add3A_1218, %dma_start3A_1227] : memref<32x50x16xi32, #tpu.memory_space<vmem>> -> memref<1x1x16xi32, #tpu.memory_space<vmem>>
        %dma_start3A_1229 = tpu.memref_squeeze %dma_start3A_1228 : memref<1x1x16xi32, #tpu.memory_space<vmem>> -> memref<16xi32, #tpu.memory_space<vmem>>
        %dma_start3A_1230 = arith.constant 0 : i32
        %dma_start3A_1231 = arith.constant 0 : i32
        %dma_start3A_1232 = tpu.memref_slice %arg3[%dma_start3A_1230, %dma_start3A_1231] : memref<100000x64xf32, #tpu.memory_space<hbm>> -> memref<100000x64xf32, #tpu.memory_space<hbm>>
        tpu.enqueue_indirect_dma source(%dma_start3A_1232 : memref<100000x64xf32, #tpu.memory_space<hbm>>) target(%dma_start3A_1226 : memref<16x64xf32, #tpu.memory_space<vmem>>) offsets(%dma_start3A_1229 : memref<16xi32, #tpu.memory_space<vmem>>) semaphore(%arg10 : memref<!tpu.dma_semaphore, #tpu.memory_space<semaphore_mem>>)
      } else {
      }
      %mul3A_669 = arith.constant 5 : i32
      %mul3A_670 = arith.muli %scan3A_591, %mul3A_669 : i32
      %add3A_671 = arith.constant 1 : i32
      %add3A_672 = arith.addi %mul3A_670, %add3A_671 : i32
      %dma_wait3A_673 = arith.constant 1 : i32
      %dma_wait3A_674 = arith.constant 0 : i32
      %dma_wait3A_675 = arith.constant 0 : i32
      %dma_wait3A_676 = tpu.memref_slice %arg6[%dma_wait3A_673, %dma_wait3A_674, %dma_wait3A_675] : memref<5x160x64xf32, #tpu.memory_space<vmem>> -> memref<1x160x64xf32, #tpu.memory_space<vmem>>
      %dma_wait3A_677 = tpu.memref_squeeze %dma_wait3A_676 : memref<1x160x64xf32, #tpu.memory_space<vmem>> -> memref<160x64xf32, #tpu.memory_space<vmem>>
      %dma_wait3A_678 = arith.constant 0 : i32
      %dma_wait3A_679 = arith.constant 0 : i32
      %dma_wait3A_680 = tpu.memref_slice %arg3[%dma_wait3A_678, %dma_wait3A_679] : memref<100000x64xf32, #tpu.memory_space<hbm>> -> memref<160x64xf32, #tpu.memory_space<hbm>>
      %dma_wait3A_681 = arith.constant 0 : i32
      %dma_wait3A_682 = arith.constant 0 : i32
      %dma_wait3A_683 = tpu.memref_slice %arg6[%dma_wait3A_673, %dma_wait3A_681, %dma_wait3A_682] : memref<5x160x64xf32, #tpu.memory_space<vmem>> -> memref<1x160x64xf32, #tpu.memory_space<vmem>>
      %dma_wait3A_684 = tpu.memref_squeeze %dma_wait3A_683 : memref<1x160x64xf32, #tpu.memory_space<vmem>> -> memref<160x64xf32, #tpu.memory_space<vmem>>
      %dma_wait3A_685 = arith.constant 0 : i32
      %dma_wait3A_686 = arith.constant 0 : i32
      %dma_wait3A_687 = tpu.memref_slice %arg3[%dma_wait3A_685, %dma_wait3A_686] : memref<100000x64xf32, #tpu.memory_space<hbm>> -> memref<160x64xf32, #tpu.memory_space<hbm>>
      tpu.wait_dma2 semaphore(%arg8 : memref<!tpu.dma_semaphore, #tpu.memory_space<semaphore_mem>>) src(%dma_wait3A_687 : memref<160x64xf32, #tpu.memory_space<hbm>>) dst(%dma_wait3A_684 : memref<160x64xf32, #tpu.memory_space<vmem>>)
      %jit3A_688 = arith.constant 5 : i32
      %div3A_689 = arith.divsi %add3A_672, %jit3A_688 : i32
      %sign3A_690 = arith.constant 0 : i32
      %sign3A_691 = arith.cmpi sgt, %add3A_672, %sign3A_690 : i32
      %sign3A_692 = arith.extui %sign3A_691 : i1 to i32
      %sign3A_693 = arith.constant 0 : i32
      %sign3A_694 = arith.cmpi slt, %add3A_672, %sign3A_693 : i32
      %sign3A_695 = arith.extui %sign3A_694 : i1 to i32
      %sign3A_696 = arith.subi %sign3A_692, %sign3A_695 : i32
      %sign3A_697 = arith.constant 0 : i32
      %sign3A_698 = arith.cmpi sgt, %jit3A_688, %sign3A_697 : i32
      %sign3A_699 = arith.extui %sign3A_698 : i1 to i32
      %sign3A_700 = arith.constant 0 : i32
      %sign3A_701 = arith.cmpi slt, %jit3A_688, %sign3A_700 : i32
      %sign3A_702 = arith.extui %sign3A_701 : i1 to i32
      %sign3A_703 = arith.subi %sign3A_699, %sign3A_702 : i32
      %ne3A_704 = arith.cmpi ne, %sign3A_696, %sign3A_703 : i32
      %rem3A_705 = arith.remsi %add3A_672, %jit3A_688 : i32
      %ne3A_706 = arith.constant 0 : i32
      %ne3A_707 = arith.cmpi ne, %rem3A_705, %ne3A_706 : i32
      %and3A_708 = arith.andi %ne3A_704, %ne3A_707 : i1
      %sub3A_709 = arith.constant 1 : i32
      %sub3A_710 = arith.subi %div3A_689, %sub3A_709 : i32
      %select_n3A_711 = arith.select %and3A_708, %sub3A_710, %div3A_689 : i32
      %add3A_712 = arith.addi %mul3A_2, %select_n3A_711 : i32
      %mul3A_713 = arith.constant 50 : i32
      %mul3A_714 = arith.muli %add3A_712, %mul3A_713 : i32
      %mul3A_715 = arith.constant 16 : i32
      %mul3A_716 = arith.muli %mul3A_714, %mul3A_715 : i32
      %jit3A_717 = arith.constant 5 : i32
      %eq3A_718 = arith.constant 0 : i32
      %eq3A_719 = arith.cmpi eq, %jit3A_717, %eq3A_718 : i32
      %jit3A_720 = arith.constant 1 : i32
      %select_n3A_721 = arith.select %eq3A_719, %jit3A_720, %jit3A_717 : i32
      %rem3A_722 = arith.remsi %add3A_672, %select_n3A_721 : i32
      %ne3A_723 = arith.constant 0 : i32
      %ne3A_724 = arith.cmpi ne, %rem3A_722, %ne3A_723 : i32
      %lt3A_725 = arith.constant 0 : i32
      %lt3A_726 = arith.cmpi slt, %rem3A_722, %lt3A_725 : i32
      %lt3A_727 = arith.constant 0 : i32
      %lt3A_728 = arith.cmpi slt, %select_n3A_721, %lt3A_727 : i32
      %ne3A_729 = arith.xori %lt3A_726, %lt3A_728 : i1
      %and3A_730 = arith.andi %ne3A_729, %ne3A_724 : i1
      %add3A_731 = arith.addi %rem3A_722, %select_n3A_721 : i32
      %select_n3A_732 = arith.select %and3A_730, %add3A_731, %rem3A_722 : i32
      %mul3A_733 = arith.constant 10 : i32
      %mul3A_734 = arith.muli %select_n3A_732, %mul3A_733 : i32
      %mul3A_735 = arith.constant 16 : i32
      %mul3A_736 = arith.muli %mul3A_734, %mul3A_735 : i32
      %add3A_737 = arith.addi %mul3A_716, %mul3A_736 : i32
      %dma_start3A_738 = arith.constant 1 : i32
      %dma_start3A_739 = arith.constant 0 : i32
      %dma_start3A_740 = arith.constant 0 : i32
      %dma_start3A_741 = tpu.memref_slice %arg6[%dma_start3A_738, %dma_start3A_739, %dma_start3A_740] : memref<5x160x64xf32, #tpu.memory_space<vmem>> -> memref<1x160x64xf32, #tpu.memory_space<vmem>>
      %dma_start3A_742 = tpu.memref_squeeze %dma_start3A_741 : memref<1x160x64xf32, #tpu.memory_space<vmem>> -> memref<160x64xf32, #tpu.memory_space<vmem>>
      %dma_start3A_743 = arith.constant 0 : i32
      %dma_start3A_744 = tpu.memref_slice %arg4[%add3A_737, %dma_start3A_743] : memref<819200x128xf32, #tpu.memory_space<hbm>> -> memref<160x64xf32, #tpu.memory_space<hbm>>
      %dma_start3A_745 = arith.constant 0 : i32
      %dma_start3A_746 = tpu.memref_slice %arg4[%add3A_737, %dma_start3A_745] : memref<819200x128xf32, #tpu.memory_space<hbm>> -> memref<160x64xf32, #tpu.memory_space<hbm>>
      %dma_start3A_747 = arith.constant 0 : i32
      %dma_start3A_748 = arith.constant 0 : i32
      %dma_start3A_749 = tpu.memref_slice %arg6[%dma_start3A_738, %dma_start3A_747, %dma_start3A_748] : memref<5x160x64xf32, #tpu.memory_space<vmem>> -> memref<1x160x64xf32, #tpu.memory_space<vmem>>
      %dma_start3A_750 = tpu.memref_squeeze %dma_start3A_749 : memref<1x160x64xf32, #tpu.memory_space<vmem>> -> memref<160x64xf32, #tpu.memory_space<vmem>>
      tpu.enqueue_dma source(%dma_start3A_750 : memref<160x64xf32, #tpu.memory_space<vmem>>) target(%dma_start3A_746 : memref<160x64xf32, #tpu.memory_space<hbm>>) target_semaphore(%arg13 : memref<!tpu.dma_semaphore, #tpu.memory_space<semaphore_mem>>)
      %add3A_751 = arith.constant 3 : i32
      %add3A_752 = arith.addi %add3A_672, %add3A_751 : i32
      %lt3A_753 = arith.constant 160 : i32
      %lt3A_754 = arith.cmpi slt, %add3A_752, %lt3A_753 : i32
      %convert_element_type3A_755 = arith.extui %lt3A_754 : i1 to i32
      %cond3A_756 = arith.constant 0 : i32
      %cond3A_757 = arith.cmpi ne, %convert_element_type3A_755, %cond3A_756 : i32
      scf.if %cond3A_757 {
        %ge3A = arith.constant 2 : i32
        %ge3A_1025 = arith.cmpi sge, %add3A_672, %ge3A : i32
        %convert_element_type3A_1026 = arith.extui %ge3A_1025 : i1 to i32
        %cond3A_1027 = arith.constant 0 : i32
        %cond3A_1028 = arith.cmpi ne, %convert_element_type3A_1026, %cond3A_1027 : i32
        scf.if %cond3A_1028 {
          %sub3A_1233 = arith.constant 2 : i32
          %sub3A_1234 = arith.subi %add3A_672, %sub3A_1233 : i32
          %jit3A_1235 = arith.constant 5 : i32
          %div3A_1236 = arith.divsi %sub3A_1234, %jit3A_1235 : i32
          %sign3A_1237 = arith.constant 0 : i32
          %sign3A_1238 = arith.cmpi sgt, %sub3A_1234, %sign3A_1237 : i32
          %sign3A_1239 = arith.extui %sign3A_1238 : i1 to i32
          %sign3A_1240 = arith.constant 0 : i32
          %sign3A_1241 = arith.cmpi slt, %sub3A_1234, %sign3A_1240 : i32
          %sign3A_1242 = arith.extui %sign3A_1241 : i1 to i32
          %sign3A_1243 = arith.subi %sign3A_1239, %sign3A_1242 : i32
          %sign3A_1244 = arith.constant 0 : i32
          %sign3A_1245 = arith.cmpi sgt, %jit3A_1235, %sign3A_1244 : i32
          %sign3A_1246 = arith.extui %sign3A_1245 : i1 to i32
          %sign3A_1247 = arith.constant 0 : i32
          %sign3A_1248 = arith.cmpi slt, %jit3A_1235, %sign3A_1247 : i32
          %sign3A_1249 = arith.extui %sign3A_1248 : i1 to i32
          %sign3A_1250 = arith.subi %sign3A_1246, %sign3A_1249 : i32
          %ne3A_1251 = arith.cmpi ne, %sign3A_1243, %sign3A_1250 : i32
          %rem3A_1252 = arith.remsi %sub3A_1234, %jit3A_1235 : i32
          %ne3A_1253 = arith.constant 0 : i32
          %ne3A_1254 = arith.cmpi ne, %rem3A_1252, %ne3A_1253 : i32
          %and3A_1255 = arith.andi %ne3A_1251, %ne3A_1254 : i1
          %sub3A_1256 = arith.constant 1 : i32
          %sub3A_1257 = arith.subi %div3A_1236, %sub3A_1256 : i32
          %select_n3A_1258 = arith.select %and3A_1255, %sub3A_1257, %div3A_1236 : i32
          %add3A_1259 = arith.addi %mul3A_2, %select_n3A_1258 : i32
          %mul3A_1260 = arith.constant 50 : i32
          %mul3A_1261 = arith.muli %add3A_1259, %mul3A_1260 : i32
          %mul3A_1262 = arith.constant 16 : i32
          %mul3A_1263 = arith.muli %mul3A_1261, %mul3A_1262 : i32
          %jit3A_1264 = arith.constant 5 : i32
          %eq3A_1265 = arith.constant 0 : i32
          %eq3A_1266 = arith.cmpi eq, %jit3A_1264, %eq3A_1265 : i32
          %jit3A_1267 = arith.constant 1 : i32
          %select_n3A_1268 = arith.select %eq3A_1266, %jit3A_1267, %jit3A_1264 : i32
          %rem3A_1269 = arith.remsi %sub3A_1234, %select_n3A_1268 : i32
          %ne3A_1270 = arith.constant 0 : i32
          %ne3A_1271 = arith.cmpi ne, %rem3A_1269, %ne3A_1270 : i32
          %lt3A_1272 = arith.constant 0 : i32
          %lt3A_1273 = arith.cmpi slt, %rem3A_1269, %lt3A_1272 : i32
          %lt3A_1274 = arith.constant 0 : i32
          %lt3A_1275 = arith.cmpi slt, %select_n3A_1268, %lt3A_1274 : i32
          %ne3A_1276 = arith.xori %lt3A_1273, %lt3A_1275 : i1
          %and3A_1277 = arith.andi %ne3A_1276, %ne3A_1271 : i1
          %add3A_1278 = arith.addi %rem3A_1269, %select_n3A_1268 : i32
          %select_n3A_1279 = arith.select %and3A_1277, %add3A_1278, %rem3A_1269 : i32
          %mul3A_1280 = arith.constant 10 : i32
          %mul3A_1281 = arith.muli %select_n3A_1279, %mul3A_1280 : i32
          %mul3A_1282 = arith.constant 16 : i32
          %mul3A_1283 = arith.muli %mul3A_1281, %mul3A_1282 : i32
          %add3A_1284 = arith.addi %mul3A_1263, %mul3A_1283 : i32
          %dma_wait3A_1285 = arith.constant 4 : i32
          %dma_wait3A_1286 = arith.constant 0 : i32
          %dma_wait3A_1287 = arith.constant 0 : i32
          %dma_wait3A_1288 = tpu.memref_slice %arg6[%dma_wait3A_1285, %dma_wait3A_1286, %dma_wait3A_1287] : memref<5x160x64xf32, #tpu.memory_space<vmem>> -> memref<1x160x64xf32, #tpu.memory_space<vmem>>
          %dma_wait3A_1289 = tpu.memref_squeeze %dma_wait3A_1288 : memref<1x160x64xf32, #tpu.memory_space<vmem>> -> memref<160x64xf32, #tpu.memory_space<vmem>>
          %dma_wait3A_1290 = arith.constant 0 : i32
          %dma_wait3A_1291 = tpu.memref_slice %arg4[%add3A_1284, %dma_wait3A_1290] : memref<819200x128xf32, #tpu.memory_space<hbm>> -> memref<160x64xf32, #tpu.memory_space<hbm>>
          %dma_wait3A_1292 = arith.constant 0 : i32
          %dma_wait3A_1293 = tpu.memref_slice %arg4[%add3A_1284, %dma_wait3A_1292] : memref<819200x128xf32, #tpu.memory_space<hbm>> -> memref<160x64xf32, #tpu.memory_space<hbm>>
          %dma_wait3A_1294 = arith.constant 0 : i32
          %dma_wait3A_1295 = arith.constant 0 : i32
          %dma_wait3A_1296 = tpu.memref_slice %arg6[%dma_wait3A_1285, %dma_wait3A_1294, %dma_wait3A_1295] : memref<5x160x64xf32, #tpu.memory_space<vmem>> -> memref<1x160x64xf32, #tpu.memory_space<vmem>>
          %dma_wait3A_1297 = tpu.memref_squeeze %dma_wait3A_1296 : memref<1x160x64xf32, #tpu.memory_space<vmem>> -> memref<160x64xf32, #tpu.memory_space<vmem>>
          tpu.wait_dma2 semaphore(%arg16 : memref<!tpu.dma_semaphore, #tpu.memory_space<semaphore_mem>>) src(%dma_wait3A_1297 : memref<160x64xf32, #tpu.memory_space<vmem>>) dst(%dma_wait3A_1293 : memref<160x64xf32, #tpu.memory_space<hbm>>)
        } else {
        }
        %add3A_1029 = arith.constant 3 : i32
        %add3A_1030 = arith.addi %add3A_672, %add3A_1029 : i32
        %jit3A_1031 = arith.constant 5 : i32
        %div3A_1032 = arith.divsi %add3A_1030, %jit3A_1031 : i32
        %sign3A_1033 = arith.constant 0 : i32
        %sign3A_1034 = arith.cmpi sgt, %add3A_1030, %sign3A_1033 : i32
        %sign3A_1035 = arith.extui %sign3A_1034 : i1 to i32
        %sign3A_1036 = arith.constant 0 : i32
        %sign3A_1037 = arith.cmpi slt, %add3A_1030, %sign3A_1036 : i32
        %sign3A_1038 = arith.extui %sign3A_1037 : i1 to i32
        %sign3A_1039 = arith.subi %sign3A_1035, %sign3A_1038 : i32
        %sign3A_1040 = arith.constant 0 : i32
        %sign3A_1041 = arith.cmpi sgt, %jit3A_1031, %sign3A_1040 : i32
        %sign3A_1042 = arith.extui %sign3A_1041 : i1 to i32
        %sign3A_1043 = arith.constant 0 : i32
        %sign3A_1044 = arith.cmpi slt, %jit3A_1031, %sign3A_1043 : i32
        %sign3A_1045 = arith.extui %sign3A_1044 : i1 to i32
        %sign3A_1046 = arith.subi %sign3A_1042, %sign3A_1045 : i32
        %ne3A_1047 = arith.cmpi ne, %sign3A_1039, %sign3A_1046 : i32
        %rem3A_1048 = arith.remsi %add3A_1030, %jit3A_1031 : i32
        %ne3A_1049 = arith.constant 0 : i32
        %ne3A_1050 = arith.cmpi ne, %rem3A_1048, %ne3A_1049 : i32
        %and3A_1051 = arith.andi %ne3A_1047, %ne3A_1050 : i1
        %sub3A_1052 = arith.constant 1 : i32
        %sub3A_1053 = arith.subi %div3A_1032, %sub3A_1052 : i32
        %select_n3A_1054 = arith.select %and3A_1051, %sub3A_1053, %div3A_1032 : i32
        %jit3A_1055 = arith.constant 5 : i32
        %eq3A_1056 = arith.constant 0 : i32
        %eq3A_1057 = arith.cmpi eq, %jit3A_1055, %eq3A_1056 : i32
        %jit3A_1058 = arith.constant 1 : i32
        %select_n3A_1059 = arith.select %eq3A_1057, %jit3A_1058, %jit3A_1055 : i32
        %rem3A_1060 = arith.remsi %add3A_1030, %select_n3A_1059 : i32
        %ne3A_1061 = arith.constant 0 : i32
        %ne3A_1062 = arith.cmpi ne, %rem3A_1060, %ne3A_1061 : i32
        %lt3A_1063 = arith.constant 0 : i32
        %lt3A_1064 = arith.cmpi slt, %rem3A_1060, %lt3A_1063 : i32
        %lt3A_1065 = arith.constant 0 : i32
        %lt3A_1066 = arith.cmpi slt, %select_n3A_1059, %lt3A_1065 : i32
        %ne3A_1067 = arith.xori %lt3A_1064, %lt3A_1066 : i1
        %and3A_1068 = arith.andi %ne3A_1067, %ne3A_1062 : i1
        %add3A_1069 = arith.addi %rem3A_1060, %select_n3A_1059 : i32
        %select_n3A_1070 = arith.select %and3A_1068, %add3A_1069, %rem3A_1060 : i32
        %mul3A_1071 = arith.constant 10 : i32
        %mul3A_1072 = arith.muli %select_n3A_1070, %mul3A_1071 : i32
        %add3A_1073 = arith.constant 0 : i32
        %add3A_1074 = arith.addi %mul3A_1072, %add3A_1073 : i32
        %dma_start3A_1075 = arith.constant 4 : i32
        %dma_start3A_1076 = arith.constant 0 : i32
        %dma_start3A_1077 = arith.constant 0 : i32
        %dma_start3A_1078 = tpu.memref_slice %arg6[%dma_start3A_1075, %dma_start3A_1076, %dma_start3A_1077] : memref<5x160x64xf32, #tpu.memory_space<vmem>> -> memref<1x160x64xf32, #tpu.memory_space<vmem>>
        %dma_start3A_1079 = tpu.memref_squeeze %dma_start3A_1078 : memref<1x160x64xf32, #tpu.memory_space<vmem>> -> memref<160x64xf32, #tpu.memory_space<vmem>>
        %dma_start3A_1080 = arith.constant 0 : i32
        %dma_start3A_1081 = arith.constant 0 : i32
        %dma_start3A_1082 = tpu.memref_slice %dma_start3A_1079[%dma_start3A_1080, %dma_start3A_1081] : memref<160x64xf32, #tpu.memory_space<vmem>> -> memref<16x64xf32, #tpu.memory_space<vmem>>
        %dma_start3A_1083 = arith.constant 0 : i32
        %dma_start3A_1084 = tpu.memref_slice %arg5[%select_n3A_1054, %add3A_1074, %dma_start3A_1083] : memref<32x50x16xi32, #tpu.memory_space<vmem>> -> memref<1x1x16xi32, #tpu.memory_space<vmem>>
        %dma_start3A_1085 = tpu.memref_squeeze %dma_start3A_1084 : memref<1x1x16xi32, #tpu.memory_space<vmem>> -> memref<16xi32, #tpu.memory_space<vmem>>
        %dma_start3A_1086 = arith.constant 0 : i32
        %dma_start3A_1087 = arith.constant 0 : i32
        %dma_start3A_1088 = tpu.memref_slice %arg3[%dma_start3A_1086, %dma_start3A_1087] : memref<100000x64xf32, #tpu.memory_space<hbm>> -> memref<100000x64xf32, #tpu.memory_space<hbm>>
        tpu.enqueue_indirect_dma source(%dma_start3A_1088 : memref<100000x64xf32, #tpu.memory_space<hbm>>) target(%dma_start3A_1082 : memref<16x64xf32, #tpu.memory_space<vmem>>) offsets(%dma_start3A_1085 : memref<16xi32, #tpu.memory_space<vmem>>) semaphore(%arg11 : memref<!tpu.dma_semaphore, #tpu.memory_space<semaphore_mem>>)
        %add3A_1089 = arith.constant 1 : i32
        %add3A_1090 = arith.addi %mul3A_1072, %add3A_1089 : i32
        %dma_start3A_1091 = arith.constant 4 : i32
        %dma_start3A_1092 = arith.constant 0 : i32
        %dma_start3A_1093 = arith.constant 0 : i32
        %dma_start3A_1094 = tpu.memref_slice %arg6[%dma_start3A_1091, %dma_start3A_1092, %dma_start3A_1093] : memref<5x160x64xf32, #tpu.memory_space<vmem>> -> memref<1x160x64xf32, #tpu.memory_space<vmem>>
        %dma_start3A_1095 = tpu.memref_squeeze %dma_start3A_1094 : memref<1x160x64xf32, #tpu.memory_space<vmem>> -> memref<160x64xf32, #tpu.memory_space<vmem>>
        %dma_start3A_1096 = arith.constant 16 : i32
        %dma_start3A_1097 = arith.constant 0 : i32
        %dma_start3A_1098 = tpu.memref_slice %dma_start3A_1095[%dma_start3A_1096, %dma_start3A_1097] : memref<160x64xf32, #tpu.memory_space<vmem>> -> memref<16x64xf32, #tpu.memory_space<vmem>>
        %dma_start3A_1099 = arith.constant 0 : i32
        %dma_start3A_1100 = tpu.memref_slice %arg5[%select_n3A_1054, %add3A_1090, %dma_start3A_1099] : memref<32x50x16xi32, #tpu.memory_space<vmem>> -> memref<1x1x16xi32, #tpu.memory_space<vmem>>
        %dma_start3A_1101 = tpu.memref_squeeze %dma_start3A_1100 : memref<1x1x16xi32, #tpu.memory_space<vmem>> -> memref<16xi32, #tpu.memory_space<vmem>>
        %dma_start3A_1102 = arith.constant 0 : i32
        %dma_start3A_1103 = arith.constant 0 : i32
        %dma_start3A_1104 = tpu.memref_slice %arg3[%dma_start3A_1102, %dma_start3A_1103] : memref<100000x64xf32, #tpu.memory_space<hbm>> -> memref<100000x64xf32, #tpu.memory_space<hbm>>
        tpu.enqueue_indirect_dma source(%dma_start3A_1104 : memref<100000x64xf32, #tpu.memory_space<hbm>>) target(%dma_start3A_1098 : memref<16x64xf32, #tpu.memory_space<vmem>>) offsets(%dma_start3A_1101 : memref<16xi32, #tpu.memory_space<vmem>>) semaphore(%arg11 : memref<!tpu.dma_semaphore, #tpu.memory_space<semaphore_mem>>)
        %add3A_1105 = arith.constant 2 : i32
        %add3A_1106 = arith.addi %mul3A_1072, %add3A_1105 : i32
        %dma_start3A_1107 = arith.constant 4 : i32
        %dma_start3A_1108 = arith.constant 0 : i32
        %dma_start3A_1109 = arith.constant 0 : i32
        %dma_start3A_1110 = tpu.memref_slice %arg6[%dma_start3A_1107, %dma_start3A_1108, %dma_start3A_1109] : memref<5x160x64xf32, #tpu.memory_space<vmem>> -> memref<1x160x64xf32, #tpu.memory_space<vmem>>
        %dma_start3A_1111 = tpu.memref_squeeze %dma_start3A_1110 : memref<1x160x64xf32, #tpu.memory_space<vmem>> -> memref<160x64xf32, #tpu.memory_space<vmem>>
        %dma_start3A_1112 = arith.constant 32 : i32
        %dma_start3A_1113 = arith.constant 0 : i32
        %dma_start3A_1114 = tpu.memref_slice %dma_start3A_1111[%dma_start3A_1112, %dma_start3A_1113] : memref<160x64xf32, #tpu.memory_space<vmem>> -> memref<16x64xf32, #tpu.memory_space<vmem>>
        %dma_start3A_1115 = arith.constant 0 : i32
        %dma_start3A_1116 = tpu.memref_slice %arg5[%select_n3A_1054, %add3A_1106, %dma_start3A_1115] : memref<32x50x16xi32, #tpu.memory_space<vmem>> -> memref<1x1x16xi32, #tpu.memory_space<vmem>>
        %dma_start3A_1117 = tpu.memref_squeeze %dma_start3A_1116 : memref<1x1x16xi32, #tpu.memory_space<vmem>> -> memref<16xi32, #tpu.memory_space<vmem>>
        %dma_start3A_1118 = arith.constant 0 : i32
        %dma_start3A_1119 = arith.constant 0 : i32
        %dma_start3A_1120 = tpu.memref_slice %arg3[%dma_start3A_1118, %dma_start3A_1119] : memref<100000x64xf32, #tpu.memory_space<hbm>> -> memref<100000x64xf32, #tpu.memory_space<hbm>>
        tpu.enqueue_indirect_dma source(%dma_start3A_1120 : memref<100000x64xf32, #tpu.memory_space<hbm>>) target(%dma_start3A_1114 : memref<16x64xf32, #tpu.memory_space<vmem>>) offsets(%dma_start3A_1117 : memref<16xi32, #tpu.memory_space<vmem>>) semaphore(%arg11 : memref<!tpu.dma_semaphore, #tpu.memory_space<semaphore_mem>>)
        %add3A_1121 = arith.constant 3 : i32
        %add3A_1122 = arith.addi %mul3A_1072, %add3A_1121 : i32
        %dma_start3A_1123 = arith.constant 4 : i32
        %dma_start3A_1124 = arith.constant 0 : i32
        %dma_start3A_1125 = arith.constant 0 : i32
        %dma_start3A_1126 = tpu.memref_slice %arg6[%dma_start3A_1123, %dma_start3A_1124, %dma_start3A_1125] : memref<5x160x64xf32, #tpu.memory_space<vmem>> -> memref<1x160x64xf32, #tpu.memory_space<vmem>>
        %dma_start3A_1127 = tpu.memref_squeeze %dma_start3A_1126 : memref<1x160x64xf32, #tpu.memory_space<vmem>> -> memref<160x64xf32, #tpu.memory_space<vmem>>
        %dma_start3A_1128 = arith.constant 48 : i32
        %dma_start3A_1129 = arith.constant 0 : i32
        %dma_start3A_1130 = tpu.memref_slice %dma_start3A_1127[%dma_start3A_1128, %dma_start3A_1129] : memref<160x64xf32, #tpu.memory_space<vmem>> -> memref<16x64xf32, #tpu.memory_space<vmem>>
        %dma_start3A_1131 = arith.constant 0 : i32
        %dma_start3A_1132 = tpu.memref_slice %arg5[%select_n3A_1054, %add3A_1122, %dma_start3A_1131] : memref<32x50x16xi32, #tpu.memory_space<vmem>> -> memref<1x1x16xi32, #tpu.memory_space<vmem>>
        %dma_start3A_1133 = tpu.memref_squeeze %dma_start3A_1132 : memref<1x1x16xi32, #tpu.memory_space<vmem>> -> memref<16xi32, #tpu.memory_space<vmem>>
        %dma_start3A_1134 = arith.constant 0 : i32
        %dma_start3A_1135 = arith.constant 0 : i32
        %dma_start3A_1136 = tpu.memref_slice %arg3[%dma_start3A_1134, %dma_start3A_1135] : memref<100000x64xf32, #tpu.memory_space<hbm>> -> memref<100000x64xf32, #tpu.memory_space<hbm>>
        tpu.enqueue_indirect_dma source(%dma_start3A_1136 : memref<100000x64xf32, #tpu.memory_space<hbm>>) target(%dma_start3A_1130 : memref<16x64xf32, #tpu.memory_space<vmem>>) offsets(%dma_start3A_1133 : memref<16xi32, #tpu.memory_space<vmem>>) semaphore(%arg11 : memref<!tpu.dma_semaphore, #tpu.memory_space<semaphore_mem>>)
        %add3A_1137 = arith.constant 4 : i32
        %add3A_1138 = arith.addi %mul3A_1072, %add3A_1137 : i32
        %dma_start3A_1139 = arith.constant 4 : i32
        %dma_start3A_1140 = arith.constant 0 : i32
        %dma_start3A_1141 = arith.constant 0 : i32
        %dma_start3A_1142 = tpu.memref_slice %arg6[%dma_start3A_1139, %dma_start3A_1140, %dma_start3A_1141] : memref<5x160x64xf32, #tpu.memory_space<vmem>> -> memref<1x160x64xf32, #tpu.memory_space<vmem>>
        %dma_start3A_1143 = tpu.memref_squeeze %dma_start3A_1142 : memref<1x160x64xf32, #tpu.memory_space<vmem>> -> memref<160x64xf32, #tpu.memory_space<vmem>>
        %dma_start3A_1144 = arith.constant 64 : i32
        %dma_start3A_1145 = arith.constant 0 : i32
        %dma_start3A_1146 = tpu.memref_slice %dma_start3A_1143[%dma_start3A_1144, %dma_start3A_1145] : memref<160x64xf32, #tpu.memory_space<vmem>> -> memref<16x64xf32, #tpu.memory_space<vmem>>
        %dma_start3A_1147 = arith.constant 0 : i32
        %dma_start3A_1148 = tpu.memref_slice %arg5[%select_n3A_1054, %add3A_1138, %dma_start3A_1147] : memref<32x50x16xi32, #tpu.memory_space<vmem>> -> memref<1x1x16xi32, #tpu.memory_space<vmem>>
        %dma_start3A_1149 = tpu.memref_squeeze %dma_start3A_1148 : memref<1x1x16xi32, #tpu.memory_space<vmem>> -> memref<16xi32, #tpu.memory_space<vmem>>
        %dma_start3A_1150 = arith.constant 0 : i32
        %dma_start3A_1151 = arith.constant 0 : i32
        %dma_start3A_1152 = tpu.memref_slice %arg3[%dma_start3A_1150, %dma_start3A_1151] : memref<100000x64xf32, #tpu.memory_space<hbm>> -> memref<100000x64xf32, #tpu.memory_space<hbm>>
        tpu.enqueue_indirect_dma source(%dma_start3A_1152 : memref<100000x64xf32, #tpu.memory_space<hbm>>) target(%dma_start3A_1146 : memref<16x64xf32, #tpu.memory_space<vmem>>) offsets(%dma_start3A_1149 : memref<16xi32, #tpu.memory_space<vmem>>) semaphore(%arg11 : memref<!tpu.dma_semaphore, #tpu.memory_space<semaphore_mem>>)
        %add3A_1153 = arith.constant 5 : i32
        %add3A_1154 = arith.addi %mul3A_1072, %add3A_1153 : i32
        %dma_start3A_1155 = arith.constant 4 : i32
        %dma_start3A_1156 = arith.constant 0 : i32
        %dma_start3A_1157 = arith.constant 0 : i32
        %dma_start3A_1158 = tpu.memref_slice %arg6[%dma_start3A_1155, %dma_start3A_1156, %dma_start3A_1157] : memref<5x160x64xf32, #tpu.memory_space<vmem>> -> memref<1x160x64xf32, #tpu.memory_space<vmem>>
        %dma_start3A_1159 = tpu.memref_squeeze %dma_start3A_1158 : memref<1x160x64xf32, #tpu.memory_space<vmem>> -> memref<160x64xf32, #tpu.memory_space<vmem>>
        %dma_start3A_1160 = arith.constant 80 : i32
        %dma_start3A_1161 = arith.constant 0 : i32
        %dma_start3A_1162 = tpu.memref_slice %dma_start3A_1159[%dma_start3A_1160, %dma_start3A_1161] : memref<160x64xf32, #tpu.memory_space<vmem>> -> memref<16x64xf32, #tpu.memory_space<vmem>>
        %dma_start3A_1163 = arith.constant 0 : i32
        %dma_start3A_1164 = tpu.memref_slice %arg5[%select_n3A_1054, %add3A_1154, %dma_start3A_1163] : memref<32x50x16xi32, #tpu.memory_space<vmem>> -> memref<1x1x16xi32, #tpu.memory_space<vmem>>
        %dma_start3A_1165 = tpu.memref_squeeze %dma_start3A_1164 : memref<1x1x16xi32, #tpu.memory_space<vmem>> -> memref<16xi32, #tpu.memory_space<vmem>>
        %dma_start3A_1166 = arith.constant 0 : i32
        %dma_start3A_1167 = arith.constant 0 : i32
        %dma_start3A_1168 = tpu.memref_slice %arg3[%dma_start3A_1166, %dma_start3A_1167] : memref<100000x64xf32, #tpu.memory_space<hbm>> -> memref<100000x64xf32, #tpu.memory_space<hbm>>
        tpu.enqueue_indirect_dma source(%dma_start3A_1168 : memref<100000x64xf32, #tpu.memory_space<hbm>>) target(%dma_start3A_1162 : memref<16x64xf32, #tpu.memory_space<vmem>>) offsets(%dma_start3A_1165 : memref<16xi32, #tpu.memory_space<vmem>>) semaphore(%arg11 : memref<!tpu.dma_semaphore, #tpu.memory_space<semaphore_mem>>)
        %add3A_1169 = arith.constant 6 : i32
        %add3A_1170 = arith.addi %mul3A_1072, %add3A_1169 : i32
        %dma_start3A_1171 = arith.constant 4 : i32
        %dma_start3A_1172 = arith.constant 0 : i32
        %dma_start3A_1173 = arith.constant 0 : i32
        %dma_start3A_1174 = tpu.memref_slice %arg6[%dma_start3A_1171, %dma_start3A_1172, %dma_start3A_1173] : memref<5x160x64xf32, #tpu.memory_space<vmem>> -> memref<1x160x64xf32, #tpu.memory_space<vmem>>
        %dma_start3A_1175 = tpu.memref_squeeze %dma_start3A_1174 : memref<1x160x64xf32, #tpu.memory_space<vmem>> -> memref<160x64xf32, #tpu.memory_space<vmem>>
        %dma_start3A_1176 = arith.constant 96 : i32
        %dma_start3A_1177 = arith.constant 0 : i32
        %dma_start3A_1178 = tpu.memref_slice %dma_start3A_1175[%dma_start3A_1176, %dma_start3A_1177] : memref<160x64xf32, #tpu.memory_space<vmem>> -> memref<16x64xf32, #tpu.memory_space<vmem>>
        %dma_start3A_1179 = arith.constant 0 : i32
        %dma_start3A_1180 = tpu.memref_slice %arg5[%select_n3A_1054, %add3A_1170, %dma_start3A_1179] : memref<32x50x16xi32, #tpu.memory_space<vmem>> -> memref<1x1x16xi32, #tpu.memory_space<vmem>>
        %dma_start3A_1181 = tpu.memref_squeeze %dma_start3A_1180 : memref<1x1x16xi32, #tpu.memory_space<vmem>> -> memref<16xi32, #tpu.memory_space<vmem>>
        %dma_start3A_1182 = arith.constant 0 : i32
        %dma_start3A_1183 = arith.constant 0 : i32
        %dma_start3A_1184 = tpu.memref_slice %arg3[%dma_start3A_1182, %dma_start3A_1183] : memref<100000x64xf32, #tpu.memory_space<hbm>> -> memref<100000x64xf32, #tpu.memory_space<hbm>>
        tpu.enqueue_indirect_dma source(%dma_start3A_1184 : memref<100000x64xf32, #tpu.memory_space<hbm>>) target(%dma_start3A_1178 : memref<16x64xf32, #tpu.memory_space<vmem>>) offsets(%dma_start3A_1181 : memref<16xi32, #tpu.memory_space<vmem>>) semaphore(%arg11 : memref<!tpu.dma_semaphore, #tpu.memory_space<semaphore_mem>>)
        %add3A_1185 = arith.constant 7 : i32
        %add3A_1186 = arith.addi %mul3A_1072, %add3A_1185 : i32
        %dma_start3A_1187 = arith.constant 4 : i32
        %dma_start3A_1188 = arith.constant 0 : i32
        %dma_start3A_1189 = arith.constant 0 : i32
        %dma_start3A_1190 = tpu.memref_slice %arg6[%dma_start3A_1187, %dma_start3A_1188, %dma_start3A_1189] : memref<5x160x64xf32, #tpu.memory_space<vmem>> -> memref<1x160x64xf32, #tpu.memory_space<vmem>>
        %dma_start3A_1191 = tpu.memref_squeeze %dma_start3A_1190 : memref<1x160x64xf32, #tpu.memory_space<vmem>> -> memref<160x64xf32, #tpu.memory_space<vmem>>
        %dma_start3A_1192 = arith.constant 112 : i32
        %dma_start3A_1193 = arith.constant 0 : i32
        %dma_start3A_1194 = tpu.memref_slice %dma_start3A_1191[%dma_start3A_1192, %dma_start3A_1193] : memref<160x64xf32, #tpu.memory_space<vmem>> -> memref<16x64xf32, #tpu.memory_space<vmem>>
        %dma_start3A_1195 = arith.constant 0 : i32
        %dma_start3A_1196 = tpu.memref_slice %arg5[%select_n3A_1054, %add3A_1186, %dma_start3A_1195] : memref<32x50x16xi32, #tpu.memory_space<vmem>> -> memref<1x1x16xi32, #tpu.memory_space<vmem>>
        %dma_start3A_1197 = tpu.memref_squeeze %dma_start3A_1196 : memref<1x1x16xi32, #tpu.memory_space<vmem>> -> memref<16xi32, #tpu.memory_space<vmem>>
        %dma_start3A_1198 = arith.constant 0 : i32
        %dma_start3A_1199 = arith.constant 0 : i32
        %dma_start3A_1200 = tpu.memref_slice %arg3[%dma_start3A_1198, %dma_start3A_1199] : memref<100000x64xf32, #tpu.memory_space<hbm>> -> memref<100000x64xf32, #tpu.memory_space<hbm>>
        tpu.enqueue_indirect_dma source(%dma_start3A_1200 : memref<100000x64xf32, #tpu.memory_space<hbm>>) target(%dma_start3A_1194 : memref<16x64xf32, #tpu.memory_space<vmem>>) offsets(%dma_start3A_1197 : memref<16xi32, #tpu.memory_space<vmem>>) semaphore(%arg11 : memref<!tpu.dma_semaphore, #tpu.memory_space<semaphore_mem>>)
        %add3A_1201 = arith.constant 8 : i32
        %add3A_1202 = arith.addi %mul3A_1072, %add3A_1201 : i32
        %dma_start3A_1203 = arith.constant 4 : i32
        %dma_start3A_1204 = arith.constant 0 : i32
        %dma_start3A_1205 = arith.constant 0 : i32
        %dma_start3A_1206 = tpu.memref_slice %arg6[%dma_start3A_1203, %dma_start3A_1204, %dma_start3A_1205] : memref<5x160x64xf32, #tpu.memory_space<vmem>> -> memref<1x160x64xf32, #tpu.memory_space<vmem>>
        %dma_start3A_1207 = tpu.memref_squeeze %dma_start3A_1206 : memref<1x160x64xf32, #tpu.memory_space<vmem>> -> memref<160x64xf32, #tpu.memory_space<vmem>>
        %dma_start3A_1208 = arith.constant 128 : i32
        %dma_start3A_1209 = arith.constant 0 : i32
        %dma_start3A_1210 = tpu.memref_slice %dma_start3A_1207[%dma_start3A_1208, %dma_start3A_1209] : memref<160x64xf32, #tpu.memory_space<vmem>> -> memref<16x64xf32, #tpu.memory_space<vmem>>
        %dma_start3A_1211 = arith.constant 0 : i32
        %dma_start3A_1212 = tpu.memref_slice %arg5[%select_n3A_1054, %add3A_1202, %dma_start3A_1211] : memref<32x50x16xi32, #tpu.memory_space<vmem>> -> memref<1x1x16xi32, #tpu.memory_space<vmem>>
        %dma_start3A_1213 = tpu.memref_squeeze %dma_start3A_1212 : memref<1x1x16xi32, #tpu.memory_space<vmem>> -> memref<16xi32, #tpu.memory_space<vmem>>
        %dma_start3A_1214 = arith.constant 0 : i32
        %dma_start3A_1215 = arith.constant 0 : i32
        %dma_start3A_1216 = tpu.memref_slice %arg3[%dma_start3A_1214, %dma_start3A_1215] : memref<100000x64xf32, #tpu.memory_space<hbm>> -> memref<100000x64xf32, #tpu.memory_space<hbm>>
        tpu.enqueue_indirect_dma source(%dma_start3A_1216 : memref<100000x64xf32, #tpu.memory_space<hbm>>) target(%dma_start3A_1210 : memref<16x64xf32, #tpu.memory_space<vmem>>) offsets(%dma_start3A_1213 : memref<16xi32, #tpu.memory_space<vmem>>) semaphore(%arg11 : memref<!tpu.dma_semaphore, #tpu.memory_space<semaphore_mem>>)
        %add3A_1217 = arith.constant 9 : i32
        %add3A_1218 = arith.addi %mul3A_1072, %add3A_1217 : i32
        %dma_start3A_1219 = arith.constant 4 : i32
        %dma_start3A_1220 = arith.constant 0 : i32
        %dma_start3A_1221 = arith.constant 0 : i32
        %dma_start3A_1222 = tpu.memref_slice %arg6[%dma_start3A_1219, %dma_start3A_1220, %dma_start3A_1221] : memref<5x160x64xf32, #tpu.memory_space<vmem>> -> memref<1x160x64xf32, #tpu.memory_space<vmem>>
        %dma_start3A_1223 = tpu.memref_squeeze %dma_start3A_1222 : memref<1x160x64xf32, #tpu.memory_space<vmem>> -> memref<160x64xf32, #tpu.memory_space<vmem>>
        %dma_start3A_1224 = arith.constant 144 : i32
        %dma_start3A_1225 = arith.constant 0 : i32
        %dma_start3A_1226 = tpu.memref_slice %dma_start3A_1223[%dma_start3A_1224, %dma_start3A_1225] : memref<160x64xf32, #tpu.memory_space<vmem>> -> memref<16x64xf32, #tpu.memory_space<vmem>>
        %dma_start3A_1227 = arith.constant 0 : i32
        %dma_start3A_1228 = tpu.memref_slice %arg5[%select_n3A_1054, %add3A_1218, %dma_start3A_1227] : memref<32x50x16xi32, #tpu.memory_space<vmem>> -> memref<1x1x16xi32, #tpu.memory_space<vmem>>
        %dma_start3A_1229 = tpu.memref_squeeze %dma_start3A_1228 : memref<1x1x16xi32, #tpu.memory_space<vmem>> -> memref<16xi32, #tpu.memory_space<vmem>>
        %dma_start3A_1230 = arith.constant 0 : i32
        %dma_start3A_1231 = arith.constant 0 : i32
        %dma_start3A_1232 = tpu.memref_slice %arg3[%dma_start3A_1230, %dma_start3A_1231] : memref<100000x64xf32, #tpu.memory_space<hbm>> -> memref<100000x64xf32, #tpu.memory_space<hbm>>
        tpu.enqueue_indirect_dma source(%dma_start3A_1232 : memref<100000x64xf32, #tpu.memory_space<hbm>>) target(%dma_start3A_1226 : memref<16x64xf32, #tpu.memory_space<vmem>>) offsets(%dma_start3A_1229 : memref<16xi32, #tpu.memory_space<vmem>>) semaphore(%arg11 : memref<!tpu.dma_semaphore, #tpu.memory_space<semaphore_mem>>)
      } else {
      }
      %mul3A_758 = arith.constant 5 : i32
      %mul3A_759 = arith.muli %scan3A_591, %mul3A_758 : i32
      %add3A_760 = arith.constant 2 : i32
      %add3A_761 = arith.addi %mul3A_759, %add3A_760 : i32
      %dma_wait3A_762 = arith.constant 2 : i32
      %dma_wait3A_763 = arith.constant 0 : i32
      %dma_wait3A_764 = arith.constant 0 : i32
      %dma_wait3A_765 = tpu.memref_slice %arg6[%dma_wait3A_762, %dma_wait3A_763, %dma_wait3A_764] : memref<5x160x64xf32, #tpu.memory_space<vmem>> -> memref<1x160x64xf32, #tpu.memory_space<vmem>>
      %dma_wait3A_766 = tpu.memref_squeeze %dma_wait3A_765 : memref<1x160x64xf32, #tpu.memory_space<vmem>> -> memref<160x64xf32, #tpu.memory_space<vmem>>
      %dma_wait3A_767 = arith.constant 0 : i32
      %dma_wait3A_768 = arith.constant 0 : i32
      %dma_wait3A_769 = tpu.memref_slice %arg3[%dma_wait3A_767, %dma_wait3A_768] : memref<100000x64xf32, #tpu.memory_space<hbm>> -> memref<160x64xf32, #tpu.memory_space<hbm>>
      %dma_wait3A_770 = arith.constant 0 : i32
      %dma_wait3A_771 = arith.constant 0 : i32
      %dma_wait3A_772 = tpu.memref_slice %arg6[%dma_wait3A_762, %dma_wait3A_770, %dma_wait3A_771] : memref<5x160x64xf32, #tpu.memory_space<vmem>> -> memref<1x160x64xf32, #tpu.memory_space<vmem>>
      %dma_wait3A_773 = tpu.memref_squeeze %dma_wait3A_772 : memref<1x160x64xf32, #tpu.memory_space<vmem>> -> memref<160x64xf32, #tpu.memory_space<vmem>>
      %dma_wait3A_774 = arith.constant 0 : i32
      %dma_wait3A_775 = arith.constant 0 : i32
      %dma_wait3A_776 = tpu.memref_slice %arg3[%dma_wait3A_774, %dma_wait3A_775] : memref<100000x64xf32, #tpu.memory_space<hbm>> -> memref<160x64xf32, #tpu.memory_space<hbm>>
      tpu.wait_dma2 semaphore(%arg9 : memref<!tpu.dma_semaphore, #tpu.memory_space<semaphore_mem>>) src(%dma_wait3A_776 : memref<160x64xf32, #tpu.memory_space<hbm>>) dst(%dma_wait3A_773 : memref<160x64xf32, #tpu.memory_space<vmem>>)
      %jit3A_777 = arith.constant 5 : i32
      %div3A_778 = arith.divsi %add3A_761, %jit3A_777 : i32
      %sign3A_779 = arith.constant 0 : i32
      %sign3A_780 = arith.cmpi sgt, %add3A_761, %sign3A_779 : i32
      %sign3A_781 = arith.extui %sign3A_780 : i1 to i32
      %sign3A_782 = arith.constant 0 : i32
      %sign3A_783 = arith.cmpi slt, %add3A_761, %sign3A_782 : i32
      %sign3A_784 = arith.extui %sign3A_783 : i1 to i32
      %sign3A_785 = arith.subi %sign3A_781, %sign3A_784 : i32
      %sign3A_786 = arith.constant 0 : i32
      %sign3A_787 = arith.cmpi sgt, %jit3A_777, %sign3A_786 : i32
      %sign3A_788 = arith.extui %sign3A_787 : i1 to i32
      %sign3A_789 = arith.constant 0 : i32
      %sign3A_790 = arith.cmpi slt, %jit3A_777, %sign3A_789 : i32
      %sign3A_791 = arith.extui %sign3A_790 : i1 to i32
      %sign3A_792 = arith.subi %sign3A_788, %sign3A_791 : i32
      %ne3A_793 = arith.cmpi ne, %sign3A_785, %sign3A_792 : i32
      %rem3A_794 = arith.remsi %add3A_761, %jit3A_777 : i32
      %ne3A_795 = arith.constant 0 : i32
      %ne3A_796 = arith.cmpi ne, %rem3A_794, %ne3A_795 : i32
      %and3A_797 = arith.andi %ne3A_793, %ne3A_796 : i1
      %sub3A_798 = arith.constant 1 : i32
      %sub3A_799 = arith.subi %div3A_778, %sub3A_798 : i32
      %select_n3A_800 = arith.select %and3A_797, %sub3A_799, %div3A_778 : i32
      %add3A_801 = arith.addi %mul3A_2, %select_n3A_800 : i32
      %mul3A_802 = arith.constant 50 : i32
      %mul3A_803 = arith.muli %add3A_801, %mul3A_802 : i32
      %mul3A_804 = arith.constant 16 : i32
      %mul3A_805 = arith.muli %mul3A_803, %mul3A_804 : i32
      %jit3A_806 = arith.constant 5 : i32
      %eq3A_807 = arith.constant 0 : i32
      %eq3A_808 = arith.cmpi eq, %jit3A_806, %eq3A_807 : i32
      %jit3A_809 = arith.constant 1 : i32
      %select_n3A_810 = arith.select %eq3A_808, %jit3A_809, %jit3A_806 : i32
      %rem3A_811 = arith.remsi %add3A_761, %select_n3A_810 : i32
      %ne3A_812 = arith.constant 0 : i32
      %ne3A_813 = arith.cmpi ne, %rem3A_811, %ne3A_812 : i32
      %lt3A_814 = arith.constant 0 : i32
      %lt3A_815 = arith.cmpi slt, %rem3A_811, %lt3A_814 : i32
      %lt3A_816 = arith.constant 0 : i32
      %lt3A_817 = arith.cmpi slt, %select_n3A_810, %lt3A_816 : i32
      %ne3A_818 = arith.xori %lt3A_815, %lt3A_817 : i1
      %and3A_819 = arith.andi %ne3A_818, %ne3A_813 : i1
      %add3A_820 = arith.addi %rem3A_811, %select_n3A_810 : i32
      %select_n3A_821 = arith.select %and3A_819, %add3A_820, %rem3A_811 : i32
      %mul3A_822 = arith.constant 10 : i32
      %mul3A_823 = arith.muli %select_n3A_821, %mul3A_822 : i32
      %mul3A_824 = arith.constant 16 : i32
      %mul3A_825 = arith.muli %mul3A_823, %mul3A_824 : i32
      %add3A_826 = arith.addi %mul3A_805, %mul3A_825 : i32
      %dma_start3A_827 = arith.constant 2 : i32
      %dma_start3A_828 = arith.constant 0 : i32
      %dma_start3A_829 = arith.constant 0 : i32
      %dma_start3A_830 = tpu.memref_slice %arg6[%dma_start3A_827, %dma_start3A_828, %dma_start3A_829] : memref<5x160x64xf32, #tpu.memory_space<vmem>> -> memref<1x160x64xf32, #tpu.memory_space<vmem>>
      %dma_start3A_831 = tpu.memref_squeeze %dma_start3A_830 : memref<1x160x64xf32, #tpu.memory_space<vmem>> -> memref<160x64xf32, #tpu.memory_space<vmem>>
      %dma_start3A_832 = arith.constant 0 : i32
      %dma_start3A_833 = tpu.memref_slice %arg4[%add3A_826, %dma_start3A_832] : memref<819200x128xf32, #tpu.memory_space<hbm>> -> memref<160x64xf32, #tpu.memory_space<hbm>>
      %dma_start3A_834 = arith.constant 0 : i32
      %dma_start3A_835 = tpu.memref_slice %arg4[%add3A_826, %dma_start3A_834] : memref<819200x128xf32, #tpu.memory_space<hbm>> -> memref<160x64xf32, #tpu.memory_space<hbm>>
      %dma_start3A_836 = arith.constant 0 : i32
      %dma_start3A_837 = arith.constant 0 : i32
      %dma_start3A_838 = tpu.memref_slice %arg6[%dma_start3A_827, %dma_start3A_836, %dma_start3A_837] : memref<5x160x64xf32, #tpu.memory_space<vmem>> -> memref<1x160x64xf32, #tpu.memory_space<vmem>>
      %dma_start3A_839 = tpu.memref_squeeze %dma_start3A_838 : memref<1x160x64xf32, #tpu.memory_space<vmem>> -> memref<160x64xf32, #tpu.memory_space<vmem>>
      tpu.enqueue_dma source(%dma_start3A_839 : memref<160x64xf32, #tpu.memory_space<vmem>>) target(%dma_start3A_835 : memref<160x64xf32, #tpu.memory_space<hbm>>) target_semaphore(%arg14 : memref<!tpu.dma_semaphore, #tpu.memory_space<semaphore_mem>>)
      %add3A_840 = arith.constant 3 : i32
      %add3A_841 = arith.addi %add3A_761, %add3A_840 : i32
      %lt3A_842 = arith.constant 160 : i32
      %lt3A_843 = arith.cmpi slt, %add3A_841, %lt3A_842 : i32
      %convert_element_type3A_844 = arith.extui %lt3A_843 : i1 to i32
      %cond3A_845 = arith.constant 0 : i32
      %cond3A_846 = arith.cmpi ne, %convert_element_type3A_844, %cond3A_845 : i32
      scf.if %cond3A_846 {
        %ge3A = arith.constant 2 : i32
        %ge3A_1025 = arith.cmpi sge, %add3A_761, %ge3A : i32
        %convert_element_type3A_1026 = arith.extui %ge3A_1025 : i1 to i32
        %cond3A_1027 = arith.constant 0 : i32
        %cond3A_1028 = arith.cmpi ne, %convert_element_type3A_1026, %cond3A_1027 : i32
        scf.if %cond3A_1028 {
          %sub3A_1233 = arith.constant 2 : i32
          %sub3A_1234 = arith.subi %add3A_761, %sub3A_1233 : i32
          %jit3A_1235 = arith.constant 5 : i32
          %div3A_1236 = arith.divsi %sub3A_1234, %jit3A_1235 : i32
          %sign3A_1237 = arith.constant 0 : i32
          %sign3A_1238 = arith.cmpi sgt, %sub3A_1234, %sign3A_1237 : i32
          %sign3A_1239 = arith.extui %sign3A_1238 : i1 to i32
          %sign3A_1240 = arith.constant 0 : i32
          %sign3A_1241 = arith.cmpi slt, %sub3A_1234, %sign3A_1240 : i32
          %sign3A_1242 = arith.extui %sign3A_1241 : i1 to i32
          %sign3A_1243 = arith.subi %sign3A_1239, %sign3A_1242 : i32
          %sign3A_1244 = arith.constant 0 : i32
          %sign3A_1245 = arith.cmpi sgt, %jit3A_1235, %sign3A_1244 : i32
          %sign3A_1246 = arith.extui %sign3A_1245 : i1 to i32
          %sign3A_1247 = arith.constant 0 : i32
          %sign3A_1248 = arith.cmpi slt, %jit3A_1235, %sign3A_1247 : i32
          %sign3A_1249 = arith.extui %sign3A_1248 : i1 to i32
          %sign3A_1250 = arith.subi %sign3A_1246, %sign3A_1249 : i32
          %ne3A_1251 = arith.cmpi ne, %sign3A_1243, %sign3A_1250 : i32
          %rem3A_1252 = arith.remsi %sub3A_1234, %jit3A_1235 : i32
          %ne3A_1253 = arith.constant 0 : i32
          %ne3A_1254 = arith.cmpi ne, %rem3A_1252, %ne3A_1253 : i32
          %and3A_1255 = arith.andi %ne3A_1251, %ne3A_1254 : i1
          %sub3A_1256 = arith.constant 1 : i32
          %sub3A_1257 = arith.subi %div3A_1236, %sub3A_1256 : i32
          %select_n3A_1258 = arith.select %and3A_1255, %sub3A_1257, %div3A_1236 : i32
          %add3A_1259 = arith.addi %mul3A_2, %select_n3A_1258 : i32
          %mul3A_1260 = arith.constant 50 : i32
          %mul3A_1261 = arith.muli %add3A_1259, %mul3A_1260 : i32
          %mul3A_1262 = arith.constant 16 : i32
          %mul3A_1263 = arith.muli %mul3A_1261, %mul3A_1262 : i32
          %jit3A_1264 = arith.constant 5 : i32
          %eq3A_1265 = arith.constant 0 : i32
          %eq3A_1266 = arith.cmpi eq, %jit3A_1264, %eq3A_1265 : i32
          %jit3A_1267 = arith.constant 1 : i32
          %select_n3A_1268 = arith.select %eq3A_1266, %jit3A_1267, %jit3A_1264 : i32
          %rem3A_1269 = arith.remsi %sub3A_1234, %select_n3A_1268 : i32
          %ne3A_1270 = arith.constant 0 : i32
          %ne3A_1271 = arith.cmpi ne, %rem3A_1269, %ne3A_1270 : i32
          %lt3A_1272 = arith.constant 0 : i32
          %lt3A_1273 = arith.cmpi slt, %rem3A_1269, %lt3A_1272 : i32
          %lt3A_1274 = arith.constant 0 : i32
          %lt3A_1275 = arith.cmpi slt, %select_n3A_1268, %lt3A_1274 : i32
          %ne3A_1276 = arith.xori %lt3A_1273, %lt3A_1275 : i1
          %and3A_1277 = arith.andi %ne3A_1276, %ne3A_1271 : i1
          %add3A_1278 = arith.addi %rem3A_1269, %select_n3A_1268 : i32
          %select_n3A_1279 = arith.select %and3A_1277, %add3A_1278, %rem3A_1269 : i32
          %mul3A_1280 = arith.constant 10 : i32
          %mul3A_1281 = arith.muli %select_n3A_1279, %mul3A_1280 : i32
          %mul3A_1282 = arith.constant 16 : i32
          %mul3A_1283 = arith.muli %mul3A_1281, %mul3A_1282 : i32
          %add3A_1284 = arith.addi %mul3A_1263, %mul3A_1283 : i32
          %dma_wait3A_1285 = arith.constant 0 : i32
          %dma_wait3A_1286 = arith.constant 0 : i32
          %dma_wait3A_1287 = arith.constant 0 : i32
          %dma_wait3A_1288 = tpu.memref_slice %arg6[%dma_wait3A_1285, %dma_wait3A_1286, %dma_wait3A_1287] : memref<5x160x64xf32, #tpu.memory_space<vmem>> -> memref<1x160x64xf32, #tpu.memory_space<vmem>>
          %dma_wait3A_1289 = tpu.memref_squeeze %dma_wait3A_1288 : memref<1x160x64xf32, #tpu.memory_space<vmem>> -> memref<160x64xf32, #tpu.memory_space<vmem>>
          %dma_wait3A_1290 = arith.constant 0 : i32
          %dma_wait3A_1291 = tpu.memref_slice %arg4[%add3A_1284, %dma_wait3A_1290] : memref<819200x128xf32, #tpu.memory_space<hbm>> -> memref<160x64xf32, #tpu.memory_space<hbm>>
          %dma_wait3A_1292 = arith.constant 0 : i32
          %dma_wait3A_1293 = tpu.memref_slice %arg4[%add3A_1284, %dma_wait3A_1292] : memref<819200x128xf32, #tpu.memory_space<hbm>> -> memref<160x64xf32, #tpu.memory_space<hbm>>
          %dma_wait3A_1294 = arith.constant 0 : i32
          %dma_wait3A_1295 = arith.constant 0 : i32
          %dma_wait3A_1296 = tpu.memref_slice %arg6[%dma_wait3A_1285, %dma_wait3A_1294, %dma_wait3A_1295] : memref<5x160x64xf32, #tpu.memory_space<vmem>> -> memref<1x160x64xf32, #tpu.memory_space<vmem>>
          %dma_wait3A_1297 = tpu.memref_squeeze %dma_wait3A_1296 : memref<1x160x64xf32, #tpu.memory_space<vmem>> -> memref<160x64xf32, #tpu.memory_space<vmem>>
          tpu.wait_dma2 semaphore(%arg12 : memref<!tpu.dma_semaphore, #tpu.memory_space<semaphore_mem>>) src(%dma_wait3A_1297 : memref<160x64xf32, #tpu.memory_space<vmem>>) dst(%dma_wait3A_1293 : memref<160x64xf32, #tpu.memory_space<hbm>>)
        } else {
        }
        %add3A_1029 = arith.constant 3 : i32
        %add3A_1030 = arith.addi %add3A_761, %add3A_1029 : i32
        %jit3A_1031 = arith.constant 5 : i32
        %div3A_1032 = arith.divsi %add3A_1030, %jit3A_1031 : i32
        %sign3A_1033 = arith.constant 0 : i32
        %sign3A_1034 = arith.cmpi sgt, %add3A_1030, %sign3A_1033 : i32
        %sign3A_1035 = arith.extui %sign3A_1034 : i1 to i32
        %sign3A_1036 = arith.constant 0 : i32
        %sign3A_1037 = arith.cmpi slt, %add3A_1030, %sign3A_1036 : i32
        %sign3A_1038 = arith.extui %sign3A_1037 : i1 to i32
        %sign3A_1039 = arith.subi %sign3A_1035, %sign3A_1038 : i32
        %sign3A_1040 = arith.constant 0 : i32
        %sign3A_1041 = arith.cmpi sgt, %jit3A_1031, %sign3A_1040 : i32
        %sign3A_1042 = arith.extui %sign3A_1041 : i1 to i32
        %sign3A_1043 = arith.constant 0 : i32
        %sign3A_1044 = arith.cmpi slt, %jit3A_1031, %sign3A_1043 : i32
        %sign3A_1045 = arith.extui %sign3A_1044 : i1 to i32
        %sign3A_1046 = arith.subi %sign3A_1042, %sign3A_1045 : i32
        %ne3A_1047 = arith.cmpi ne, %sign3A_1039, %sign3A_1046 : i32
        %rem3A_1048 = arith.remsi %add3A_1030, %jit3A_1031 : i32
        %ne3A_1049 = arith.constant 0 : i32
        %ne3A_1050 = arith.cmpi ne, %rem3A_1048, %ne3A_1049 : i32
        %and3A_1051 = arith.andi %ne3A_1047, %ne3A_1050 : i1
        %sub3A_1052 = arith.constant 1 : i32
        %sub3A_1053 = arith.subi %div3A_1032, %sub3A_1052 : i32
        %select_n3A_1054 = arith.select %and3A_1051, %sub3A_1053, %div3A_1032 : i32
        %jit3A_1055 = arith.constant 5 : i32
        %eq3A_1056 = arith.constant 0 : i32
        %eq3A_1057 = arith.cmpi eq, %jit3A_1055, %eq3A_1056 : i32
        %jit3A_1058 = arith.constant 1 : i32
        %select_n3A_1059 = arith.select %eq3A_1057, %jit3A_1058, %jit3A_1055 : i32
        %rem3A_1060 = arith.remsi %add3A_1030, %select_n3A_1059 : i32
        %ne3A_1061 = arith.constant 0 : i32
        %ne3A_1062 = arith.cmpi ne, %rem3A_1060, %ne3A_1061 : i32
        %lt3A_1063 = arith.constant 0 : i32
        %lt3A_1064 = arith.cmpi slt, %rem3A_1060, %lt3A_1063 : i32
        %lt3A_1065 = arith.constant 0 : i32
        %lt3A_1066 = arith.cmpi slt, %select_n3A_1059, %lt3A_1065 : i32
        %ne3A_1067 = arith.xori %lt3A_1064, %lt3A_1066 : i1
        %and3A_1068 = arith.andi %ne3A_1067, %ne3A_1062 : i1
        %add3A_1069 = arith.addi %rem3A_1060, %select_n3A_1059 : i32
        %select_n3A_1070 = arith.select %and3A_1068, %add3A_1069, %rem3A_1060 : i32
        %mul3A_1071 = arith.constant 10 : i32
        %mul3A_1072 = arith.muli %select_n3A_1070, %mul3A_1071 : i32
        %add3A_1073 = arith.constant 0 : i32
        %add3A_1074 = arith.addi %mul3A_1072, %add3A_1073 : i32
        %dma_start3A_1075 = arith.constant 0 : i32
        %dma_start3A_1076 = arith.constant 0 : i32
        %dma_start3A_1077 = arith.constant 0 : i32
        %dma_start3A_1078 = tpu.memref_slice %arg6[%dma_start3A_1075, %dma_start3A_1076, %dma_start3A_1077] : memref<5x160x64xf32, #tpu.memory_space<vmem>> -> memref<1x160x64xf32, #tpu.memory_space<vmem>>
        %dma_start3A_1079 = tpu.memref_squeeze %dma_start3A_1078 : memref<1x160x64xf32, #tpu.memory_space<vmem>> -> memref<160x64xf32, #tpu.memory_space<vmem>>
        %dma_start3A_1080 = arith.constant 0 : i32
        %dma_start3A_1081 = arith.constant 0 : i32
        %dma_start3A_1082 = tpu.memref_slice %dma_start3A_1079[%dma_start3A_1080, %dma_start3A_1081] : memref<160x64xf32, #tpu.memory_space<vmem>> -> memref<16x64xf32, #tpu.memory_space<vmem>>
        %dma_start3A_1083 = arith.constant 0 : i32
        %dma_start3A_1084 = tpu.memref_slice %arg5[%select_n3A_1054, %add3A_1074, %dma_start3A_1083] : memref<32x50x16xi32, #tpu.memory_space<vmem>> -> memref<1x1x16xi32, #tpu.memory_space<vmem>>
        %dma_start3A_1085 = tpu.memref_squeeze %dma_start3A_1084 : memref<1x1x16xi32, #tpu.memory_space<vmem>> -> memref<16xi32, #tpu.memory_space<vmem>>
        %dma_start3A_1086 = arith.constant 0 : i32
        %dma_start3A_1087 = arith.constant 0 : i32
        %dma_start3A_1088 = tpu.memref_slice %arg3[%dma_start3A_1086, %dma_start3A_1087] : memref<100000x64xf32, #tpu.memory_space<hbm>> -> memref<100000x64xf32, #tpu.memory_space<hbm>>
        tpu.enqueue_indirect_dma source(%dma_start3A_1088 : memref<100000x64xf32, #tpu.memory_space<hbm>>) target(%dma_start3A_1082 : memref<16x64xf32, #tpu.memory_space<vmem>>) offsets(%dma_start3A_1085 : memref<16xi32, #tpu.memory_space<vmem>>) semaphore(%arg7 : memref<!tpu.dma_semaphore, #tpu.memory_space<semaphore_mem>>)
        %add3A_1089 = arith.constant 1 : i32
        %add3A_1090 = arith.addi %mul3A_1072, %add3A_1089 : i32
        %dma_start3A_1091 = arith.constant 0 : i32
        %dma_start3A_1092 = arith.constant 0 : i32
        %dma_start3A_1093 = arith.constant 0 : i32
        %dma_start3A_1094 = tpu.memref_slice %arg6[%dma_start3A_1091, %dma_start3A_1092, %dma_start3A_1093] : memref<5x160x64xf32, #tpu.memory_space<vmem>> -> memref<1x160x64xf32, #tpu.memory_space<vmem>>
        %dma_start3A_1095 = tpu.memref_squeeze %dma_start3A_1094 : memref<1x160x64xf32, #tpu.memory_space<vmem>> -> memref<160x64xf32, #tpu.memory_space<vmem>>
        %dma_start3A_1096 = arith.constant 16 : i32
        %dma_start3A_1097 = arith.constant 0 : i32
        %dma_start3A_1098 = tpu.memref_slice %dma_start3A_1095[%dma_start3A_1096, %dma_start3A_1097] : memref<160x64xf32, #tpu.memory_space<vmem>> -> memref<16x64xf32, #tpu.memory_space<vmem>>
        %dma_start3A_1099 = arith.constant 0 : i32
        %dma_start3A_1100 = tpu.memref_slice %arg5[%select_n3A_1054, %add3A_1090, %dma_start3A_1099] : memref<32x50x16xi32, #tpu.memory_space<vmem>> -> memref<1x1x16xi32, #tpu.memory_space<vmem>>
        %dma_start3A_1101 = tpu.memref_squeeze %dma_start3A_1100 : memref<1x1x16xi32, #tpu.memory_space<vmem>> -> memref<16xi32, #tpu.memory_space<vmem>>
        %dma_start3A_1102 = arith.constant 0 : i32
        %dma_start3A_1103 = arith.constant 0 : i32
        %dma_start3A_1104 = tpu.memref_slice %arg3[%dma_start3A_1102, %dma_start3A_1103] : memref<100000x64xf32, #tpu.memory_space<hbm>> -> memref<100000x64xf32, #tpu.memory_space<hbm>>
        tpu.enqueue_indirect_dma source(%dma_start3A_1104 : memref<100000x64xf32, #tpu.memory_space<hbm>>) target(%dma_start3A_1098 : memref<16x64xf32, #tpu.memory_space<vmem>>) offsets(%dma_start3A_1101 : memref<16xi32, #tpu.memory_space<vmem>>) semaphore(%arg7 : memref<!tpu.dma_semaphore, #tpu.memory_space<semaphore_mem>>)
        %add3A_1105 = arith.constant 2 : i32
        %add3A_1106 = arith.addi %mul3A_1072, %add3A_1105 : i32
        %dma_start3A_1107 = arith.constant 0 : i32
        %dma_start3A_1108 = arith.constant 0 : i32
        %dma_start3A_1109 = arith.constant 0 : i32
        %dma_start3A_1110 = tpu.memref_slice %arg6[%dma_start3A_1107, %dma_start3A_1108, %dma_start3A_1109] : memref<5x160x64xf32, #tpu.memory_space<vmem>> -> memref<1x160x64xf32, #tpu.memory_space<vmem>>
        %dma_start3A_1111 = tpu.memref_squeeze %dma_start3A_1110 : memref<1x160x64xf32, #tpu.memory_space<vmem>> -> memref<160x64xf32, #tpu.memory_space<vmem>>
        %dma_start3A_1112 = arith.constant 32 : i32
        %dma_start3A_1113 = arith.constant 0 : i32
        %dma_start3A_1114 = tpu.memref_slice %dma_start3A_1111[%dma_start3A_1112, %dma_start3A_1113] : memref<160x64xf32, #tpu.memory_space<vmem>> -> memref<16x64xf32, #tpu.memory_space<vmem>>
        %dma_start3A_1115 = arith.constant 0 : i32
        %dma_start3A_1116 = tpu.memref_slice %arg5[%select_n3A_1054, %add3A_1106, %dma_start3A_1115] : memref<32x50x16xi32, #tpu.memory_space<vmem>> -> memref<1x1x16xi32, #tpu.memory_space<vmem>>
        %dma_start3A_1117 = tpu.memref_squeeze %dma_start3A_1116 : memref<1x1x16xi32, #tpu.memory_space<vmem>> -> memref<16xi32, #tpu.memory_space<vmem>>
        %dma_start3A_1118 = arith.constant 0 : i32
        %dma_start3A_1119 = arith.constant 0 : i32
        %dma_start3A_1120 = tpu.memref_slice %arg3[%dma_start3A_1118, %dma_start3A_1119] : memref<100000x64xf32, #tpu.memory_space<hbm>> -> memref<100000x64xf32, #tpu.memory_space<hbm>>
        tpu.enqueue_indirect_dma source(%dma_start3A_1120 : memref<100000x64xf32, #tpu.memory_space<hbm>>) target(%dma_start3A_1114 : memref<16x64xf32, #tpu.memory_space<vmem>>) offsets(%dma_start3A_1117 : memref<16xi32, #tpu.memory_space<vmem>>) semaphore(%arg7 : memref<!tpu.dma_semaphore, #tpu.memory_space<semaphore_mem>>)
        %add3A_1121 = arith.constant 3 : i32
        %add3A_1122 = arith.addi %mul3A_1072, %add3A_1121 : i32
        %dma_start3A_1123 = arith.constant 0 : i32
        %dma_start3A_1124 = arith.constant 0 : i32
        %dma_start3A_1125 = arith.constant 0 : i32
        %dma_start3A_1126 = tpu.memref_slice %arg6[%dma_start3A_1123, %dma_start3A_1124, %dma_start3A_1125] : memref<5x160x64xf32, #tpu.memory_space<vmem>> -> memref<1x160x64xf32, #tpu.memory_space<vmem>>
        %dma_start3A_1127 = tpu.memref_squeeze %dma_start3A_1126 : memref<1x160x64xf32, #tpu.memory_space<vmem>> -> memref<160x64xf32, #tpu.memory_space<vmem>>
        %dma_start3A_1128 = arith.constant 48 : i32
        %dma_start3A_1129 = arith.constant 0 : i32
        %dma_start3A_1130 = tpu.memref_slice %dma_start3A_1127[%dma_start3A_1128, %dma_start3A_1129] : memref<160x64xf32, #tpu.memory_space<vmem>> -> memref<16x64xf32, #tpu.memory_space<vmem>>
        %dma_start3A_1131 = arith.constant 0 : i32
        %dma_start3A_1132 = tpu.memref_slice %arg5[%select_n3A_1054, %add3A_1122, %dma_start3A_1131] : memref<32x50x16xi32, #tpu.memory_space<vmem>> -> memref<1x1x16xi32, #tpu.memory_space<vmem>>
        %dma_start3A_1133 = tpu.memref_squeeze %dma_start3A_1132 : memref<1x1x16xi32, #tpu.memory_space<vmem>> -> memref<16xi32, #tpu.memory_space<vmem>>
        %dma_start3A_1134 = arith.constant 0 : i32
        %dma_start3A_1135 = arith.constant 0 : i32
        %dma_start3A_1136 = tpu.memref_slice %arg3[%dma_start3A_1134, %dma_start3A_1135] : memref<100000x64xf32, #tpu.memory_space<hbm>> -> memref<100000x64xf32, #tpu.memory_space<hbm>>
        tpu.enqueue_indirect_dma source(%dma_start3A_1136 : memref<100000x64xf32, #tpu.memory_space<hbm>>) target(%dma_start3A_1130 : memref<16x64xf32, #tpu.memory_space<vmem>>) offsets(%dma_start3A_1133 : memref<16xi32, #tpu.memory_space<vmem>>) semaphore(%arg7 : memref<!tpu.dma_semaphore, #tpu.memory_space<semaphore_mem>>)
        %add3A_1137 = arith.constant 4 : i32
        %add3A_1138 = arith.addi %mul3A_1072, %add3A_1137 : i32
        %dma_start3A_1139 = arith.constant 0 : i32
        %dma_start3A_1140 = arith.constant 0 : i32
        %dma_start3A_1141 = arith.constant 0 : i32
        %dma_start3A_1142 = tpu.memref_slice %arg6[%dma_start3A_1139, %dma_start3A_1140, %dma_start3A_1141] : memref<5x160x64xf32, #tpu.memory_space<vmem>> -> memref<1x160x64xf32, #tpu.memory_space<vmem>>
        %dma_start3A_1143 = tpu.memref_squeeze %dma_start3A_1142 : memref<1x160x64xf32, #tpu.memory_space<vmem>> -> memref<160x64xf32, #tpu.memory_space<vmem>>
        %dma_start3A_1144 = arith.constant 64 : i32
        %dma_start3A_1145 = arith.constant 0 : i32
        %dma_start3A_1146 = tpu.memref_slice %dma_start3A_1143[%dma_start3A_1144, %dma_start3A_1145] : memref<160x64xf32, #tpu.memory_space<vmem>> -> memref<16x64xf32, #tpu.memory_space<vmem>>
        %dma_start3A_1147 = arith.constant 0 : i32
        %dma_start3A_1148 = tpu.memref_slice %arg5[%select_n3A_1054, %add3A_1138, %dma_start3A_1147] : memref<32x50x16xi32, #tpu.memory_space<vmem>> -> memref<1x1x16xi32, #tpu.memory_space<vmem>>
        %dma_start3A_1149 = tpu.memref_squeeze %dma_start3A_1148 : memref<1x1x16xi32, #tpu.memory_space<vmem>> -> memref<16xi32, #tpu.memory_space<vmem>>
        %dma_start3A_1150 = arith.constant 0 : i32
        %dma_start3A_1151 = arith.constant 0 : i32
        %dma_start3A_1152 = tpu.memref_slice %arg3[%dma_start3A_1150, %dma_start3A_1151] : memref<100000x64xf32, #tpu.memory_space<hbm>> -> memref<100000x64xf32, #tpu.memory_space<hbm>>
        tpu.enqueue_indirect_dma source(%dma_start3A_1152 : memref<100000x64xf32, #tpu.memory_space<hbm>>) target(%dma_start3A_1146 : memref<16x64xf32, #tpu.memory_space<vmem>>) offsets(%dma_start3A_1149 : memref<16xi32, #tpu.memory_space<vmem>>) semaphore(%arg7 : memref<!tpu.dma_semaphore, #tpu.memory_space<semaphore_mem>>)
        %add3A_1153 = arith.constant 5 : i32
        %add3A_1154 = arith.addi %mul3A_1072, %add3A_1153 : i32
        %dma_start3A_1155 = arith.constant 0 : i32
        %dma_start3A_1156 = arith.constant 0 : i32
        %dma_start3A_1157 = arith.constant 0 : i32
        %dma_start3A_1158 = tpu.memref_slice %arg6[%dma_start3A_1155, %dma_start3A_1156, %dma_start3A_1157] : memref<5x160x64xf32, #tpu.memory_space<vmem>> -> memref<1x160x64xf32, #tpu.memory_space<vmem>>
        %dma_start3A_1159 = tpu.memref_squeeze %dma_start3A_1158 : memref<1x160x64xf32, #tpu.memory_space<vmem>> -> memref<160x64xf32, #tpu.memory_space<vmem>>
        %dma_start3A_1160 = arith.constant 80 : i32
        %dma_start3A_1161 = arith.constant 0 : i32
        %dma_start3A_1162 = tpu.memref_slice %dma_start3A_1159[%dma_start3A_1160, %dma_start3A_1161] : memref<160x64xf32, #tpu.memory_space<vmem>> -> memref<16x64xf32, #tpu.memory_space<vmem>>
        %dma_start3A_1163 = arith.constant 0 : i32
        %dma_start3A_1164 = tpu.memref_slice %arg5[%select_n3A_1054, %add3A_1154, %dma_start3A_1163] : memref<32x50x16xi32, #tpu.memory_space<vmem>> -> memref<1x1x16xi32, #tpu.memory_space<vmem>>
        %dma_start3A_1165 = tpu.memref_squeeze %dma_start3A_1164 : memref<1x1x16xi32, #tpu.memory_space<vmem>> -> memref<16xi32, #tpu.memory_space<vmem>>
        %dma_start3A_1166 = arith.constant 0 : i32
        %dma_start3A_1167 = arith.constant 0 : i32
        %dma_start3A_1168 = tpu.memref_slice %arg3[%dma_start3A_1166, %dma_start3A_1167] : memref<100000x64xf32, #tpu.memory_space<hbm>> -> memref<100000x64xf32, #tpu.memory_space<hbm>>
        tpu.enqueue_indirect_dma source(%dma_start3A_1168 : memref<100000x64xf32, #tpu.memory_space<hbm>>) target(%dma_start3A_1162 : memref<16x64xf32, #tpu.memory_space<vmem>>) offsets(%dma_start3A_1165 : memref<16xi32, #tpu.memory_space<vmem>>) semaphore(%arg7 : memref<!tpu.dma_semaphore, #tpu.memory_space<semaphore_mem>>)
        %add3A_1169 = arith.constant 6 : i32
        %add3A_1170 = arith.addi %mul3A_1072, %add3A_1169 : i32
        %dma_start3A_1171 = arith.constant 0 : i32
        %dma_start3A_1172 = arith.constant 0 : i32
        %dma_start3A_1173 = arith.constant 0 : i32
        %dma_start3A_1174 = tpu.memref_slice %arg6[%dma_start3A_1171, %dma_start3A_1172, %dma_start3A_1173] : memref<5x160x64xf32, #tpu.memory_space<vmem>> -> memref<1x160x64xf32, #tpu.memory_space<vmem>>
        %dma_start3A_1175 = tpu.memref_squeeze %dma_start3A_1174 : memref<1x160x64xf32, #tpu.memory_space<vmem>> -> memref<160x64xf32, #tpu.memory_space<vmem>>
        %dma_start3A_1176 = arith.constant 96 : i32
        %dma_start3A_1177 = arith.constant 0 : i32
        %dma_start3A_1178 = tpu.memref_slice %dma_start3A_1175[%dma_start3A_1176, %dma_start3A_1177] : memref<160x64xf32, #tpu.memory_space<vmem>> -> memref<16x64xf32, #tpu.memory_space<vmem>>
        %dma_start3A_1179 = arith.constant 0 : i32
        %dma_start3A_1180 = tpu.memref_slice %arg5[%select_n3A_1054, %add3A_1170, %dma_start3A_1179] : memref<32x50x16xi32, #tpu.memory_space<vmem>> -> memref<1x1x16xi32, #tpu.memory_space<vmem>>
        %dma_start3A_1181 = tpu.memref_squeeze %dma_start3A_1180 : memref<1x1x16xi32, #tpu.memory_space<vmem>> -> memref<16xi32, #tpu.memory_space<vmem>>
        %dma_start3A_1182 = arith.constant 0 : i32
        %dma_start3A_1183 = arith.constant 0 : i32
        %dma_start3A_1184 = tpu.memref_slice %arg3[%dma_start3A_1182, %dma_start3A_1183] : memref<100000x64xf32, #tpu.memory_space<hbm>> -> memref<100000x64xf32, #tpu.memory_space<hbm>>
        tpu.enqueue_indirect_dma source(%dma_start3A_1184 : memref<100000x64xf32, #tpu.memory_space<hbm>>) target(%dma_start3A_1178 : memref<16x64xf32, #tpu.memory_space<vmem>>) offsets(%dma_start3A_1181 : memref<16xi32, #tpu.memory_space<vmem>>) semaphore(%arg7 : memref<!tpu.dma_semaphore, #tpu.memory_space<semaphore_mem>>)
        %add3A_1185 = arith.constant 7 : i32
        %add3A_1186 = arith.addi %mul3A_1072, %add3A_1185 : i32
        %dma_start3A_1187 = arith.constant 0 : i32
        %dma_start3A_1188 = arith.constant 0 : i32
        %dma_start3A_1189 = arith.constant 0 : i32
        %dma_start3A_1190 = tpu.memref_slice %arg6[%dma_start3A_1187, %dma_start3A_1188, %dma_start3A_1189] : memref<5x160x64xf32, #tpu.memory_space<vmem>> -> memref<1x160x64xf32, #tpu.memory_space<vmem>>
        %dma_start3A_1191 = tpu.memref_squeeze %dma_start3A_1190 : memref<1x160x64xf32, #tpu.memory_space<vmem>> -> memref<160x64xf32, #tpu.memory_space<vmem>>
        %dma_start3A_1192 = arith.constant 112 : i32
        %dma_start3A_1193 = arith.constant 0 : i32
        %dma_start3A_1194 = tpu.memref_slice %dma_start3A_1191[%dma_start3A_1192, %dma_start3A_1193] : memref<160x64xf32, #tpu.memory_space<vmem>> -> memref<16x64xf32, #tpu.memory_space<vmem>>
        %dma_start3A_1195 = arith.constant 0 : i32
        %dma_start3A_1196 = tpu.memref_slice %arg5[%select_n3A_1054, %add3A_1186, %dma_start3A_1195] : memref<32x50x16xi32, #tpu.memory_space<vmem>> -> memref<1x1x16xi32, #tpu.memory_space<vmem>>
        %dma_start3A_1197 = tpu.memref_squeeze %dma_start3A_1196 : memref<1x1x16xi32, #tpu.memory_space<vmem>> -> memref<16xi32, #tpu.memory_space<vmem>>
        %dma_start3A_1198 = arith.constant 0 : i32
        %dma_start3A_1199 = arith.constant 0 : i32
        %dma_start3A_1200 = tpu.memref_slice %arg3[%dma_start3A_1198, %dma_start3A_1199] : memref<100000x64xf32, #tpu.memory_space<hbm>> -> memref<100000x64xf32, #tpu.memory_space<hbm>>
        tpu.enqueue_indirect_dma source(%dma_start3A_1200 : memref<100000x64xf32, #tpu.memory_space<hbm>>) target(%dma_start3A_1194 : memref<16x64xf32, #tpu.memory_space<vmem>>) offsets(%dma_start3A_1197 : memref<16xi32, #tpu.memory_space<vmem>>) semaphore(%arg7 : memref<!tpu.dma_semaphore, #tpu.memory_space<semaphore_mem>>)
        %add3A_1201 = arith.constant 8 : i32
        %add3A_1202 = arith.addi %mul3A_1072, %add3A_1201 : i32
        %dma_start3A_1203 = arith.constant 0 : i32
        %dma_start3A_1204 = arith.constant 0 : i32
        %dma_start3A_1205 = arith.constant 0 : i32
        %dma_start3A_1206 = tpu.memref_slice %arg6[%dma_start3A_1203, %dma_start3A_1204, %dma_start3A_1205] : memref<5x160x64xf32, #tpu.memory_space<vmem>> -> memref<1x160x64xf32, #tpu.memory_space<vmem>>
        %dma_start3A_1207 = tpu.memref_squeeze %dma_start3A_1206 : memref<1x160x64xf32, #tpu.memory_space<vmem>> -> memref<160x64xf32, #tpu.memory_space<vmem>>
        %dma_start3A_1208 = arith.constant 128 : i32
        %dma_start3A_1209 = arith.constant 0 : i32
        %dma_start3A_1210 = tpu.memref_slice %dma_start3A_1207[%dma_start3A_1208, %dma_start3A_1209] : memref<160x64xf32, #tpu.memory_space<vmem>> -> memref<16x64xf32, #tpu.memory_space<vmem>>
        %dma_start3A_1211 = arith.constant 0 : i32
        %dma_start3A_1212 = tpu.memref_slice %arg5[%select_n3A_1054, %add3A_1202, %dma_start3A_1211] : memref<32x50x16xi32, #tpu.memory_space<vmem>> -> memref<1x1x16xi32, #tpu.memory_space<vmem>>
        %dma_start3A_1213 = tpu.memref_squeeze %dma_start3A_1212 : memref<1x1x16xi32, #tpu.memory_space<vmem>> -> memref<16xi32, #tpu.memory_space<vmem>>
        %dma_start3A_1214 = arith.constant 0 : i32
        %dma_start3A_1215 = arith.constant 0 : i32
        %dma_start3A_1216 = tpu.memref_slice %arg3[%dma_start3A_1214, %dma_start3A_1215] : memref<100000x64xf32, #tpu.memory_space<hbm>> -> memref<100000x64xf32, #tpu.memory_space<hbm>>
        tpu.enqueue_indirect_dma source(%dma_start3A_1216 : memref<100000x64xf32, #tpu.memory_space<hbm>>) target(%dma_start3A_1210 : memref<16x64xf32, #tpu.memory_space<vmem>>) offsets(%dma_start3A_1213 : memref<16xi32, #tpu.memory_space<vmem>>) semaphore(%arg7 : memref<!tpu.dma_semaphore, #tpu.memory_space<semaphore_mem>>)
        %add3A_1217 = arith.constant 9 : i32
        %add3A_1218 = arith.addi %mul3A_1072, %add3A_1217 : i32
        %dma_start3A_1219 = arith.constant 0 : i32
        %dma_start3A_1220 = arith.constant 0 : i32
        %dma_start3A_1221 = arith.constant 0 : i32
        %dma_start3A_1222 = tpu.memref_slice %arg6[%dma_start3A_1219, %dma_start3A_1220, %dma_start3A_1221] : memref<5x160x64xf32, #tpu.memory_space<vmem>> -> memref<1x160x64xf32, #tpu.memory_space<vmem>>
        %dma_start3A_1223 = tpu.memref_squeeze %dma_start3A_1222 : memref<1x160x64xf32, #tpu.memory_space<vmem>> -> memref<160x64xf32, #tpu.memory_space<vmem>>
        %dma_start3A_1224 = arith.constant 144 : i32
        %dma_start3A_1225 = arith.constant 0 : i32
        %dma_start3A_1226 = tpu.memref_slice %dma_start3A_1223[%dma_start3A_1224, %dma_start3A_1225] : memref<160x64xf32, #tpu.memory_space<vmem>> -> memref<16x64xf32, #tpu.memory_space<vmem>>
        %dma_start3A_1227 = arith.constant 0 : i32
        %dma_start3A_1228 = tpu.memref_slice %arg5[%select_n3A_1054, %add3A_1218, %dma_start3A_1227] : memref<32x50x16xi32, #tpu.memory_space<vmem>> -> memref<1x1x16xi32, #tpu.memory_space<vmem>>
        %dma_start3A_1229 = tpu.memref_squeeze %dma_start3A_1228 : memref<1x1x16xi32, #tpu.memory_space<vmem>> -> memref<16xi32, #tpu.memory_space<vmem>>
        %dma_start3A_1230 = arith.constant 0 : i32
        %dma_start3A_1231 = arith.constant 0 : i32
        %dma_start3A_1232 = tpu.memref_slice %arg3[%dma_start3A_1230, %dma_start3A_1231] : memref<100000x64xf32, #tpu.memory_space<hbm>> -> memref<100000x64xf32, #tpu.memory_space<hbm>>
        tpu.enqueue_indirect_dma source(%dma_start3A_1232 : memref<100000x64xf32, #tpu.memory_space<hbm>>) target(%dma_start3A_1226 : memref<16x64xf32, #tpu.memory_space<vmem>>) offsets(%dma_start3A_1229 : memref<16xi32, #tpu.memory_space<vmem>>) semaphore(%arg7 : memref<!tpu.dma_semaphore, #tpu.memory_space<semaphore_mem>>)
      } else {
      }
      %mul3A_847 = arith.constant 5 : i32
      %mul3A_848 = arith.muli %scan3A_591, %mul3A_847 : i32
      %add3A_849 = arith.constant 3 : i32
      %add3A_850 = arith.addi %mul3A_848, %add3A_849 : i32
      %dma_wait3A_851 = arith.constant 3 : i32
      %dma_wait3A_852 = arith.constant 0 : i32
      %dma_wait3A_853 = arith.constant 0 : i32
      %dma_wait3A_854 = tpu.memref_slice %arg6[%dma_wait3A_851, %dma_wait3A_852, %dma_wait3A_853] : memref<5x160x64xf32, #tpu.memory_space<vmem>> -> memref<1x160x64xf32, #tpu.memory_space<vmem>>
      %dma_wait3A_855 = tpu.memref_squeeze %dma_wait3A_854 : memref<1x160x64xf32, #tpu.memory_space<vmem>> -> memref<160x64xf32, #tpu.memory_space<vmem>>
      %dma_wait3A_856 = arith.constant 0 : i32
      %dma_wait3A_857 = arith.constant 0 : i32
      %dma_wait3A_858 = tpu.memref_slice %arg3[%dma_wait3A_856, %dma_wait3A_857] : memref<100000x64xf32, #tpu.memory_space<hbm>> -> memref<160x64xf32, #tpu.memory_space<hbm>>
      %dma_wait3A_859 = arith.constant 0 : i32
      %dma_wait3A_860 = arith.constant 0 : i32
      %dma_wait3A_861 = tpu.memref_slice %arg6[%dma_wait3A_851, %dma_wait3A_859, %dma_wait3A_860] : memref<5x160x64xf32, #tpu.memory_space<vmem>> -> memref<1x160x64xf32, #tpu.memory_space<vmem>>
      %dma_wait3A_862 = tpu.memref_squeeze %dma_wait3A_861 : memref<1x160x64xf32, #tpu.memory_space<vmem>> -> memref<160x64xf32, #tpu.memory_space<vmem>>
      %dma_wait3A_863 = arith.constant 0 : i32
      %dma_wait3A_864 = arith.constant 0 : i32
      %dma_wait3A_865 = tpu.memref_slice %arg3[%dma_wait3A_863, %dma_wait3A_864] : memref<100000x64xf32, #tpu.memory_space<hbm>> -> memref<160x64xf32, #tpu.memory_space<hbm>>
      tpu.wait_dma2 semaphore(%arg10 : memref<!tpu.dma_semaphore, #tpu.memory_space<semaphore_mem>>) src(%dma_wait3A_865 : memref<160x64xf32, #tpu.memory_space<hbm>>) dst(%dma_wait3A_862 : memref<160x64xf32, #tpu.memory_space<vmem>>)
      %jit3A_866 = arith.constant 5 : i32
      %div3A_867 = arith.divsi %add3A_850, %jit3A_866 : i32
      %sign3A_868 = arith.constant 0 : i32
      %sign3A_869 = arith.cmpi sgt, %add3A_850, %sign3A_868 : i32
      %sign3A_870 = arith.extui %sign3A_869 : i1 to i32
      %sign3A_871 = arith.constant 0 : i32
      %sign3A_872 = arith.cmpi slt, %add3A_850, %sign3A_871 : i32
      %sign3A_873 = arith.extui %sign3A_872 : i1 to i32
      %sign3A_874 = arith.subi %sign3A_870, %sign3A_873 : i32
      %sign3A_875 = arith.constant 0 : i32
      %sign3A_876 = arith.cmpi sgt, %jit3A_866, %sign3A_875 : i32
      %sign3A_877 = arith.extui %sign3A_876 : i1 to i32
      %sign3A_878 = arith.constant 0 : i32
      %sign3A_879 = arith.cmpi slt, %jit3A_866, %sign3A_878 : i32
      %sign3A_880 = arith.extui %sign3A_879 : i1 to i32
      %sign3A_881 = arith.subi %sign3A_877, %sign3A_880 : i32
      %ne3A_882 = arith.cmpi ne, %sign3A_874, %sign3A_881 : i32
      %rem3A_883 = arith.remsi %add3A_850, %jit3A_866 : i32
      %ne3A_884 = arith.constant 0 : i32
      %ne3A_885 = arith.cmpi ne, %rem3A_883, %ne3A_884 : i32
      %and3A_886 = arith.andi %ne3A_882, %ne3A_885 : i1
      %sub3A_887 = arith.constant 1 : i32
      %sub3A_888 = arith.subi %div3A_867, %sub3A_887 : i32
      %select_n3A_889 = arith.select %and3A_886, %sub3A_888, %div3A_867 : i32
      %add3A_890 = arith.addi %mul3A_2, %select_n3A_889 : i32
      %mul3A_891 = arith.constant 50 : i32
      %mul3A_892 = arith.muli %add3A_890, %mul3A_891 : i32
      %mul3A_893 = arith.constant 16 : i32
      %mul3A_894 = arith.muli %mul3A_892, %mul3A_893 : i32
      %jit3A_895 = arith.constant 5 : i32
      %eq3A_896 = arith.constant 0 : i32
      %eq3A_897 = arith.cmpi eq, %jit3A_895, %eq3A_896 : i32
      %jit3A_898 = arith.constant 1 : i32
      %select_n3A_899 = arith.select %eq3A_897, %jit3A_898, %jit3A_895 : i32
      %rem3A_900 = arith.remsi %add3A_850, %select_n3A_899 : i32
      %ne3A_901 = arith.constant 0 : i32
      %ne3A_902 = arith.cmpi ne, %rem3A_900, %ne3A_901 : i32
      %lt3A_903 = arith.constant 0 : i32
      %lt3A_904 = arith.cmpi slt, %rem3A_900, %lt3A_903 : i32
      %lt3A_905 = arith.constant 0 : i32
      %lt3A_906 = arith.cmpi slt, %select_n3A_899, %lt3A_905 : i32
      %ne3A_907 = arith.xori %lt3A_904, %lt3A_906 : i1
      %and3A_908 = arith.andi %ne3A_907, %ne3A_902 : i1
      %add3A_909 = arith.addi %rem3A_900, %select_n3A_899 : i32
      %select_n3A_910 = arith.select %and3A_908, %add3A_909, %rem3A_900 : i32
      %mul3A_911 = arith.constant 10 : i32
      %mul3A_912 = arith.muli %select_n3A_910, %mul3A_911 : i32
      %mul3A_913 = arith.constant 16 : i32
      %mul3A_914 = arith.muli %mul3A_912, %mul3A_913 : i32
      %add3A_915 = arith.addi %mul3A_894, %mul3A_914 : i32
      %dma_start3A_916 = arith.constant 3 : i32
      %dma_start3A_917 = arith.constant 0 : i32
      %dma_start3A_918 = arith.constant 0 : i32
      %dma_start3A_919 = tpu.memref_slice %arg6[%dma_start3A_916, %dma_start3A_917, %dma_start3A_918] : memref<5x160x64xf32, #tpu.memory_space<vmem>> -> memref<1x160x64xf32, #tpu.memory_space<vmem>>
      %dma_start3A_920 = tpu.memref_squeeze %dma_start3A_919 : memref<1x160x64xf32, #tpu.memory_space<vmem>> -> memref<160x64xf32, #tpu.memory_space<vmem>>
      %dma_start3A_921 = arith.constant 0 : i32
      %dma_start3A_922 = tpu.memref_slice %arg4[%add3A_915, %dma_start3A_921] : memref<819200x128xf32, #tpu.memory_space<hbm>> -> memref<160x64xf32, #tpu.memory_space<hbm>>
      %dma_start3A_923 = arith.constant 0 : i32
      %dma_start3A_924 = tpu.memref_slice %arg4[%add3A_915, %dma_start3A_923] : memref<819200x128xf32, #tpu.memory_space<hbm>> -> memref<160x64xf32, #tpu.memory_space<hbm>>
      %dma_start3A_925 = arith.constant 0 : i32
      %dma_start3A_926 = arith.constant 0 : i32
      %dma_start3A_927 = tpu.memref_slice %arg6[%dma_start3A_916, %dma_start3A_925, %dma_start3A_926] : memref<5x160x64xf32, #tpu.memory_space<vmem>> -> memref<1x160x64xf32, #tpu.memory_space<vmem>>
      %dma_start3A_928 = tpu.memref_squeeze %dma_start3A_927 : memref<1x160x64xf32, #tpu.memory_space<vmem>> -> memref<160x64xf32, #tpu.memory_space<vmem>>
      tpu.enqueue_dma source(%dma_start3A_928 : memref<160x64xf32, #tpu.memory_space<vmem>>) target(%dma_start3A_924 : memref<160x64xf32, #tpu.memory_space<hbm>>) target_semaphore(%arg15 : memref<!tpu.dma_semaphore, #tpu.memory_space<semaphore_mem>>)
      %add3A_929 = arith.constant 3 : i32
      %add3A_930 = arith.addi %add3A_850, %add3A_929 : i32
      %lt3A_931 = arith.constant 160 : i32
      %lt3A_932 = arith.cmpi slt, %add3A_930, %lt3A_931 : i32
      %convert_element_type3A_933 = arith.extui %lt3A_932 : i1 to i32
      %cond3A_934 = arith.constant 0 : i32
      %cond3A_935 = arith.cmpi ne, %convert_element_type3A_933, %cond3A_934 : i32
      scf.if %cond3A_935 {
        %ge3A = arith.constant 2 : i32
        %ge3A_1025 = arith.cmpi sge, %add3A_850, %ge3A : i32
        %convert_element_type3A_1026 = arith.extui %ge3A_1025 : i1 to i32
        %cond3A_1027 = arith.constant 0 : i32
        %cond3A_1028 = arith.cmpi ne, %convert_element_type3A_1026, %cond3A_1027 : i32
        scf.if %cond3A_1028 {
          %sub3A_1233 = arith.constant 2 : i32
          %sub3A_1234 = arith.subi %add3A_850, %sub3A_1233 : i32
          %jit3A_1235 = arith.constant 5 : i32
          %div3A_1236 = arith.divsi %sub3A_1234, %jit3A_1235 : i32
          %sign3A_1237 = arith.constant 0 : i32
          %sign3A_1238 = arith.cmpi sgt, %sub3A_1234, %sign3A_1237 : i32
          %sign3A_1239 = arith.extui %sign3A_1238 : i1 to i32
          %sign3A_1240 = arith.constant 0 : i32
          %sign3A_1241 = arith.cmpi slt, %sub3A_1234, %sign3A_1240 : i32
          %sign3A_1242 = arith.extui %sign3A_1241 : i1 to i32
          %sign3A_1243 = arith.subi %sign3A_1239, %sign3A_1242 : i32
          %sign3A_1244 = arith.constant 0 : i32
          %sign3A_1245 = arith.cmpi sgt, %jit3A_1235, %sign3A_1244 : i32
          %sign3A_1246 = arith.extui %sign3A_1245 : i1 to i32
          %sign3A_1247 = arith.constant 0 : i32
          %sign3A_1248 = arith.cmpi slt, %jit3A_1235, %sign3A_1247 : i32
          %sign3A_1249 = arith.extui %sign3A_1248 : i1 to i32
          %sign3A_1250 = arith.subi %sign3A_1246, %sign3A_1249 : i32
          %ne3A_1251 = arith.cmpi ne, %sign3A_1243, %sign3A_1250 : i32
          %rem3A_1252 = arith.remsi %sub3A_1234, %jit3A_1235 : i32
          %ne3A_1253 = arith.constant 0 : i32
          %ne3A_1254 = arith.cmpi ne, %rem3A_1252, %ne3A_1253 : i32
          %and3A_1255 = arith.andi %ne3A_1251, %ne3A_1254 : i1
          %sub3A_1256 = arith.constant 1 : i32
          %sub3A_1257 = arith.subi %div3A_1236, %sub3A_1256 : i32
          %select_n3A_1258 = arith.select %and3A_1255, %sub3A_1257, %div3A_1236 : i32
          %add3A_1259 = arith.addi %mul3A_2, %select_n3A_1258 : i32
          %mul3A_1260 = arith.constant 50 : i32
          %mul3A_1261 = arith.muli %add3A_1259, %mul3A_1260 : i32
          %mul3A_1262 = arith.constant 16 : i32
          %mul3A_1263 = arith.muli %mul3A_1261, %mul3A_1262 : i32
          %jit3A_1264 = arith.constant 5 : i32
          %eq3A_1265 = arith.constant 0 : i32
          %eq3A_1266 = arith.cmpi eq, %jit3A_1264, %eq3A_1265 : i32
          %jit3A_1267 = arith.constant 1 : i32
          %select_n3A_1268 = arith.select %eq3A_1266, %jit3A_1267, %jit3A_1264 : i32
          %rem3A_1269 = arith.remsi %sub3A_1234, %select_n3A_1268 : i32
          %ne3A_1270 = arith.constant 0 : i32
          %ne3A_1271 = arith.cmpi ne, %rem3A_1269, %ne3A_1270 : i32
          %lt3A_1272 = arith.constant 0 : i32
          %lt3A_1273 = arith.cmpi slt, %rem3A_1269, %lt3A_1272 : i32
          %lt3A_1274 = arith.constant 0 : i32
          %lt3A_1275 = arith.cmpi slt, %select_n3A_1268, %lt3A_1274 : i32
          %ne3A_1276 = arith.xori %lt3A_1273, %lt3A_1275 : i1
          %and3A_1277 = arith.andi %ne3A_1276, %ne3A_1271 : i1
          %add3A_1278 = arith.addi %rem3A_1269, %select_n3A_1268 : i32
          %select_n3A_1279 = arith.select %and3A_1277, %add3A_1278, %rem3A_1269 : i32
          %mul3A_1280 = arith.constant 10 : i32
          %mul3A_1281 = arith.muli %select_n3A_1279, %mul3A_1280 : i32
          %mul3A_1282 = arith.constant 16 : i32
          %mul3A_1283 = arith.muli %mul3A_1281, %mul3A_1282 : i32
          %add3A_1284 = arith.addi %mul3A_1263, %mul3A_1283 : i32
          %dma_wait3A_1285 = arith.constant 1 : i32
          %dma_wait3A_1286 = arith.constant 0 : i32
          %dma_wait3A_1287 = arith.constant 0 : i32
          %dma_wait3A_1288 = tpu.memref_slice %arg6[%dma_wait3A_1285, %dma_wait3A_1286, %dma_wait3A_1287] : memref<5x160x64xf32, #tpu.memory_space<vmem>> -> memref<1x160x64xf32, #tpu.memory_space<vmem>>
          %dma_wait3A_1289 = tpu.memref_squeeze %dma_wait3A_1288 : memref<1x160x64xf32, #tpu.memory_space<vmem>> -> memref<160x64xf32, #tpu.memory_space<vmem>>
          %dma_wait3A_1290 = arith.constant 0 : i32
          %dma_wait3A_1291 = tpu.memref_slice %arg4[%add3A_1284, %dma_wait3A_1290] : memref<819200x128xf32, #tpu.memory_space<hbm>> -> memref<160x64xf32, #tpu.memory_space<hbm>>
          %dma_wait3A_1292 = arith.constant 0 : i32
          %dma_wait3A_1293 = tpu.memref_slice %arg4[%add3A_1284, %dma_wait3A_1292] : memref<819200x128xf32, #tpu.memory_space<hbm>> -> memref<160x64xf32, #tpu.memory_space<hbm>>
          %dma_wait3A_1294 = arith.constant 0 : i32
          %dma_wait3A_1295 = arith.constant 0 : i32
          %dma_wait3A_1296 = tpu.memref_slice %arg6[%dma_wait3A_1285, %dma_wait3A_1294, %dma_wait3A_1295] : memref<5x160x64xf32, #tpu.memory_space<vmem>> -> memref<1x160x64xf32, #tpu.memory_space<vmem>>
          %dma_wait3A_1297 = tpu.memref_squeeze %dma_wait3A_1296 : memref<1x160x64xf32, #tpu.memory_space<vmem>> -> memref<160x64xf32, #tpu.memory_space<vmem>>
          tpu.wait_dma2 semaphore(%arg13 : memref<!tpu.dma_semaphore, #tpu.memory_space<semaphore_mem>>) src(%dma_wait3A_1297 : memref<160x64xf32, #tpu.memory_space<vmem>>) dst(%dma_wait3A_1293 : memref<160x64xf32, #tpu.memory_space<hbm>>)
        } else {
        }
        %add3A_1029 = arith.constant 3 : i32
        %add3A_1030 = arith.addi %add3A_850, %add3A_1029 : i32
        %jit3A_1031 = arith.constant 5 : i32
        %div3A_1032 = arith.divsi %add3A_1030, %jit3A_1031 : i32
        %sign3A_1033 = arith.constant 0 : i32
        %sign3A_1034 = arith.cmpi sgt, %add3A_1030, %sign3A_1033 : i32
        %sign3A_1035 = arith.extui %sign3A_1034 : i1 to i32
        %sign3A_1036 = arith.constant 0 : i32
        %sign3A_1037 = arith.cmpi slt, %add3A_1030, %sign3A_1036 : i32
        %sign3A_1038 = arith.extui %sign3A_1037 : i1 to i32
        %sign3A_1039 = arith.subi %sign3A_1035, %sign3A_1038 : i32
        %sign3A_1040 = arith.constant 0 : i32
        %sign3A_1041 = arith.cmpi sgt, %jit3A_1031, %sign3A_1040 : i32
        %sign3A_1042 = arith.extui %sign3A_1041 : i1 to i32
        %sign3A_1043 = arith.constant 0 : i32
        %sign3A_1044 = arith.cmpi slt, %jit3A_1031, %sign3A_1043 : i32
        %sign3A_1045 = arith.extui %sign3A_1044 : i1 to i32
        %sign3A_1046 = arith.subi %sign3A_1042, %sign3A_1045 : i32
        %ne3A_1047 = arith.cmpi ne, %sign3A_1039, %sign3A_1046 : i32
        %rem3A_1048 = arith.remsi %add3A_1030, %jit3A_1031 : i32
        %ne3A_1049 = arith.constant 0 : i32
        %ne3A_1050 = arith.cmpi ne, %rem3A_1048, %ne3A_1049 : i32
        %and3A_1051 = arith.andi %ne3A_1047, %ne3A_1050 : i1
        %sub3A_1052 = arith.constant 1 : i32
        %sub3A_1053 = arith.subi %div3A_1032, %sub3A_1052 : i32
        %select_n3A_1054 = arith.select %and3A_1051, %sub3A_1053, %div3A_1032 : i32
        %jit3A_1055 = arith.constant 5 : i32
        %eq3A_1056 = arith.constant 0 : i32
        %eq3A_1057 = arith.cmpi eq, %jit3A_1055, %eq3A_1056 : i32
        %jit3A_1058 = arith.constant 1 : i32
        %select_n3A_1059 = arith.select %eq3A_1057, %jit3A_1058, %jit3A_1055 : i32
        %rem3A_1060 = arith.remsi %add3A_1030, %select_n3A_1059 : i32
        %ne3A_1061 = arith.constant 0 : i32
        %ne3A_1062 = arith.cmpi ne, %rem3A_1060, %ne3A_1061 : i32
        %lt3A_1063 = arith.constant 0 : i32
        %lt3A_1064 = arith.cmpi slt, %rem3A_1060, %lt3A_1063 : i32
        %lt3A_1065 = arith.constant 0 : i32
        %lt3A_1066 = arith.cmpi slt, %select_n3A_1059, %lt3A_1065 : i32
        %ne3A_1067 = arith.xori %lt3A_1064, %lt3A_1066 : i1
        %and3A_1068 = arith.andi %ne3A_1067, %ne3A_1062 : i1
        %add3A_1069 = arith.addi %rem3A_1060, %select_n3A_1059 : i32
        %select_n3A_1070 = arith.select %and3A_1068, %add3A_1069, %rem3A_1060 : i32
        %mul3A_1071 = arith.constant 10 : i32
        %mul3A_1072 = arith.muli %select_n3A_1070, %mul3A_1071 : i32
        %add3A_1073 = arith.constant 0 : i32
        %add3A_1074 = arith.addi %mul3A_1072, %add3A_1073 : i32
        %dma_start3A_1075 = arith.constant 1 : i32
        %dma_start3A_1076 = arith.constant 0 : i32
        %dma_start3A_1077 = arith.constant 0 : i32
        %dma_start3A_1078 = tpu.memref_slice %arg6[%dma_start3A_1075, %dma_start3A_1076, %dma_start3A_1077] : memref<5x160x64xf32, #tpu.memory_space<vmem>> -> memref<1x160x64xf32, #tpu.memory_space<vmem>>
        %dma_start3A_1079 = tpu.memref_squeeze %dma_start3A_1078 : memref<1x160x64xf32, #tpu.memory_space<vmem>> -> memref<160x64xf32, #tpu.memory_space<vmem>>
        %dma_start3A_1080 = arith.constant 0 : i32
        %dma_start3A_1081 = arith.constant 0 : i32
        %dma_start3A_1082 = tpu.memref_slice %dma_start3A_1079[%dma_start3A_1080, %dma_start3A_1081] : memref<160x64xf32, #tpu.memory_space<vmem>> -> memref<16x64xf32, #tpu.memory_space<vmem>>
        %dma_start3A_1083 = arith.constant 0 : i32
        %dma_start3A_1084 = tpu.memref_slice %arg5[%select_n3A_1054, %add3A_1074, %dma_start3A_1083] : memref<32x50x16xi32, #tpu.memory_space<vmem>> -> memref<1x1x16xi32, #tpu.memory_space<vmem>>
        %dma_start3A_1085 = tpu.memref_squeeze %dma_start3A_1084 : memref<1x1x16xi32, #tpu.memory_space<vmem>> -> memref<16xi32, #tpu.memory_space<vmem>>
        %dma_start3A_1086 = arith.constant 0 : i32
        %dma_start3A_1087 = arith.constant 0 : i32
        %dma_start3A_1088 = tpu.memref_slice %arg3[%dma_start3A_1086, %dma_start3A_1087] : memref<100000x64xf32, #tpu.memory_space<hbm>> -> memref<100000x64xf32, #tpu.memory_space<hbm>>
        tpu.enqueue_indirect_dma source(%dma_start3A_1088 : memref<100000x64xf32, #tpu.memory_space<hbm>>) target(%dma_start3A_1082 : memref<16x64xf32, #tpu.memory_space<vmem>>) offsets(%dma_start3A_1085 : memref<16xi32, #tpu.memory_space<vmem>>) semaphore(%arg8 : memref<!tpu.dma_semaphore, #tpu.memory_space<semaphore_mem>>)
        %add3A_1089 = arith.constant 1 : i32
        %add3A_1090 = arith.addi %mul3A_1072, %add3A_1089 : i32
        %dma_start3A_1091 = arith.constant 1 : i32
        %dma_start3A_1092 = arith.constant 0 : i32
        %dma_start3A_1093 = arith.constant 0 : i32
        %dma_start3A_1094 = tpu.memref_slice %arg6[%dma_start3A_1091, %dma_start3A_1092, %dma_start3A_1093] : memref<5x160x64xf32, #tpu.memory_space<vmem>> -> memref<1x160x64xf32, #tpu.memory_space<vmem>>
        %dma_start3A_1095 = tpu.memref_squeeze %dma_start3A_1094 : memref<1x160x64xf32, #tpu.memory_space<vmem>> -> memref<160x64xf32, #tpu.memory_space<vmem>>
        %dma_start3A_1096 = arith.constant 16 : i32
        %dma_start3A_1097 = arith.constant 0 : i32
        %dma_start3A_1098 = tpu.memref_slice %dma_start3A_1095[%dma_start3A_1096, %dma_start3A_1097] : memref<160x64xf32, #tpu.memory_space<vmem>> -> memref<16x64xf32, #tpu.memory_space<vmem>>
        %dma_start3A_1099 = arith.constant 0 : i32
        %dma_start3A_1100 = tpu.memref_slice %arg5[%select_n3A_1054, %add3A_1090, %dma_start3A_1099] : memref<32x50x16xi32, #tpu.memory_space<vmem>> -> memref<1x1x16xi32, #tpu.memory_space<vmem>>
        %dma_start3A_1101 = tpu.memref_squeeze %dma_start3A_1100 : memref<1x1x16xi32, #tpu.memory_space<vmem>> -> memref<16xi32, #tpu.memory_space<vmem>>
        %dma_start3A_1102 = arith.constant 0 : i32
        %dma_start3A_1103 = arith.constant 0 : i32
        %dma_start3A_1104 = tpu.memref_slice %arg3[%dma_start3A_1102, %dma_start3A_1103] : memref<100000x64xf32, #tpu.memory_space<hbm>> -> memref<100000x64xf32, #tpu.memory_space<hbm>>
        tpu.enqueue_indirect_dma source(%dma_start3A_1104 : memref<100000x64xf32, #tpu.memory_space<hbm>>) target(%dma_start3A_1098 : memref<16x64xf32, #tpu.memory_space<vmem>>) offsets(%dma_start3A_1101 : memref<16xi32, #tpu.memory_space<vmem>>) semaphore(%arg8 : memref<!tpu.dma_semaphore, #tpu.memory_space<semaphore_mem>>)
        %add3A_1105 = arith.constant 2 : i32
        %add3A_1106 = arith.addi %mul3A_1072, %add3A_1105 : i32
        %dma_start3A_1107 = arith.constant 1 : i32
        %dma_start3A_1108 = arith.constant 0 : i32
        %dma_start3A_1109 = arith.constant 0 : i32
        %dma_start3A_1110 = tpu.memref_slice %arg6[%dma_start3A_1107, %dma_start3A_1108, %dma_start3A_1109] : memref<5x160x64xf32, #tpu.memory_space<vmem>> -> memref<1x160x64xf32, #tpu.memory_space<vmem>>
        %dma_start3A_1111 = tpu.memref_squeeze %dma_start3A_1110 : memref<1x160x64xf32, #tpu.memory_space<vmem>> -> memref<160x64xf32, #tpu.memory_space<vmem>>
        %dma_start3A_1112 = arith.constant 32 : i32
        %dma_start3A_1113 = arith.constant 0 : i32
        %dma_start3A_1114 = tpu.memref_slice %dma_start3A_1111[%dma_start3A_1112, %dma_start3A_1113] : memref<160x64xf32, #tpu.memory_space<vmem>> -> memref<16x64xf32, #tpu.memory_space<vmem>>
        %dma_start3A_1115 = arith.constant 0 : i32
        %dma_start3A_1116 = tpu.memref_slice %arg5[%select_n3A_1054, %add3A_1106, %dma_start3A_1115] : memref<32x50x16xi32, #tpu.memory_space<vmem>> -> memref<1x1x16xi32, #tpu.memory_space<vmem>>
        %dma_start3A_1117 = tpu.memref_squeeze %dma_start3A_1116 : memref<1x1x16xi32, #tpu.memory_space<vmem>> -> memref<16xi32, #tpu.memory_space<vmem>>
        %dma_start3A_1118 = arith.constant 0 : i32
        %dma_start3A_1119 = arith.constant 0 : i32
        %dma_start3A_1120 = tpu.memref_slice %arg3[%dma_start3A_1118, %dma_start3A_1119] : memref<100000x64xf32, #tpu.memory_space<hbm>> -> memref<100000x64xf32, #tpu.memory_space<hbm>>
        tpu.enqueue_indirect_dma source(%dma_start3A_1120 : memref<100000x64xf32, #tpu.memory_space<hbm>>) target(%dma_start3A_1114 : memref<16x64xf32, #tpu.memory_space<vmem>>) offsets(%dma_start3A_1117 : memref<16xi32, #tpu.memory_space<vmem>>) semaphore(%arg8 : memref<!tpu.dma_semaphore, #tpu.memory_space<semaphore_mem>>)
        %add3A_1121 = arith.constant 3 : i32
        %add3A_1122 = arith.addi %mul3A_1072, %add3A_1121 : i32
        %dma_start3A_1123 = arith.constant 1 : i32
        %dma_start3A_1124 = arith.constant 0 : i32
        %dma_start3A_1125 = arith.constant 0 : i32
        %dma_start3A_1126 = tpu.memref_slice %arg6[%dma_start3A_1123, %dma_start3A_1124, %dma_start3A_1125] : memref<5x160x64xf32, #tpu.memory_space<vmem>> -> memref<1x160x64xf32, #tpu.memory_space<vmem>>
        %dma_start3A_1127 = tpu.memref_squeeze %dma_start3A_1126 : memref<1x160x64xf32, #tpu.memory_space<vmem>> -> memref<160x64xf32, #tpu.memory_space<vmem>>
        %dma_start3A_1128 = arith.constant 48 : i32
        %dma_start3A_1129 = arith.constant 0 : i32
        %dma_start3A_1130 = tpu.memref_slice %dma_start3A_1127[%dma_start3A_1128, %dma_start3A_1129] : memref<160x64xf32, #tpu.memory_space<vmem>> -> memref<16x64xf32, #tpu.memory_space<vmem>>
        %dma_start3A_1131 = arith.constant 0 : i32
        %dma_start3A_1132 = tpu.memref_slice %arg5[%select_n3A_1054, %add3A_1122, %dma_start3A_1131] : memref<32x50x16xi32, #tpu.memory_space<vmem>> -> memref<1x1x16xi32, #tpu.memory_space<vmem>>
        %dma_start3A_1133 = tpu.memref_squeeze %dma_start3A_1132 : memref<1x1x16xi32, #tpu.memory_space<vmem>> -> memref<16xi32, #tpu.memory_space<vmem>>
        %dma_start3A_1134 = arith.constant 0 : i32
        %dma_start3A_1135 = arith.constant 0 : i32
        %dma_start3A_1136 = tpu.memref_slice %arg3[%dma_start3A_1134, %dma_start3A_1135] : memref<100000x64xf32, #tpu.memory_space<hbm>> -> memref<100000x64xf32, #tpu.memory_space<hbm>>
        tpu.enqueue_indirect_dma source(%dma_start3A_1136 : memref<100000x64xf32, #tpu.memory_space<hbm>>) target(%dma_start3A_1130 : memref<16x64xf32, #tpu.memory_space<vmem>>) offsets(%dma_start3A_1133 : memref<16xi32, #tpu.memory_space<vmem>>) semaphore(%arg8 : memref<!tpu.dma_semaphore, #tpu.memory_space<semaphore_mem>>)
        %add3A_1137 = arith.constant 4 : i32
        %add3A_1138 = arith.addi %mul3A_1072, %add3A_1137 : i32
        %dma_start3A_1139 = arith.constant 1 : i32
        %dma_start3A_1140 = arith.constant 0 : i32
        %dma_start3A_1141 = arith.constant 0 : i32
        %dma_start3A_1142 = tpu.memref_slice %arg6[%dma_start3A_1139, %dma_start3A_1140, %dma_start3A_1141] : memref<5x160x64xf32, #tpu.memory_space<vmem>> -> memref<1x160x64xf32, #tpu.memory_space<vmem>>
        %dma_start3A_1143 = tpu.memref_squeeze %dma_start3A_1142 : memref<1x160x64xf32, #tpu.memory_space<vmem>> -> memref<160x64xf32, #tpu.memory_space<vmem>>
        %dma_start3A_1144 = arith.constant 64 : i32
        %dma_start3A_1145 = arith.constant 0 : i32
        %dma_start3A_1146 = tpu.memref_slice %dma_start3A_1143[%dma_start3A_1144, %dma_start3A_1145] : memref<160x64xf32, #tpu.memory_space<vmem>> -> memref<16x64xf32, #tpu.memory_space<vmem>>
        %dma_start3A_1147 = arith.constant 0 : i32
        %dma_start3A_1148 = tpu.memref_slice %arg5[%select_n3A_1054, %add3A_1138, %dma_start3A_1147] : memref<32x50x16xi32, #tpu.memory_space<vmem>> -> memref<1x1x16xi32, #tpu.memory_space<vmem>>
        %dma_start3A_1149 = tpu.memref_squeeze %dma_start3A_1148 : memref<1x1x16xi32, #tpu.memory_space<vmem>> -> memref<16xi32, #tpu.memory_space<vmem>>
        %dma_start3A_1150 = arith.constant 0 : i32
        %dma_start3A_1151 = arith.constant 0 : i32
        %dma_start3A_1152 = tpu.memref_slice %arg3[%dma_start3A_1150, %dma_start3A_1151] : memref<100000x64xf32, #tpu.memory_space<hbm>> -> memref<100000x64xf32, #tpu.memory_space<hbm>>
        tpu.enqueue_indirect_dma source(%dma_start3A_1152 : memref<100000x64xf32, #tpu.memory_space<hbm>>) target(%dma_start3A_1146 : memref<16x64xf32, #tpu.memory_space<vmem>>) offsets(%dma_start3A_1149 : memref<16xi32, #tpu.memory_space<vmem>>) semaphore(%arg8 : memref<!tpu.dma_semaphore, #tpu.memory_space<semaphore_mem>>)
        %add3A_1153 = arith.constant 5 : i32
        %add3A_1154 = arith.addi %mul3A_1072, %add3A_1153 : i32
        %dma_start3A_1155 = arith.constant 1 : i32
        %dma_start3A_1156 = arith.constant 0 : i32
        %dma_start3A_1157 = arith.constant 0 : i32
        %dma_start3A_1158 = tpu.memref_slice %arg6[%dma_start3A_1155, %dma_start3A_1156, %dma_start3A_1157] : memref<5x160x64xf32, #tpu.memory_space<vmem>> -> memref<1x160x64xf32, #tpu.memory_space<vmem>>
        %dma_start3A_1159 = tpu.memref_squeeze %dma_start3A_1158 : memref<1x160x64xf32, #tpu.memory_space<vmem>> -> memref<160x64xf32, #tpu.memory_space<vmem>>
        %dma_start3A_1160 = arith.constant 80 : i32
        %dma_start3A_1161 = arith.constant 0 : i32
        %dma_start3A_1162 = tpu.memref_slice %dma_start3A_1159[%dma_start3A_1160, %dma_start3A_1161] : memref<160x64xf32, #tpu.memory_space<vmem>> -> memref<16x64xf32, #tpu.memory_space<vmem>>
        %dma_start3A_1163 = arith.constant 0 : i32
        %dma_start3A_1164 = tpu.memref_slice %arg5[%select_n3A_1054, %add3A_1154, %dma_start3A_1163] : memref<32x50x16xi32, #tpu.memory_space<vmem>> -> memref<1x1x16xi32, #tpu.memory_space<vmem>>
        %dma_start3A_1165 = tpu.memref_squeeze %dma_start3A_1164 : memref<1x1x16xi32, #tpu.memory_space<vmem>> -> memref<16xi32, #tpu.memory_space<vmem>>
        %dma_start3A_1166 = arith.constant 0 : i32
        %dma_start3A_1167 = arith.constant 0 : i32
        %dma_start3A_1168 = tpu.memref_slice %arg3[%dma_start3A_1166, %dma_start3A_1167] : memref<100000x64xf32, #tpu.memory_space<hbm>> -> memref<100000x64xf32, #tpu.memory_space<hbm>>
        tpu.enqueue_indirect_dma source(%dma_start3A_1168 : memref<100000x64xf32, #tpu.memory_space<hbm>>) target(%dma_start3A_1162 : memref<16x64xf32, #tpu.memory_space<vmem>>) offsets(%dma_start3A_1165 : memref<16xi32, #tpu.memory_space<vmem>>) semaphore(%arg8 : memref<!tpu.dma_semaphore, #tpu.memory_space<semaphore_mem>>)
        %add3A_1169 = arith.constant 6 : i32
        %add3A_1170 = arith.addi %mul3A_1072, %add3A_1169 : i32
        %dma_start3A_1171 = arith.constant 1 : i32
        %dma_start3A_1172 = arith.constant 0 : i32
        %dma_start3A_1173 = arith.constant 0 : i32
        %dma_start3A_1174 = tpu.memref_slice %arg6[%dma_start3A_1171, %dma_start3A_1172, %dma_start3A_1173] : memref<5x160x64xf32, #tpu.memory_space<vmem>> -> memref<1x160x64xf32, #tpu.memory_space<vmem>>
        %dma_start3A_1175 = tpu.memref_squeeze %dma_start3A_1174 : memref<1x160x64xf32, #tpu.memory_space<vmem>> -> memref<160x64xf32, #tpu.memory_space<vmem>>
        %dma_start3A_1176 = arith.constant 96 : i32
        %dma_start3A_1177 = arith.constant 0 : i32
        %dma_start3A_1178 = tpu.memref_slice %dma_start3A_1175[%dma_start3A_1176, %dma_start3A_1177] : memref<160x64xf32, #tpu.memory_space<vmem>> -> memref<16x64xf32, #tpu.memory_space<vmem>>
        %dma_start3A_1179 = arith.constant 0 : i32
        %dma_start3A_1180 = tpu.memref_slice %arg5[%select_n3A_1054, %add3A_1170, %dma_start3A_1179] : memref<32x50x16xi32, #tpu.memory_space<vmem>> -> memref<1x1x16xi32, #tpu.memory_space<vmem>>
        %dma_start3A_1181 = tpu.memref_squeeze %dma_start3A_1180 : memref<1x1x16xi32, #tpu.memory_space<vmem>> -> memref<16xi32, #tpu.memory_space<vmem>>
        %dma_start3A_1182 = arith.constant 0 : i32
        %dma_start3A_1183 = arith.constant 0 : i32
        %dma_start3A_1184 = tpu.memref_slice %arg3[%dma_start3A_1182, %dma_start3A_1183] : memref<100000x64xf32, #tpu.memory_space<hbm>> -> memref<100000x64xf32, #tpu.memory_space<hbm>>
        tpu.enqueue_indirect_dma source(%dma_start3A_1184 : memref<100000x64xf32, #tpu.memory_space<hbm>>) target(%dma_start3A_1178 : memref<16x64xf32, #tpu.memory_space<vmem>>) offsets(%dma_start3A_1181 : memref<16xi32, #tpu.memory_space<vmem>>) semaphore(%arg8 : memref<!tpu.dma_semaphore, #tpu.memory_space<semaphore_mem>>)
        %add3A_1185 = arith.constant 7 : i32
        %add3A_1186 = arith.addi %mul3A_1072, %add3A_1185 : i32
        %dma_start3A_1187 = arith.constant 1 : i32
        %dma_start3A_1188 = arith.constant 0 : i32
        %dma_start3A_1189 = arith.constant 0 : i32
        %dma_start3A_1190 = tpu.memref_slice %arg6[%dma_start3A_1187, %dma_start3A_1188, %dma_start3A_1189] : memref<5x160x64xf32, #tpu.memory_space<vmem>> -> memref<1x160x64xf32, #tpu.memory_space<vmem>>
        %dma_start3A_1191 = tpu.memref_squeeze %dma_start3A_1190 : memref<1x160x64xf32, #tpu.memory_space<vmem>> -> memref<160x64xf32, #tpu.memory_space<vmem>>
        %dma_start3A_1192 = arith.constant 112 : i32
        %dma_start3A_1193 = arith.constant 0 : i32
        %dma_start3A_1194 = tpu.memref_slice %dma_start3A_1191[%dma_start3A_1192, %dma_start3A_1193] : memref<160x64xf32, #tpu.memory_space<vmem>> -> memref<16x64xf32, #tpu.memory_space<vmem>>
        %dma_start3A_1195 = arith.constant 0 : i32
        %dma_start3A_1196 = tpu.memref_slice %arg5[%select_n3A_1054, %add3A_1186, %dma_start3A_1195] : memref<32x50x16xi32, #tpu.memory_space<vmem>> -> memref<1x1x16xi32, #tpu.memory_space<vmem>>
        %dma_start3A_1197 = tpu.memref_squeeze %dma_start3A_1196 : memref<1x1x16xi32, #tpu.memory_space<vmem>> -> memref<16xi32, #tpu.memory_space<vmem>>
        %dma_start3A_1198 = arith.constant 0 : i32
        %dma_start3A_1199 = arith.constant 0 : i32
        %dma_start3A_1200 = tpu.memref_slice %arg3[%dma_start3A_1198, %dma_start3A_1199] : memref<100000x64xf32, #tpu.memory_space<hbm>> -> memref<100000x64xf32, #tpu.memory_space<hbm>>
        tpu.enqueue_indirect_dma source(%dma_start3A_1200 : memref<100000x64xf32, #tpu.memory_space<hbm>>) target(%dma_start3A_1194 : memref<16x64xf32, #tpu.memory_space<vmem>>) offsets(%dma_start3A_1197 : memref<16xi32, #tpu.memory_space<vmem>>) semaphore(%arg8 : memref<!tpu.dma_semaphore, #tpu.memory_space<semaphore_mem>>)
        %add3A_1201 = arith.constant 8 : i32
        %add3A_1202 = arith.addi %mul3A_1072, %add3A_1201 : i32
        %dma_start3A_1203 = arith.constant 1 : i32
        %dma_start3A_1204 = arith.constant 0 : i32
        %dma_start3A_1205 = arith.constant 0 : i32
        %dma_start3A_1206 = tpu.memref_slice %arg6[%dma_start3A_1203, %dma_start3A_1204, %dma_start3A_1205] : memref<5x160x64xf32, #tpu.memory_space<vmem>> -> memref<1x160x64xf32, #tpu.memory_space<vmem>>
        %dma_start3A_1207 = tpu.memref_squeeze %dma_start3A_1206 : memref<1x160x64xf32, #tpu.memory_space<vmem>> -> memref<160x64xf32, #tpu.memory_space<vmem>>
        %dma_start3A_1208 = arith.constant 128 : i32
        %dma_start3A_1209 = arith.constant 0 : i32
        %dma_start3A_1210 = tpu.memref_slice %dma_start3A_1207[%dma_start3A_1208, %dma_start3A_1209] : memref<160x64xf32, #tpu.memory_space<vmem>> -> memref<16x64xf32, #tpu.memory_space<vmem>>
        %dma_start3A_1211 = arith.constant 0 : i32
        %dma_start3A_1212 = tpu.memref_slice %arg5[%select_n3A_1054, %add3A_1202, %dma_start3A_1211] : memref<32x50x16xi32, #tpu.memory_space<vmem>> -> memref<1x1x16xi32, #tpu.memory_space<vmem>>
        %dma_start3A_1213 = tpu.memref_squeeze %dma_start3A_1212 : memref<1x1x16xi32, #tpu.memory_space<vmem>> -> memref<16xi32, #tpu.memory_space<vmem>>
        %dma_start3A_1214 = arith.constant 0 : i32
        %dma_start3A_1215 = arith.constant 0 : i32
        %dma_start3A_1216 = tpu.memref_slice %arg3[%dma_start3A_1214, %dma_start3A_1215] : memref<100000x64xf32, #tpu.memory_space<hbm>> -> memref<100000x64xf32, #tpu.memory_space<hbm>>
        tpu.enqueue_indirect_dma source(%dma_start3A_1216 : memref<100000x64xf32, #tpu.memory_space<hbm>>) target(%dma_start3A_1210 : memref<16x64xf32, #tpu.memory_space<vmem>>) offsets(%dma_start3A_1213 : memref<16xi32, #tpu.memory_space<vmem>>) semaphore(%arg8 : memref<!tpu.dma_semaphore, #tpu.memory_space<semaphore_mem>>)
        %add3A_1217 = arith.constant 9 : i32
        %add3A_1218 = arith.addi %mul3A_1072, %add3A_1217 : i32
        %dma_start3A_1219 = arith.constant 1 : i32
        %dma_start3A_1220 = arith.constant 0 : i32
        %dma_start3A_1221 = arith.constant 0 : i32
        %dma_start3A_1222 = tpu.memref_slice %arg6[%dma_start3A_1219, %dma_start3A_1220, %dma_start3A_1221] : memref<5x160x64xf32, #tpu.memory_space<vmem>> -> memref<1x160x64xf32, #tpu.memory_space<vmem>>
        %dma_start3A_1223 = tpu.memref_squeeze %dma_start3A_1222 : memref<1x160x64xf32, #tpu.memory_space<vmem>> -> memref<160x64xf32, #tpu.memory_space<vmem>>
        %dma_start3A_1224 = arith.constant 144 : i32
        %dma_start3A_1225 = arith.constant 0 : i32
        %dma_start3A_1226 = tpu.memref_slice %dma_start3A_1223[%dma_start3A_1224, %dma_start3A_1225] : memref<160x64xf32, #tpu.memory_space<vmem>> -> memref<16x64xf32, #tpu.memory_space<vmem>>
        %dma_start3A_1227 = arith.constant 0 : i32
        %dma_start3A_1228 = tpu.memref_slice %arg5[%select_n3A_1054, %add3A_1218, %dma_start3A_1227] : memref<32x50x16xi32, #tpu.memory_space<vmem>> -> memref<1x1x16xi32, #tpu.memory_space<vmem>>
        %dma_start3A_1229 = tpu.memref_squeeze %dma_start3A_1228 : memref<1x1x16xi32, #tpu.memory_space<vmem>> -> memref<16xi32, #tpu.memory_space<vmem>>
        %dma_start3A_1230 = arith.constant 0 : i32
        %dma_start3A_1231 = arith.constant 0 : i32
        %dma_start3A_1232 = tpu.memref_slice %arg3[%dma_start3A_1230, %dma_start3A_1231] : memref<100000x64xf32, #tpu.memory_space<hbm>> -> memref<100000x64xf32, #tpu.memory_space<hbm>>
        tpu.enqueue_indirect_dma source(%dma_start3A_1232 : memref<100000x64xf32, #tpu.memory_space<hbm>>) target(%dma_start3A_1226 : memref<16x64xf32, #tpu.memory_space<vmem>>) offsets(%dma_start3A_1229 : memref<16xi32, #tpu.memory_space<vmem>>) semaphore(%arg8 : memref<!tpu.dma_semaphore, #tpu.memory_space<semaphore_mem>>)
      } else {
      }
      %mul3A_936 = arith.constant 5 : i32
      %mul3A_937 = arith.muli %scan3A_591, %mul3A_936 : i32
      %add3A_938 = arith.constant 4 : i32
      %add3A_939 = arith.addi %mul3A_937, %add3A_938 : i32
      %dma_wait3A_940 = arith.constant 4 : i32
      %dma_wait3A_941 = arith.constant 0 : i32
      %dma_wait3A_942 = arith.constant 0 : i32
      %dma_wait3A_943 = tpu.memref_slice %arg6[%dma_wait3A_940, %dma_wait3A_941, %dma_wait3A_942] : memref<5x160x64xf32, #tpu.memory_space<vmem>> -> memref<1x160x64xf32, #tpu.memory_space<vmem>>
      %dma_wait3A_944 = tpu.memref_squeeze %dma_wait3A_943 : memref<1x160x64xf32, #tpu.memory_space<vmem>> -> memref<160x64xf32, #tpu.memory_space<vmem>>
      %dma_wait3A_945 = arith.constant 0 : i32
      %dma_wait3A_946 = arith.constant 0 : i32
      %dma_wait3A_947 = tpu.memref_slice %arg3[%dma_wait3A_945, %dma_wait3A_946] : memref<100000x64xf32, #tpu.memory_space<hbm>> -> memref<160x64xf32, #tpu.memory_space<hbm>>
      %dma_wait3A_948 = arith.constant 0 : i32
      %dma_wait3A_949 = arith.constant 0 : i32
      %dma_wait3A_950 = tpu.memref_slice %arg6[%dma_wait3A_940, %dma_wait3A_948, %dma_wait3A_949] : memref<5x160x64xf32, #tpu.memory_space<vmem>> -> memref<1x160x64xf32, #tpu.memory_space<vmem>>
      %dma_wait3A_951 = tpu.memref_squeeze %dma_wait3A_950 : memref<1x160x64xf32, #tpu.memory_space<vmem>> -> memref<160x64xf32, #tpu.memory_space<vmem>>
      %dma_wait3A_952 = arith.constant 0 : i32
      %dma_wait3A_953 = arith.constant 0 : i32
      %dma_wait3A_954 = tpu.memref_slice %arg3[%dma_wait3A_952, %dma_wait3A_953] : memref<100000x64xf32, #tpu.memory_space<hbm>> -> memref<160x64xf32, #tpu.memory_space<hbm>>
      tpu.wait_dma2 semaphore(%arg11 : memref<!tpu.dma_semaphore, #tpu.memory_space<semaphore_mem>>) src(%dma_wait3A_954 : memref<160x64xf32, #tpu.memory_space<hbm>>) dst(%dma_wait3A_951 : memref<160x64xf32, #tpu.memory_space<vmem>>)
      %jit3A_955 = arith.constant 5 : i32
      %div3A_956 = arith.divsi %add3A_939, %jit3A_955 : i32
      %sign3A_957 = arith.constant 0 : i32
      %sign3A_958 = arith.cmpi sgt, %add3A_939, %sign3A_957 : i32
      %sign3A_959 = arith.extui %sign3A_958 : i1 to i32
      %sign3A_960 = arith.constant 0 : i32
      %sign3A_961 = arith.cmpi slt, %add3A_939, %sign3A_960 : i32
      %sign3A_962 = arith.extui %sign3A_961 : i1 to i32
      %sign3A_963 = arith.subi %sign3A_959, %sign3A_962 : i32
      %sign3A_964 = arith.constant 0 : i32
      %sign3A_965 = arith.cmpi sgt, %jit3A_955, %sign3A_964 : i32
      %sign3A_966 = arith.extui %sign3A_965 : i1 to i32
      %sign3A_967 = arith.constant 0 : i32
      %sign3A_968 = arith.cmpi slt, %jit3A_955, %sign3A_967 : i32
      %sign3A_969 = arith.extui %sign3A_968 : i1 to i32
      %sign3A_970 = arith.subi %sign3A_966, %sign3A_969 : i32
      %ne3A_971 = arith.cmpi ne, %sign3A_963, %sign3A_970 : i32
      %rem3A_972 = arith.remsi %add3A_939, %jit3A_955 : i32
      %ne3A_973 = arith.constant 0 : i32
      %ne3A_974 = arith.cmpi ne, %rem3A_972, %ne3A_973 : i32
      %and3A_975 = arith.andi %ne3A_971, %ne3A_974 : i1
      %sub3A_976 = arith.constant 1 : i32
      %sub3A_977 = arith.subi %div3A_956, %sub3A_976 : i32
      %select_n3A_978 = arith.select %and3A_975, %sub3A_977, %div3A_956 : i32
      %add3A_979 = arith.addi %mul3A_2, %select_n3A_978 : i32
      %mul3A_980 = arith.constant 50 : i32
      %mul3A_981 = arith.muli %add3A_979, %mul3A_980 : i32
      %mul3A_982 = arith.constant 16 : i32
      %mul3A_983 = arith.muli %mul3A_981, %mul3A_982 : i32
      %jit3A_984 = arith.constant 5 : i32
      %eq3A_985 = arith.constant 0 : i32
      %eq3A_986 = arith.cmpi eq, %jit3A_984, %eq3A_985 : i32
      %jit3A_987 = arith.constant 1 : i32
      %select_n3A_988 = arith.select %eq3A_986, %jit3A_987, %jit3A_984 : i32
      %rem3A_989 = arith.remsi %add3A_939, %select_n3A_988 : i32
      %ne3A_990 = arith.constant 0 : i32
      %ne3A_991 = arith.cmpi ne, %rem3A_989, %ne3A_990 : i32
      %lt3A_992 = arith.constant 0 : i32
      %lt3A_993 = arith.cmpi slt, %rem3A_989, %lt3A_992 : i32
      %lt3A_994 = arith.constant 0 : i32
      %lt3A_995 = arith.cmpi slt, %select_n3A_988, %lt3A_994 : i32
      %ne3A_996 = arith.xori %lt3A_993, %lt3A_995 : i1
      %and3A_997 = arith.andi %ne3A_996, %ne3A_991 : i1
      %add3A_998 = arith.addi %rem3A_989, %select_n3A_988 : i32
      %select_n3A_999 = arith.select %and3A_997, %add3A_998, %rem3A_989 : i32
      %mul3A_1000 = arith.constant 10 : i32
      %mul3A_1001 = arith.muli %select_n3A_999, %mul3A_1000 : i32
      %mul3A_1002 = arith.constant 16 : i32
      %mul3A_1003 = arith.muli %mul3A_1001, %mul3A_1002 : i32
      %add3A_1004 = arith.addi %mul3A_983, %mul3A_1003 : i32
      %dma_start3A_1005 = arith.constant 4 : i32
      %dma_start3A_1006 = arith.constant 0 : i32
      %dma_start3A_1007 = arith.constant 0 : i32
      %dma_start3A_1008 = tpu.memref_slice %arg6[%dma_start3A_1005, %dma_start3A_1006, %dma_start3A_1007] : memref<5x160x64xf32, #tpu.memory_space<vmem>> -> memref<1x160x64xf32, #tpu.memory_space<vmem>>
      %dma_start3A_1009 = tpu.memref_squeeze %dma_start3A_1008 : memref<1x160x64xf32, #tpu.memory_space<vmem>> -> memref<160x64xf32, #tpu.memory_space<vmem>>
      %dma_start3A_1010 = arith.constant 0 : i32
      %dma_start3A_1011 = tpu.memref_slice %arg4[%add3A_1004, %dma_start3A_1010] : memref<819200x128xf32, #tpu.memory_space<hbm>> -> memref<160x64xf32, #tpu.memory_space<hbm>>
      %dma_start3A_1012 = arith.constant 0 : i32
      %dma_start3A_1013 = tpu.memref_slice %arg4[%add3A_1004, %dma_start3A_1012] : memref<819200x128xf32, #tpu.memory_space<hbm>> -> memref<160x64xf32, #tpu.memory_space<hbm>>
      %dma_start3A_1014 = arith.constant 0 : i32
      %dma_start3A_1015 = arith.constant 0 : i32
      %dma_start3A_1016 = tpu.memref_slice %arg6[%dma_start3A_1005, %dma_start3A_1014, %dma_start3A_1015] : memref<5x160x64xf32, #tpu.memory_space<vmem>> -> memref<1x160x64xf32, #tpu.memory_space<vmem>>
      %dma_start3A_1017 = tpu.memref_squeeze %dma_start3A_1016 : memref<1x160x64xf32, #tpu.memory_space<vmem>> -> memref<160x64xf32, #tpu.memory_space<vmem>>
      tpu.enqueue_dma source(%dma_start3A_1017 : memref<160x64xf32, #tpu.memory_space<vmem>>) target(%dma_start3A_1013 : memref<160x64xf32, #tpu.memory_space<hbm>>) target_semaphore(%arg16 : memref<!tpu.dma_semaphore, #tpu.memory_space<semaphore_mem>>)
      %add3A_1018 = arith.constant 3 : i32
      %add3A_1019 = arith.addi %add3A_939, %add3A_1018 : i32
      %lt3A_1020 = arith.constant 160 : i32
      %lt3A_1021 = arith.cmpi slt, %add3A_1019, %lt3A_1020 : i32
      %convert_element_type3A_1022 = arith.extui %lt3A_1021 : i1 to i32
      %cond3A_1023 = arith.constant 0 : i32
      %cond3A_1024 = arith.cmpi ne, %convert_element_type3A_1022, %cond3A_1023 : i32
      scf.if %cond3A_1024 {
        %ge3A = arith.constant 2 : i32
        %ge3A_1025 = arith.cmpi sge, %add3A_939, %ge3A : i32
        %convert_element_type3A_1026 = arith.extui %ge3A_1025 : i1 to i32
        %cond3A_1027 = arith.constant 0 : i32
        %cond3A_1028 = arith.cmpi ne, %convert_element_type3A_1026, %cond3A_1027 : i32
        scf.if %cond3A_1028 {
          %sub3A_1233 = arith.constant 2 : i32
          %sub3A_1234 = arith.subi %add3A_939, %sub3A_1233 : i32
          %jit3A_1235 = arith.constant 5 : i32
          %div3A_1236 = arith.divsi %sub3A_1234, %jit3A_1235 : i32
          %sign3A_1237 = arith.constant 0 : i32
          %sign3A_1238 = arith.cmpi sgt, %sub3A_1234, %sign3A_1237 : i32
          %sign3A_1239 = arith.extui %sign3A_1238 : i1 to i32
          %sign3A_1240 = arith.constant 0 : i32
          %sign3A_1241 = arith.cmpi slt, %sub3A_1234, %sign3A_1240 : i32
          %sign3A_1242 = arith.extui %sign3A_1241 : i1 to i32
          %sign3A_1243 = arith.subi %sign3A_1239, %sign3A_1242 : i32
          %sign3A_1244 = arith.constant 0 : i32
          %sign3A_1245 = arith.cmpi sgt, %jit3A_1235, %sign3A_1244 : i32
          %sign3A_1246 = arith.extui %sign3A_1245 : i1 to i32
          %sign3A_1247 = arith.constant 0 : i32
          %sign3A_1248 = arith.cmpi slt, %jit3A_1235, %sign3A_1247 : i32
          %sign3A_1249 = arith.extui %sign3A_1248 : i1 to i32
          %sign3A_1250 = arith.subi %sign3A_1246, %sign3A_1249 : i32
          %ne3A_1251 = arith.cmpi ne, %sign3A_1243, %sign3A_1250 : i32
          %rem3A_1252 = arith.remsi %sub3A_1234, %jit3A_1235 : i32
          %ne3A_1253 = arith.constant 0 : i32
          %ne3A_1254 = arith.cmpi ne, %rem3A_1252, %ne3A_1253 : i32
          %and3A_1255 = arith.andi %ne3A_1251, %ne3A_1254 : i1
          %sub3A_1256 = arith.constant 1 : i32
          %sub3A_1257 = arith.subi %div3A_1236, %sub3A_1256 : i32
          %select_n3A_1258 = arith.select %and3A_1255, %sub3A_1257, %div3A_1236 : i32
          %add3A_1259 = arith.addi %mul3A_2, %select_n3A_1258 : i32
          %mul3A_1260 = arith.constant 50 : i32
          %mul3A_1261 = arith.muli %add3A_1259, %mul3A_1260 : i32
          %mul3A_1262 = arith.constant 16 : i32
          %mul3A_1263 = arith.muli %mul3A_1261, %mul3A_1262 : i32
          %jit3A_1264 = arith.constant 5 : i32
          %eq3A_1265 = arith.constant 0 : i32
          %eq3A_1266 = arith.cmpi eq, %jit3A_1264, %eq3A_1265 : i32
          %jit3A_1267 = arith.constant 1 : i32
          %select_n3A_1268 = arith.select %eq3A_1266, %jit3A_1267, %jit3A_1264 : i32
          %rem3A_1269 = arith.remsi %sub3A_1234, %select_n3A_1268 : i32
          %ne3A_1270 = arith.constant 0 : i32
          %ne3A_1271 = arith.cmpi ne, %rem3A_1269, %ne3A_1270 : i32
          %lt3A_1272 = arith.constant 0 : i32
          %lt3A_1273 = arith.cmpi slt, %rem3A_1269, %lt3A_1272 : i32
          %lt3A_1274 = arith.constant 0 : i32
          %lt3A_1275 = arith.cmpi slt, %select_n3A_1268, %lt3A_1274 : i32
          %ne3A_1276 = arith.xori %lt3A_1273, %lt3A_1275 : i1
          %and3A_1277 = arith.andi %ne3A_1276, %ne3A_1271 : i1
          %add3A_1278 = arith.addi %rem3A_1269, %select_n3A_1268 : i32
          %select_n3A_1279 = arith.select %and3A_1277, %add3A_1278, %rem3A_1269 : i32
          %mul3A_1280 = arith.constant 10 : i32
          %mul3A_1281 = arith.muli %select_n3A_1279, %mul3A_1280 : i32
          %mul3A_1282 = arith.constant 16 : i32
          %mul3A_1283 = arith.muli %mul3A_1281, %mul3A_1282 : i32
          %add3A_1284 = arith.addi %mul3A_1263, %mul3A_1283 : i32
          %dma_wait3A_1285 = arith.constant 2 : i32
          %dma_wait3A_1286 = arith.constant 0 : i32
          %dma_wait3A_1287 = arith.constant 0 : i32
          %dma_wait3A_1288 = tpu.memref_slice %arg6[%dma_wait3A_1285, %dma_wait3A_1286, %dma_wait3A_1287] : memref<5x160x64xf32, #tpu.memory_space<vmem>> -> memref<1x160x64xf32, #tpu.memory_space<vmem>>
          %dma_wait3A_1289 = tpu.memref_squeeze %dma_wait3A_1288 : memref<1x160x64xf32, #tpu.memory_space<vmem>> -> memref<160x64xf32, #tpu.memory_space<vmem>>
          %dma_wait3A_1290 = arith.constant 0 : i32
          %dma_wait3A_1291 = tpu.memref_slice %arg4[%add3A_1284, %dma_wait3A_1290] : memref<819200x128xf32, #tpu.memory_space<hbm>> -> memref<160x64xf32, #tpu.memory_space<hbm>>
          %dma_wait3A_1292 = arith.constant 0 : i32
          %dma_wait3A_1293 = tpu.memref_slice %arg4[%add3A_1284, %dma_wait3A_1292] : memref<819200x128xf32, #tpu.memory_space<hbm>> -> memref<160x64xf32, #tpu.memory_space<hbm>>
          %dma_wait3A_1294 = arith.constant 0 : i32
          %dma_wait3A_1295 = arith.constant 0 : i32
          %dma_wait3A_1296 = tpu.memref_slice %arg6[%dma_wait3A_1285, %dma_wait3A_1294, %dma_wait3A_1295] : memref<5x160x64xf32, #tpu.memory_space<vmem>> -> memref<1x160x64xf32, #tpu.memory_space<vmem>>
          %dma_wait3A_1297 = tpu.memref_squeeze %dma_wait3A_1296 : memref<1x160x64xf32, #tpu.memory_space<vmem>> -> memref<160x64xf32, #tpu.memory_space<vmem>>
          tpu.wait_dma2 semaphore(%arg14 : memref<!tpu.dma_semaphore, #tpu.memory_space<semaphore_mem>>) src(%dma_wait3A_1297 : memref<160x64xf32, #tpu.memory_space<vmem>>) dst(%dma_wait3A_1293 : memref<160x64xf32, #tpu.memory_space<hbm>>)
        } else {
        }
        %add3A_1029 = arith.constant 3 : i32
        %add3A_1030 = arith.addi %add3A_939, %add3A_1029 : i32
        %jit3A_1031 = arith.constant 5 : i32
        %div3A_1032 = arith.divsi %add3A_1030, %jit3A_1031 : i32
        %sign3A_1033 = arith.constant 0 : i32
        %sign3A_1034 = arith.cmpi sgt, %add3A_1030, %sign3A_1033 : i32
        %sign3A_1035 = arith.extui %sign3A_1034 : i1 to i32
        %sign3A_1036 = arith.constant 0 : i32
        %sign3A_1037 = arith.cmpi slt, %add3A_1030, %sign3A_1036 : i32
        %sign3A_1038 = arith.extui %sign3A_1037 : i1 to i32
        %sign3A_1039 = arith.subi %sign3A_1035, %sign3A_1038 : i32
        %sign3A_1040 = arith.constant 0 : i32
        %sign3A_1041 = arith.cmpi sgt, %jit3A_1031, %sign3A_1040 : i32
        %sign3A_1042 = arith.extui %sign3A_1041 : i1 to i32
        %sign3A_1043 = arith.constant 0 : i32
        %sign3A_1044 = arith.cmpi slt, %jit3A_1031, %sign3A_1043 : i32
        %sign3A_1045 = arith.extui %sign3A_1044 : i1 to i32
        %sign3A_1046 = arith.subi %sign3A_1042, %sign3A_1045 : i32
        %ne3A_1047 = arith.cmpi ne, %sign3A_1039, %sign3A_1046 : i32
        %rem3A_1048 = arith.remsi %add3A_1030, %jit3A_1031 : i32
        %ne3A_1049 = arith.constant 0 : i32
        %ne3A_1050 = arith.cmpi ne, %rem3A_1048, %ne3A_1049 : i32
        %and3A_1051 = arith.andi %ne3A_1047, %ne3A_1050 : i1
        %sub3A_1052 = arith.constant 1 : i32
        %sub3A_1053 = arith.subi %div3A_1032, %sub3A_1052 : i32
        %select_n3A_1054 = arith.select %and3A_1051, %sub3A_1053, %div3A_1032 : i32
        %jit3A_1055 = arith.constant 5 : i32
        %eq3A_1056 = arith.constant 0 : i32
        %eq3A_1057 = arith.cmpi eq, %jit3A_1055, %eq3A_1056 : i32
        %jit3A_1058 = arith.constant 1 : i32
        %select_n3A_1059 = arith.select %eq3A_1057, %jit3A_1058, %jit3A_1055 : i32
        %rem3A_1060 = arith.remsi %add3A_1030, %select_n3A_1059 : i32
        %ne3A_1061 = arith.constant 0 : i32
        %ne3A_1062 = arith.cmpi ne, %rem3A_1060, %ne3A_1061 : i32
        %lt3A_1063 = arith.constant 0 : i32
        %lt3A_1064 = arith.cmpi slt, %rem3A_1060, %lt3A_1063 : i32
        %lt3A_1065 = arith.constant 0 : i32
        %lt3A_1066 = arith.cmpi slt, %select_n3A_1059, %lt3A_1065 : i32
        %ne3A_1067 = arith.xori %lt3A_1064, %lt3A_1066 : i1
        %and3A_1068 = arith.andi %ne3A_1067, %ne3A_1062 : i1
        %add3A_1069 = arith.addi %rem3A_1060, %select_n3A_1059 : i32
        %select_n3A_1070 = arith.select %and3A_1068, %add3A_1069, %rem3A_1060 : i32
        %mul3A_1071 = arith.constant 10 : i32
        %mul3A_1072 = arith.muli %select_n3A_1070, %mul3A_1071 : i32
        %add3A_1073 = arith.constant 0 : i32
        %add3A_1074 = arith.addi %mul3A_1072, %add3A_1073 : i32
        %dma_start3A_1075 = arith.constant 2 : i32
        %dma_start3A_1076 = arith.constant 0 : i32
        %dma_start3A_1077 = arith.constant 0 : i32
        %dma_start3A_1078 = tpu.memref_slice %arg6[%dma_start3A_1075, %dma_start3A_1076, %dma_start3A_1077] : memref<5x160x64xf32, #tpu.memory_space<vmem>> -> memref<1x160x64xf32, #tpu.memory_space<vmem>>
        %dma_start3A_1079 = tpu.memref_squeeze %dma_start3A_1078 : memref<1x160x64xf32, #tpu.memory_space<vmem>> -> memref<160x64xf32, #tpu.memory_space<vmem>>
        %dma_start3A_1080 = arith.constant 0 : i32
        %dma_start3A_1081 = arith.constant 0 : i32
        %dma_start3A_1082 = tpu.memref_slice %dma_start3A_1079[%dma_start3A_1080, %dma_start3A_1081] : memref<160x64xf32, #tpu.memory_space<vmem>> -> memref<16x64xf32, #tpu.memory_space<vmem>>
        %dma_start3A_1083 = arith.constant 0 : i32
        %dma_start3A_1084 = tpu.memref_slice %arg5[%select_n3A_1054, %add3A_1074, %dma_start3A_1083] : memref<32x50x16xi32, #tpu.memory_space<vmem>> -> memref<1x1x16xi32, #tpu.memory_space<vmem>>
        %dma_start3A_1085 = tpu.memref_squeeze %dma_start3A_1084 : memref<1x1x16xi32, #tpu.memory_space<vmem>> -> memref<16xi32, #tpu.memory_space<vmem>>
        %dma_start3A_1086 = arith.constant 0 : i32
        %dma_start3A_1087 = arith.constant 0 : i32
        %dma_start3A_1088 = tpu.memref_slice %arg3[%dma_start3A_1086, %dma_start3A_1087] : memref<100000x64xf32, #tpu.memory_space<hbm>> -> memref<100000x64xf32, #tpu.memory_space<hbm>>
        tpu.enqueue_indirect_dma source(%dma_start3A_1088 : memref<100000x64xf32, #tpu.memory_space<hbm>>) target(%dma_start3A_1082 : memref<16x64xf32, #tpu.memory_space<vmem>>) offsets(%dma_start3A_1085 : memref<16xi32, #tpu.memory_space<vmem>>) semaphore(%arg9 : memref<!tpu.dma_semaphore, #tpu.memory_space<semaphore_mem>>)
        %add3A_1089 = arith.constant 1 : i32
        %add3A_1090 = arith.addi %mul3A_1072, %add3A_1089 : i32
        %dma_start3A_1091 = arith.constant 2 : i32
        %dma_start3A_1092 = arith.constant 0 : i32
        %dma_start3A_1093 = arith.constant 0 : i32
        %dma_start3A_1094 = tpu.memref_slice %arg6[%dma_start3A_1091, %dma_start3A_1092, %dma_start3A_1093] : memref<5x160x64xf32, #tpu.memory_space<vmem>> -> memref<1x160x64xf32, #tpu.memory_space<vmem>>
        %dma_start3A_1095 = tpu.memref_squeeze %dma_start3A_1094 : memref<1x160x64xf32, #tpu.memory_space<vmem>> -> memref<160x64xf32, #tpu.memory_space<vmem>>
        %dma_start3A_1096 = arith.constant 16 : i32
        %dma_start3A_1097 = arith.constant 0 : i32
        %dma_start3A_1098 = tpu.memref_slice %dma_start3A_1095[%dma_start3A_1096, %dma_start3A_1097] : memref<160x64xf32, #tpu.memory_space<vmem>> -> memref<16x64xf32, #tpu.memory_space<vmem>>
        %dma_start3A_1099 = arith.constant 0 : i32
        %dma_start3A_1100 = tpu.memref_slice %arg5[%select_n3A_1054, %add3A_1090, %dma_start3A_1099] : memref<32x50x16xi32, #tpu.memory_space<vmem>> -> memref<1x1x16xi32, #tpu.memory_space<vmem>>
        %dma_start3A_1101 = tpu.memref_squeeze %dma_start3A_1100 : memref<1x1x16xi32, #tpu.memory_space<vmem>> -> memref<16xi32, #tpu.memory_space<vmem>>
        %dma_start3A_1102 = arith.constant 0 : i32
        %dma_start3A_1103 = arith.constant 0 : i32
        %dma_start3A_1104 = tpu.memref_slice %arg3[%dma_start3A_1102, %dma_start3A_1103] : memref<100000x64xf32, #tpu.memory_space<hbm>> -> memref<100000x64xf32, #tpu.memory_space<hbm>>
        tpu.enqueue_indirect_dma source(%dma_start3A_1104 : memref<100000x64xf32, #tpu.memory_space<hbm>>) target(%dma_start3A_1098 : memref<16x64xf32, #tpu.memory_space<vmem>>) offsets(%dma_start3A_1101 : memref<16xi32, #tpu.memory_space<vmem>>) semaphore(%arg9 : memref<!tpu.dma_semaphore, #tpu.memory_space<semaphore_mem>>)
        %add3A_1105 = arith.constant 2 : i32
        %add3A_1106 = arith.addi %mul3A_1072, %add3A_1105 : i32
        %dma_start3A_1107 = arith.constant 2 : i32
        %dma_start3A_1108 = arith.constant 0 : i32
        %dma_start3A_1109 = arith.constant 0 : i32
        %dma_start3A_1110 = tpu.memref_slice %arg6[%dma_start3A_1107, %dma_start3A_1108, %dma_start3A_1109] : memref<5x160x64xf32, #tpu.memory_space<vmem>> -> memref<1x160x64xf32, #tpu.memory_space<vmem>>
        %dma_start3A_1111 = tpu.memref_squeeze %dma_start3A_1110 : memref<1x160x64xf32, #tpu.memory_space<vmem>> -> memref<160x64xf32, #tpu.memory_space<vmem>>
        %dma_start3A_1112 = arith.constant 32 : i32
        %dma_start3A_1113 = arith.constant 0 : i32
        %dma_start3A_1114 = tpu.memref_slice %dma_start3A_1111[%dma_start3A_1112, %dma_start3A_1113] : memref<160x64xf32, #tpu.memory_space<vmem>> -> memref<16x64xf32, #tpu.memory_space<vmem>>
        %dma_start3A_1115 = arith.constant 0 : i32
        %dma_start3A_1116 = tpu.memref_slice %arg5[%select_n3A_1054, %add3A_1106, %dma_start3A_1115] : memref<32x50x16xi32, #tpu.memory_space<vmem>> -> memref<1x1x16xi32, #tpu.memory_space<vmem>>
        %dma_start3A_1117 = tpu.memref_squeeze %dma_start3A_1116 : memref<1x1x16xi32, #tpu.memory_space<vmem>> -> memref<16xi32, #tpu.memory_space<vmem>>
        %dma_start3A_1118 = arith.constant 0 : i32
        %dma_start3A_1119 = arith.constant 0 : i32
        %dma_start3A_1120 = tpu.memref_slice %arg3[%dma_start3A_1118, %dma_start3A_1119] : memref<100000x64xf32, #tpu.memory_space<hbm>> -> memref<100000x64xf32, #tpu.memory_space<hbm>>
        tpu.enqueue_indirect_dma source(%dma_start3A_1120 : memref<100000x64xf32, #tpu.memory_space<hbm>>) target(%dma_start3A_1114 : memref<16x64xf32, #tpu.memory_space<vmem>>) offsets(%dma_start3A_1117 : memref<16xi32, #tpu.memory_space<vmem>>) semaphore(%arg9 : memref<!tpu.dma_semaphore, #tpu.memory_space<semaphore_mem>>)
        %add3A_1121 = arith.constant 3 : i32
        %add3A_1122 = arith.addi %mul3A_1072, %add3A_1121 : i32
        %dma_start3A_1123 = arith.constant 2 : i32
        %dma_start3A_1124 = arith.constant 0 : i32
        %dma_start3A_1125 = arith.constant 0 : i32
        %dma_start3A_1126 = tpu.memref_slice %arg6[%dma_start3A_1123, %dma_start3A_1124, %dma_start3A_1125] : memref<5x160x64xf32, #tpu.memory_space<vmem>> -> memref<1x160x64xf32, #tpu.memory_space<vmem>>
        %dma_start3A_1127 = tpu.memref_squeeze %dma_start3A_1126 : memref<1x160x64xf32, #tpu.memory_space<vmem>> -> memref<160x64xf32, #tpu.memory_space<vmem>>
        %dma_start3A_1128 = arith.constant 48 : i32
        %dma_start3A_1129 = arith.constant 0 : i32
        %dma_start3A_1130 = tpu.memref_slice %dma_start3A_1127[%dma_start3A_1128, %dma_start3A_1129] : memref<160x64xf32, #tpu.memory_space<vmem>> -> memref<16x64xf32, #tpu.memory_space<vmem>>
        %dma_start3A_1131 = arith.constant 0 : i32
        %dma_start3A_1132 = tpu.memref_slice %arg5[%select_n3A_1054, %add3A_1122, %dma_start3A_1131] : memref<32x50x16xi32, #tpu.memory_space<vmem>> -> memref<1x1x16xi32, #tpu.memory_space<vmem>>
        %dma_start3A_1133 = tpu.memref_squeeze %dma_start3A_1132 : memref<1x1x16xi32, #tpu.memory_space<vmem>> -> memref<16xi32, #tpu.memory_space<vmem>>
        %dma_start3A_1134 = arith.constant 0 : i32
        %dma_start3A_1135 = arith.constant 0 : i32
        %dma_start3A_1136 = tpu.memref_slice %arg3[%dma_start3A_1134, %dma_start3A_1135] : memref<100000x64xf32, #tpu.memory_space<hbm>> -> memref<100000x64xf32, #tpu.memory_space<hbm>>
        tpu.enqueue_indirect_dma source(%dma_start3A_1136 : memref<100000x64xf32, #tpu.memory_space<hbm>>) target(%dma_start3A_1130 : memref<16x64xf32, #tpu.memory_space<vmem>>) offsets(%dma_start3A_1133 : memref<16xi32, #tpu.memory_space<vmem>>) semaphore(%arg9 : memref<!tpu.dma_semaphore, #tpu.memory_space<semaphore_mem>>)
        %add3A_1137 = arith.constant 4 : i32
        %add3A_1138 = arith.addi %mul3A_1072, %add3A_1137 : i32
        %dma_start3A_1139 = arith.constant 2 : i32
        %dma_start3A_1140 = arith.constant 0 : i32
        %dma_start3A_1141 = arith.constant 0 : i32
        %dma_start3A_1142 = tpu.memref_slice %arg6[%dma_start3A_1139, %dma_start3A_1140, %dma_start3A_1141] : memref<5x160x64xf32, #tpu.memory_space<vmem>> -> memref<1x160x64xf32, #tpu.memory_space<vmem>>
        %dma_start3A_1143 = tpu.memref_squeeze %dma_start3A_1142 : memref<1x160x64xf32, #tpu.memory_space<vmem>> -> memref<160x64xf32, #tpu.memory_space<vmem>>
        %dma_start3A_1144 = arith.constant 64 : i32
        %dma_start3A_1145 = arith.constant 0 : i32
        %dma_start3A_1146 = tpu.memref_slice %dma_start3A_1143[%dma_start3A_1144, %dma_start3A_1145] : memref<160x64xf32, #tpu.memory_space<vmem>> -> memref<16x64xf32, #tpu.memory_space<vmem>>
        %dma_start3A_1147 = arith.constant 0 : i32
        %dma_start3A_1148 = tpu.memref_slice %arg5[%select_n3A_1054, %add3A_1138, %dma_start3A_1147] : memref<32x50x16xi32, #tpu.memory_space<vmem>> -> memref<1x1x16xi32, #tpu.memory_space<vmem>>
        %dma_start3A_1149 = tpu.memref_squeeze %dma_start3A_1148 : memref<1x1x16xi32, #tpu.memory_space<vmem>> -> memref<16xi32, #tpu.memory_space<vmem>>
        %dma_start3A_1150 = arith.constant 0 : i32
        %dma_start3A_1151 = arith.constant 0 : i32
        %dma_start3A_1152 = tpu.memref_slice %arg3[%dma_start3A_1150, %dma_start3A_1151] : memref<100000x64xf32, #tpu.memory_space<hbm>> -> memref<100000x64xf32, #tpu.memory_space<hbm>>
        tpu.enqueue_indirect_dma source(%dma_start3A_1152 : memref<100000x64xf32, #tpu.memory_space<hbm>>) target(%dma_start3A_1146 : memref<16x64xf32, #tpu.memory_space<vmem>>) offsets(%dma_start3A_1149 : memref<16xi32, #tpu.memory_space<vmem>>) semaphore(%arg9 : memref<!tpu.dma_semaphore, #tpu.memory_space<semaphore_mem>>)
        %add3A_1153 = arith.constant 5 : i32
        %add3A_1154 = arith.addi %mul3A_1072, %add3A_1153 : i32
        %dma_start3A_1155 = arith.constant 2 : i32
        %dma_start3A_1156 = arith.constant 0 : i32
        %dma_start3A_1157 = arith.constant 0 : i32
        %dma_start3A_1158 = tpu.memref_slice %arg6[%dma_start3A_1155, %dma_start3A_1156, %dma_start3A_1157] : memref<5x160x64xf32, #tpu.memory_space<vmem>> -> memref<1x160x64xf32, #tpu.memory_space<vmem>>
        %dma_start3A_1159 = tpu.memref_squeeze %dma_start3A_1158 : memref<1x160x64xf32, #tpu.memory_space<vmem>> -> memref<160x64xf32, #tpu.memory_space<vmem>>
        %dma_start3A_1160 = arith.constant 80 : i32
        %dma_start3A_1161 = arith.constant 0 : i32
        %dma_start3A_1162 = tpu.memref_slice %dma_start3A_1159[%dma_start3A_1160, %dma_start3A_1161] : memref<160x64xf32, #tpu.memory_space<vmem>> -> memref<16x64xf32, #tpu.memory_space<vmem>>
        %dma_start3A_1163 = arith.constant 0 : i32
        %dma_start3A_1164 = tpu.memref_slice %arg5[%select_n3A_1054, %add3A_1154, %dma_start3A_1163] : memref<32x50x16xi32, #tpu.memory_space<vmem>> -> memref<1x1x16xi32, #tpu.memory_space<vmem>>
        %dma_start3A_1165 = tpu.memref_squeeze %dma_start3A_1164 : memref<1x1x16xi32, #tpu.memory_space<vmem>> -> memref<16xi32, #tpu.memory_space<vmem>>
        %dma_start3A_1166 = arith.constant 0 : i32
        %dma_start3A_1167 = arith.constant 0 : i32
        %dma_start3A_1168 = tpu.memref_slice %arg3[%dma_start3A_1166, %dma_start3A_1167] : memref<100000x64xf32, #tpu.memory_space<hbm>> -> memref<100000x64xf32, #tpu.memory_space<hbm>>
        tpu.enqueue_indirect_dma source(%dma_start3A_1168 : memref<100000x64xf32, #tpu.memory_space<hbm>>) target(%dma_start3A_1162 : memref<16x64xf32, #tpu.memory_space<vmem>>) offsets(%dma_start3A_1165 : memref<16xi32, #tpu.memory_space<vmem>>) semaphore(%arg9 : memref<!tpu.dma_semaphore, #tpu.memory_space<semaphore_mem>>)
        %add3A_1169 = arith.constant 6 : i32
        %add3A_1170 = arith.addi %mul3A_1072, %add3A_1169 : i32
        %dma_start3A_1171 = arith.constant 2 : i32
        %dma_start3A_1172 = arith.constant 0 : i32
        %dma_start3A_1173 = arith.constant 0 : i32
        %dma_start3A_1174 = tpu.memref_slice %arg6[%dma_start3A_1171, %dma_start3A_1172, %dma_start3A_1173] : memref<5x160x64xf32, #tpu.memory_space<vmem>> -> memref<1x160x64xf32, #tpu.memory_space<vmem>>
        %dma_start3A_1175 = tpu.memref_squeeze %dma_start3A_1174 : memref<1x160x64xf32, #tpu.memory_space<vmem>> -> memref<160x64xf32, #tpu.memory_space<vmem>>
        %dma_start3A_1176 = arith.constant 96 : i32
        %dma_start3A_1177 = arith.constant 0 : i32
        %dma_start3A_1178 = tpu.memref_slice %dma_start3A_1175[%dma_start3A_1176, %dma_start3A_1177] : memref<160x64xf32, #tpu.memory_space<vmem>> -> memref<16x64xf32, #tpu.memory_space<vmem>>
        %dma_start3A_1179 = arith.constant 0 : i32
        %dma_start3A_1180 = tpu.memref_slice %arg5[%select_n3A_1054, %add3A_1170, %dma_start3A_1179] : memref<32x50x16xi32, #tpu.memory_space<vmem>> -> memref<1x1x16xi32, #tpu.memory_space<vmem>>
        %dma_start3A_1181 = tpu.memref_squeeze %dma_start3A_1180 : memref<1x1x16xi32, #tpu.memory_space<vmem>> -> memref<16xi32, #tpu.memory_space<vmem>>
        %dma_start3A_1182 = arith.constant 0 : i32
        %dma_start3A_1183 = arith.constant 0 : i32
        %dma_start3A_1184 = tpu.memref_slice %arg3[%dma_start3A_1182, %dma_start3A_1183] : memref<100000x64xf32, #tpu.memory_space<hbm>> -> memref<100000x64xf32, #tpu.memory_space<hbm>>
        tpu.enqueue_indirect_dma source(%dma_start3A_1184 : memref<100000x64xf32, #tpu.memory_space<hbm>>) target(%dma_start3A_1178 : memref<16x64xf32, #tpu.memory_space<vmem>>) offsets(%dma_start3A_1181 : memref<16xi32, #tpu.memory_space<vmem>>) semaphore(%arg9 : memref<!tpu.dma_semaphore, #tpu.memory_space<semaphore_mem>>)
        %add3A_1185 = arith.constant 7 : i32
        %add3A_1186 = arith.addi %mul3A_1072, %add3A_1185 : i32
        %dma_start3A_1187 = arith.constant 2 : i32
        %dma_start3A_1188 = arith.constant 0 : i32
        %dma_start3A_1189 = arith.constant 0 : i32
        %dma_start3A_1190 = tpu.memref_slice %arg6[%dma_start3A_1187, %dma_start3A_1188, %dma_start3A_1189] : memref<5x160x64xf32, #tpu.memory_space<vmem>> -> memref<1x160x64xf32, #tpu.memory_space<vmem>>
        %dma_start3A_1191 = tpu.memref_squeeze %dma_start3A_1190 : memref<1x160x64xf32, #tpu.memory_space<vmem>> -> memref<160x64xf32, #tpu.memory_space<vmem>>
        %dma_start3A_1192 = arith.constant 112 : i32
        %dma_start3A_1193 = arith.constant 0 : i32
        %dma_start3A_1194 = tpu.memref_slice %dma_start3A_1191[%dma_start3A_1192, %dma_start3A_1193] : memref<160x64xf32, #tpu.memory_space<vmem>> -> memref<16x64xf32, #tpu.memory_space<vmem>>
        %dma_start3A_1195 = arith.constant 0 : i32
        %dma_start3A_1196 = tpu.memref_slice %arg5[%select_n3A_1054, %add3A_1186, %dma_start3A_1195] : memref<32x50x16xi32, #tpu.memory_space<vmem>> -> memref<1x1x16xi32, #tpu.memory_space<vmem>>
        %dma_start3A_1197 = tpu.memref_squeeze %dma_start3A_1196 : memref<1x1x16xi32, #tpu.memory_space<vmem>> -> memref<16xi32, #tpu.memory_space<vmem>>
        %dma_start3A_1198 = arith.constant 0 : i32
        %dma_start3A_1199 = arith.constant 0 : i32
        %dma_start3A_1200 = tpu.memref_slice %arg3[%dma_start3A_1198, %dma_start3A_1199] : memref<100000x64xf32, #tpu.memory_space<hbm>> -> memref<100000x64xf32, #tpu.memory_space<hbm>>
        tpu.enqueue_indirect_dma source(%dma_start3A_1200 : memref<100000x64xf32, #tpu.memory_space<hbm>>) target(%dma_start3A_1194 : memref<16x64xf32, #tpu.memory_space<vmem>>) offsets(%dma_start3A_1197 : memref<16xi32, #tpu.memory_space<vmem>>) semaphore(%arg9 : memref<!tpu.dma_semaphore, #tpu.memory_space<semaphore_mem>>)
        %add3A_1201 = arith.constant 8 : i32
        %add3A_1202 = arith.addi %mul3A_1072, %add3A_1201 : i32
        %dma_start3A_1203 = arith.constant 2 : i32
        %dma_start3A_1204 = arith.constant 0 : i32
        %dma_start3A_1205 = arith.constant 0 : i32
        %dma_start3A_1206 = tpu.memref_slice %arg6[%dma_start3A_1203, %dma_start3A_1204, %dma_start3A_1205] : memref<5x160x64xf32, #tpu.memory_space<vmem>> -> memref<1x160x64xf32, #tpu.memory_space<vmem>>
        %dma_start3A_1207 = tpu.memref_squeeze %dma_start3A_1206 : memref<1x160x64xf32, #tpu.memory_space<vmem>> -> memref<160x64xf32, #tpu.memory_space<vmem>>
        %dma_start3A_1208 = arith.constant 128 : i32
        %dma_start3A_1209 = arith.constant 0 : i32
        %dma_start3A_1210 = tpu.memref_slice %dma_start3A_1207[%dma_start3A_1208, %dma_start3A_1209] : memref<160x64xf32, #tpu.memory_space<vmem>> -> memref<16x64xf32, #tpu.memory_space<vmem>>
        %dma_start3A_1211 = arith.constant 0 : i32
        %dma_start3A_1212 = tpu.memref_slice %arg5[%select_n3A_1054, %add3A_1202, %dma_start3A_1211] : memref<32x50x16xi32, #tpu.memory_space<vmem>> -> memref<1x1x16xi32, #tpu.memory_space<vmem>>
        %dma_start3A_1213 = tpu.memref_squeeze %dma_start3A_1212 : memref<1x1x16xi32, #tpu.memory_space<vmem>> -> memref<16xi32, #tpu.memory_space<vmem>>
        %dma_start3A_1214 = arith.constant 0 : i32
        %dma_start3A_1215 = arith.constant 0 : i32
        %dma_start3A_1216 = tpu.memref_slice %arg3[%dma_start3A_1214, %dma_start3A_1215] : memref<100000x64xf32, #tpu.memory_space<hbm>> -> memref<100000x64xf32, #tpu.memory_space<hbm>>
        tpu.enqueue_indirect_dma source(%dma_start3A_1216 : memref<100000x64xf32, #tpu.memory_space<hbm>>) target(%dma_start3A_1210 : memref<16x64xf32, #tpu.memory_space<vmem>>) offsets(%dma_start3A_1213 : memref<16xi32, #tpu.memory_space<vmem>>) semaphore(%arg9 : memref<!tpu.dma_semaphore, #tpu.memory_space<semaphore_mem>>)
        %add3A_1217 = arith.constant 9 : i32
        %add3A_1218 = arith.addi %mul3A_1072, %add3A_1217 : i32
        %dma_start3A_1219 = arith.constant 2 : i32
        %dma_start3A_1220 = arith.constant 0 : i32
        %dma_start3A_1221 = arith.constant 0 : i32
        %dma_start3A_1222 = tpu.memref_slice %arg6[%dma_start3A_1219, %dma_start3A_1220, %dma_start3A_1221] : memref<5x160x64xf32, #tpu.memory_space<vmem>> -> memref<1x160x64xf32, #tpu.memory_space<vmem>>
        %dma_start3A_1223 = tpu.memref_squeeze %dma_start3A_1222 : memref<1x160x64xf32, #tpu.memory_space<vmem>> -> memref<160x64xf32, #tpu.memory_space<vmem>>
        %dma_start3A_1224 = arith.constant 144 : i32
        %dma_start3A_1225 = arith.constant 0 : i32
        %dma_start3A_1226 = tpu.memref_slice %dma_start3A_1223[%dma_start3A_1224, %dma_start3A_1225] : memref<160x64xf32, #tpu.memory_space<vmem>> -> memref<16x64xf32, #tpu.memory_space<vmem>>
        %dma_start3A_1227 = arith.constant 0 : i32
        %dma_start3A_1228 = tpu.memref_slice %arg5[%select_n3A_1054, %add3A_1218, %dma_start3A_1227] : memref<32x50x16xi32, #tpu.memory_space<vmem>> -> memref<1x1x16xi32, #tpu.memory_space<vmem>>
        %dma_start3A_1229 = tpu.memref_squeeze %dma_start3A_1228 : memref<1x1x16xi32, #tpu.memory_space<vmem>> -> memref<16xi32, #tpu.memory_space<vmem>>
        %dma_start3A_1230 = arith.constant 0 : i32
        %dma_start3A_1231 = arith.constant 0 : i32
        %dma_start3A_1232 = tpu.memref_slice %arg3[%dma_start3A_1230, %dma_start3A_1231] : memref<100000x64xf32, #tpu.memory_space<hbm>> -> memref<100000x64xf32, #tpu.memory_space<hbm>>
        tpu.enqueue_indirect_dma source(%dma_start3A_1232 : memref<100000x64xf32, #tpu.memory_space<hbm>>) target(%dma_start3A_1226 : memref<16x64xf32, #tpu.memory_space<vmem>>) offsets(%dma_start3A_1229 : memref<16xi32, #tpu.memory_space<vmem>>) semaphore(%arg9 : memref<!tpu.dma_semaphore, #tpu.memory_space<semaphore_mem>>)
      } else {
      }
    }
    %scan3A_486 = arith.constant 32 : i32
    %add3A_487 = arith.constant 31 : i32
    %add3A_488 = arith.addi %mul3A_2, %add3A_487 : i32
    %mul3A_489 = arith.constant 50 : i32
    %mul3A_490 = arith.muli %add3A_488, %mul3A_489 : i32
    %mul3A_491 = arith.constant 16 : i32
    %mul3A_492 = arith.muli %mul3A_490, %mul3A_491 : i32
    %add3A_493 = arith.constant 0 : i32
    %add3A_494 = arith.addi %mul3A_492, %add3A_493 : i32
    %dma_wait3A = arith.constant 0 : i32
    %dma_wait3A_495 = arith.constant 0 : i32
    %dma_wait3A_496 = arith.constant 0 : i32
    %dma_wait3A_497 = tpu.memref_slice %arg6[%dma_wait3A, %dma_wait3A_495, %dma_wait3A_496] : memref<5x160x64xf32, #tpu.memory_space<vmem>> -> memref<1x160x64xf32, #tpu.memory_space<vmem>>
    %dma_wait3A_498 = tpu.memref_squeeze %dma_wait3A_497 : memref<1x160x64xf32, #tpu.memory_space<vmem>> -> memref<160x64xf32, #tpu.memory_space<vmem>>
    %dma_wait3A_499 = arith.constant 0 : i32
    %dma_wait3A_500 = tpu.memref_slice %arg4[%add3A_494, %dma_wait3A_499] : memref<819200x128xf32, #tpu.memory_space<hbm>> -> memref<160x64xf32, #tpu.memory_space<hbm>>
    %dma_wait3A_501 = arith.constant 0 : i32
    %dma_wait3A_502 = tpu.memref_slice %arg4[%add3A_494, %dma_wait3A_501] : memref<819200x128xf32, #tpu.memory_space<hbm>> -> memref<160x64xf32, #tpu.memory_space<hbm>>
    %dma_wait3A_503 = arith.constant 0 : i32
    %dma_wait3A_504 = arith.constant 0 : i32
    %dma_wait3A_505 = tpu.memref_slice %arg6[%dma_wait3A, %dma_wait3A_503, %dma_wait3A_504] : memref<5x160x64xf32, #tpu.memory_space<vmem>> -> memref<1x160x64xf32, #tpu.memory_space<vmem>>
    %dma_wait3A_506 = tpu.memref_squeeze %dma_wait3A_505 : memref<1x160x64xf32, #tpu.memory_space<vmem>> -> memref<160x64xf32, #tpu.memory_space<vmem>>
    tpu.wait_dma2 semaphore(%arg12 : memref<!tpu.dma_semaphore, #tpu.memory_space<semaphore_mem>>) src(%dma_wait3A_506 : memref<160x64xf32, #tpu.memory_space<vmem>>) dst(%dma_wait3A_502 : memref<160x64xf32, #tpu.memory_space<hbm>>)
    %add3A_507 = arith.constant 31 : i32
    %add3A_508 = arith.addi %mul3A_2, %add3A_507 : i32
    %mul3A_509 = arith.constant 50 : i32
    %mul3A_510 = arith.muli %add3A_508, %mul3A_509 : i32
    %mul3A_511 = arith.constant 16 : i32
    %mul3A_512 = arith.muli %mul3A_510, %mul3A_511 : i32
    %add3A_513 = arith.constant 160 : i32
    %add3A_514 = arith.addi %mul3A_512, %add3A_513 : i32
    %dma_wait3A_515 = arith.constant 1 : i32
    %dma_wait3A_516 = arith.constant 0 : i32
    %dma_wait3A_517 = arith.constant 0 : i32
    %dma_wait3A_518 = tpu.memref_slice %arg6[%dma_wait3A_515, %dma_wait3A_516, %dma_wait3A_517] : memref<5x160x64xf32, #tpu.memory_space<vmem>> -> memref<1x160x64xf32, #tpu.memory_space<vmem>>
    %dma_wait3A_519 = tpu.memref_squeeze %dma_wait3A_518 : memref<1x160x64xf32, #tpu.memory_space<vmem>> -> memref<160x64xf32, #tpu.memory_space<vmem>>
    %dma_wait3A_520 = arith.constant 0 : i32
    %dma_wait3A_521 = tpu.memref_slice %arg4[%add3A_514, %dma_wait3A_520] : memref<819200x128xf32, #tpu.memory_space<hbm>> -> memref<160x64xf32, #tpu.memory_space<hbm>>
    %dma_wait3A_522 = arith.constant 0 : i32
    %dma_wait3A_523 = tpu.memref_slice %arg4[%add3A_514, %dma_wait3A_522] : memref<819200x128xf32, #tpu.memory_space<hbm>> -> memref<160x64xf32, #tpu.memory_space<hbm>>
    %dma_wait3A_524 = arith.constant 0 : i32
    %dma_wait3A_525 = arith.constant 0 : i32
    %dma_wait3A_526 = tpu.memref_slice %arg6[%dma_wait3A_515, %dma_wait3A_524, %dma_wait3A_525] : memref<5x160x64xf32, #tpu.memory_space<vmem>> -> memref<1x160x64xf32, #tpu.memory_space<vmem>>
    %dma_wait3A_527 = tpu.memref_squeeze %dma_wait3A_526 : memref<1x160x64xf32, #tpu.memory_space<vmem>> -> memref<160x64xf32, #tpu.memory_space<vmem>>
    tpu.wait_dma2 semaphore(%arg13 : memref<!tpu.dma_semaphore, #tpu.memory_space<semaphore_mem>>) src(%dma_wait3A_527 : memref<160x64xf32, #tpu.memory_space<vmem>>) dst(%dma_wait3A_523 : memref<160x64xf32, #tpu.memory_space<hbm>>)
    %add3A_528 = arith.constant 31 : i32
    %add3A_529 = arith.addi %mul3A_2, %add3A_528 : i32
    %mul3A_530 = arith.constant 50 : i32
    %mul3A_531 = arith.muli %add3A_529, %mul3A_530 : i32
    %mul3A_532 = arith.constant 16 : i32
    %mul3A_533 = arith.muli %mul3A_531, %mul3A_532 : i32
    %add3A_534 = arith.constant 320 : i32
    %add3A_535 = arith.addi %mul3A_533, %add3A_534 : i32
    %dma_wait3A_536 = arith.constant 2 : i32
    %dma_wait3A_537 = arith.constant 0 : i32
    %dma_wait3A_538 = arith.constant 0 : i32
    %dma_wait3A_539 = tpu.memref_slice %arg6[%dma_wait3A_536, %dma_wait3A_537, %dma_wait3A_538] : memref<5x160x64xf32, #tpu.memory_space<vmem>> -> memref<1x160x64xf32, #tpu.memory_space<vmem>>
    %dma_wait3A_540 = tpu.memref_squeeze %dma_wait3A_539 : memref<1x160x64xf32, #tpu.memory_space<vmem>> -> memref<160x64xf32, #tpu.memory_space<vmem>>
    %dma_wait3A_541 = arith.constant 0 : i32
    %dma_wait3A_542 = tpu.memref_slice %arg4[%add3A_535, %dma_wait3A_541] : memref<819200x128xf32, #tpu.memory_space<hbm>> -> memref<160x64xf32, #tpu.memory_space<hbm>>
    %dma_wait3A_543 = arith.constant 0 : i32
    %dma_wait3A_544 = tpu.memref_slice %arg4[%add3A_535, %dma_wait3A_543] : memref<819200x128xf32, #tpu.memory_space<hbm>> -> memref<160x64xf32, #tpu.memory_space<hbm>>
    %dma_wait3A_545 = arith.constant 0 : i32
    %dma_wait3A_546 = arith.constant 0 : i32
    %dma_wait3A_547 = tpu.memref_slice %arg6[%dma_wait3A_536, %dma_wait3A_545, %dma_wait3A_546] : memref<5x160x64xf32, #tpu.memory_space<vmem>> -> memref<1x160x64xf32, #tpu.memory_space<vmem>>
    %dma_wait3A_548 = tpu.memref_squeeze %dma_wait3A_547 : memref<1x160x64xf32, #tpu.memory_space<vmem>> -> memref<160x64xf32, #tpu.memory_space<vmem>>
    tpu.wait_dma2 semaphore(%arg14 : memref<!tpu.dma_semaphore, #tpu.memory_space<semaphore_mem>>) src(%dma_wait3A_548 : memref<160x64xf32, #tpu.memory_space<vmem>>) dst(%dma_wait3A_544 : memref<160x64xf32, #tpu.memory_space<hbm>>)
    %add3A_549 = arith.constant 31 : i32
    %add3A_550 = arith.addi %mul3A_2, %add3A_549 : i32
    %mul3A_551 = arith.constant 50 : i32
    %mul3A_552 = arith.muli %add3A_550, %mul3A_551 : i32
    %mul3A_553 = arith.constant 16 : i32
    %mul3A_554 = arith.muli %mul3A_552, %mul3A_553 : i32
    %add3A_555 = arith.constant 480 : i32
    %add3A_556 = arith.addi %mul3A_554, %add3A_555 : i32
    %dma_wait3A_557 = arith.constant 3 : i32
    %dma_wait3A_558 = arith.constant 0 : i32
    %dma_wait3A_559 = arith.constant 0 : i32
    %dma_wait3A_560 = tpu.memref_slice %arg6[%dma_wait3A_557, %dma_wait3A_558, %dma_wait3A_559] : memref<5x160x64xf32, #tpu.memory_space<vmem>> -> memref<1x160x64xf32, #tpu.memory_space<vmem>>
    %dma_wait3A_561 = tpu.memref_squeeze %dma_wait3A_560 : memref<1x160x64xf32, #tpu.memory_space<vmem>> -> memref<160x64xf32, #tpu.memory_space<vmem>>
    %dma_wait3A_562 = arith.constant 0 : i32
    %dma_wait3A_563 = tpu.memref_slice %arg4[%add3A_556, %dma_wait3A_562] : memref<819200x128xf32, #tpu.memory_space<hbm>> -> memref<160x64xf32, #tpu.memory_space<hbm>>
    %dma_wait3A_564 = arith.constant 0 : i32
    %dma_wait3A_565 = tpu.memref_slice %arg4[%add3A_556, %dma_wait3A_564] : memref<819200x128xf32, #tpu.memory_space<hbm>> -> memref<160x64xf32, #tpu.memory_space<hbm>>
    %dma_wait3A_566 = arith.constant 0 : i32
    %dma_wait3A_567 = arith.constant 0 : i32
    %dma_wait3A_568 = tpu.memref_slice %arg6[%dma_wait3A_557, %dma_wait3A_566, %dma_wait3A_567] : memref<5x160x64xf32, #tpu.memory_space<vmem>> -> memref<1x160x64xf32, #tpu.memory_space<vmem>>
    %dma_wait3A_569 = tpu.memref_squeeze %dma_wait3A_568 : memref<1x160x64xf32, #tpu.memory_space<vmem>> -> memref<160x64xf32, #tpu.memory_space<vmem>>
    tpu.wait_dma2 semaphore(%arg15 : memref<!tpu.dma_semaphore, #tpu.memory_space<semaphore_mem>>) src(%dma_wait3A_569 : memref<160x64xf32, #tpu.memory_space<vmem>>) dst(%dma_wait3A_565 : memref<160x64xf32, #tpu.memory_space<hbm>>)
    %add3A_570 = arith.constant 31 : i32
    %add3A_571 = arith.addi %mul3A_2, %add3A_570 : i32
    %mul3A_572 = arith.constant 50 : i32
    %mul3A_573 = arith.muli %add3A_571, %mul3A_572 : i32
    %mul3A_574 = arith.constant 16 : i32
    %mul3A_575 = arith.muli %mul3A_573, %mul3A_574 : i32
    %add3A_576 = arith.constant 640 : i32
    %add3A_577 = arith.addi %mul3A_575, %add3A_576 : i32
    %dma_wait3A_578 = arith.constant 4 : i32
    %dma_wait3A_579 = arith.constant 0 : i32
    %dma_wait3A_580 = arith.constant 0 : i32
    %dma_wait3A_581 = tpu.memref_slice %arg6[%dma_wait3A_578, %dma_wait3A_579, %dma_wait3A_580] : memref<5x160x64xf32, #tpu.memory_space<vmem>> -> memref<1x160x64xf32, #tpu.memory_space<vmem>>
    %dma_wait3A_582 = tpu.memref_squeeze %dma_wait3A_581 : memref<1x160x64xf32, #tpu.memory_space<vmem>> -> memref<160x64xf32, #tpu.memory_space<vmem>>
    %dma_wait3A_583 = arith.constant 0 : i32
    %dma_wait3A_584 = tpu.memref_slice %arg4[%add3A_577, %dma_wait3A_583] : memref<819200x128xf32, #tpu.memory_space<hbm>> -> memref<160x64xf32, #tpu.memory_space<hbm>>
    %dma_wait3A_585 = arith.constant 0 : i32
    %dma_wait3A_586 = tpu.memref_slice %arg4[%add3A_577, %dma_wait3A_585] : memref<819200x128xf32, #tpu.memory_space<hbm>> -> memref<160x64xf32, #tpu.memory_space<hbm>>
    %dma_wait3A_587 = arith.constant 0 : i32
    %dma_wait3A_588 = arith.constant 0 : i32
    %dma_wait3A_589 = tpu.memref_slice %arg6[%dma_wait3A_578, %dma_wait3A_587, %dma_wait3A_588] : memref<5x160x64xf32, #tpu.memory_space<vmem>> -> memref<1x160x64xf32, #tpu.memory_space<vmem>>
    %dma_wait3A_590 = tpu.memref_squeeze %dma_wait3A_589 : memref<1x160x64xf32, #tpu.memory_space<vmem>> -> memref<160x64xf32, #tpu.memory_space<vmem>>
    tpu.wait_dma2 semaphore(%arg16 : memref<!tpu.dma_semaphore, #tpu.memory_space<semaphore_mem>>) src(%dma_wait3A_590 : memref<160x64xf32, #tpu.memory_space<vmem>>) dst(%dma_wait3A_586 : memref<160x64xf32, #tpu.memory_space<hbm>>)
    return
  }
}

</mosaic_0001>

<sc_bundles>
// kernel: kernel.3.cloned.1.call-start
scs
__scs_entry_jumppad:
0x0: {  	(pc) =	sbr.rel $0x88, $3  }
0x1: {  	(tag) =	ssettag $0x0;
	lr =	simm.s32 $0x1  }
0x2: {  	[smem:$0x3F9F] =	sst lr;
	_ =	strace $0xD0000000  }
0x3: {  	_ = 	snop  }
0x4: {  	_ = 	snop  }
0x5: {  	_ = 	snop  }
0x6: {  	_ = 	snop  }
0x7: {  	_ = 	snop  }
__scs_overlays_trampoline_lowered:
0x8: {  	[smem:$0x3FAE] =	sst s0  }
0x9: {  	[smem:$0x3FAF] =	sst s1  }
0xa: {  	[smem:$0x3FB0] =	sst s2  }
0xb: {  	[smem:$0x3FB1] =	sst s3  }
0xc: {  	[smem:$0x3FB2] =	sst s4  }
0xd: {  	[smem:$0x3FB3] =	sst s5  }
0xe: {  	[smem:$0x3FB4] =	sst s6  }
0xf: {  	[smem:$0x3FB5] =	sst s7  }
0x10: {  	[smem:$0x3FB6] =	sst s8  }
0x11: {  	[smem:$0x3FB7] =	sst s9;
	s0 =	simm.s32 @!p0 $0x0  }
0x12: {  	s1 =	sld [smem:$0x3F9D];
	s0 =	simm.s32 @p0 $0x1  }
0x13: {  	[smem:$0x3FB8] =	sst s0;
	s0 =	simm.s32 @!p1 $0x0  }
0x14: {  	s2 =	sld [smem:$0x3F9C];
	s0 =	simm.s32 @p1 $0x1  }
0x15: {  	[smem:$0x3FB9] =	sst s0;
	s0 =	simm.s32 @!p2 $0x0  }
0x16: {  	s3 =	sld [smem:$0x3FDB];
	s0 =	simm.s32 @p2 $0x1  }
0x17: {  	s4 =	simm.s32 $0x1BF5;
	[smem:$0x3FBB] =	sst s0  }
0x18: {  	s0 =	sld [smem:$0x3F9E];
	_ =	swait.ge [sflag:s4], $0x0  }
0x19: {  	s7 =	sld [smem:$0x3F9F]  }
0x1a: {  	s8 =	sadd.s32 $0xFFFFE003, lr  }
0x1b: {  	s9 =	sadd.s32 $0xFFFFFEF7, lr;
	s5 =	simm.s32 $0xFFFFFFFF;
	p2 =	slt.u32 s8, $0xFFFFF086  }
0x1c: {  	p1 =	slt.u32 s9, $0xF7A;
	s5 =	simm.s32 @!p2 $0x0  }
0x1d: {  	s5 =	simm.s32 @p1 $0x1;
	p0 =	seq.s32 s7, s2  }
0x1e: {  	s7 =	smul.u32 @!p0 $0xF7A, s2;
	p2 =	seq.s32 @!p0 s5, $0x0  }
0x1f: {  	s9 =	smul.u32 $0xF7A, s1;
	s8 =	simm.s32 @!p0 $0x1BF5;
	p2 =	por !p2, p0  }
0x20: {  	[sflag:s8] =	ssyncset.s32 @!p0 $0xFFFFF086;
	s6 =	sadd.s32 @!p0 s3, s7;
	s7 =	simm.s32 @!p0 $0x108  }
0x21: {  	s3 =	sadd.s32 s3, s9;
	s6 =	sadd.s32 @!p0 $0x88, s6;
	s7 =	simm.s32 @p2 $0x1082  }
0x22: {  	[simem:s7], [sflag:s8] =	dma.local @!p0 [hbm:s6], $0xF7A  }
0x23: {  	s9 =	sor.u32 $0xD0000000, s2;
	s6 =	simm.s32 $0x108;
	_ =	swait.ge @!p0 [sflag:s8], $0x0  }
0x24: {  	s3 =	sadd.s32 $0x88, s3;
	s6 =	simm.s32 @!p1 $0x1082;
	[sflag:s4] =	ssyncset.s32 $0xFFFFF086  }
0x25: {  	[simem:s6], [sflag:s4] =	dma.local [hbm:s3], $0xF7A  }
0x26: {  	[smem:$0x3F9F] =	sst s1;
	(tag) =	ssettag s2;
	_ =	strace s9  }
0x27: {  	s1 =	sld [smem:$0x3FAF]  }
0x28: {  	s2 =	sld [smem:$0x3FB0]  }
0x29: {  	s4 =	sld [smem:$0x3FB2]  }
0x2a: {  	p0 =	seq.s32 s5, $0x0;
	s5 =	sld [smem:$0x3FB3]  }
0x2b: {  	s6 =	sld [smem:$0x3FB4]  }
0x2c: {  	s7 =	sld [smem:$0x3FB5]  }
0x2d: {  	s3 =	simm.s32 $0x108;
	s8 =	sld [smem:$0x3FB6]  }
0x2e: {  	s3 =	simm.s32 @!p0 $0x1082;
	s9 =	sld [smem:$0x3FB7]  }
0x2f: {  	lr =	sadd.s32 s0, s3;
	s0 =	sld [smem:$0x3FAE]  }
0x30: {  	s3 =	sld [smem:$0x3FB1]  }
0x31: {  	[smem:$0x3FBA] =	sst s10  }
0x32: {  	s10 =	sld [smem:$0x3FB8];
	_ =	sdelay $0x3  }
0x33: {  	p0 =	seq.s32 s10, $0x1;
	s10 =	sld [smem:$0x3FBA];
	_ =	sdelay $0x3  }
0x34: {  	[smem:$0x3FBA] =	sst s10  }
0x35: {  	s10 =	sld [smem:$0x3FB9];
	_ =	sdelay $0x3  }
0x36: {  	p1 =	seq.s32 s10, $0x1;
	s10 =	sld [smem:$0x3FBA];
	_ =	sdelay $0x3  }
0x37: {  	[smem:$0x3FBA] =	sst s10  }
0x38: {  	s10 =	sld [smem:$0x3FBB]  }
0x39: {  	_ = 	snop;
	(pc) =	sbr.ind lr, $3  }
0x3a: {  	_ = 	snop  }
0x3b: {  	_ = 	snop  }
0x3c: {  	p2 =	seq.s32 s10, $0x1;
	s10 =	sld [smem:$0x3FBA]  }
0x3d: {  	_ =	shalt  }
0x3e: {  	_ =	shalt  }
0x3f: {  	_ =	shalt  }
0x40: {  	_ =	shalt  }
0x41: {  	_ =	shalt  }
0x42: {  	_ =	shalt  }
0x43: {  	_ =	shalt  }
0x44: {  	_ =	shalt  }
0x45: {  	_ =	shalt  }
0x46: {  	_ =	shalt  }
0x47: {  	_ =	shalt  }
0x48: {  	_ =	shalt  }
0x49: {  	_ =	shalt  }
0x4a: {  	_ =	shalt  }
0x4b: {  	_ =	shalt  }
0x4c: {  	_ =	shalt  }
0x4d: {  	_ =	shalt  }
0x4e: {  	_ =	shalt  }
0x4f: {  	_ =	shalt  }
0x50: {  	_ =	shalt  }
0x51: {  	_ =	shalt  }
0x52: {  	_ =	shalt  }
0x53: {  	_ =	shalt  }
0x54: {  	_ =	shalt  }
0x55: {  	_ =	shalt  }
0x56: {  	_ =	shalt  }
0x57: {  	_ =	shalt  }
0x58: {  	_ =	shalt  }
0x59: {  	_ =	shalt  }
0x5a: {  	_ =	shalt  }
0x5b: {  	_ =	shalt  }
0x5c: {  	_ =	shalt  }
0x5d: {  	_ =	shalt  }
0x5e: {  	_ =	shalt  }
0x5f: {  	_ =	shalt  }
0x60: {  	_ =	shalt  }
0x61: {  	_ =	shalt  }
0x62: {  	_ =	shalt  }
0x63: {  	_ =	shalt  }
0x64: {  	_ =	shalt  }
0x65: {  	_ =	shalt  }
0x66: {  	_ =	shalt  }
0x67: {  	_ =	shalt  }
0x68: {  	_ =	shalt  }
0x69: {  	_ =	shalt  }
0x6a: {  	_ =	shalt  }
0x6b: {  	_ =	shalt  }
0x6c: {  	_ =	shalt  }
0x6d: {  	_ =	shalt  }
0x6e: {  	_ =	shalt  }
0x6f: {  	_ =	shalt  }
0x70: {  	_ =	shalt  }
0x71: {  	_ =	shalt  }
0x72: {  	_ =	shalt  }
0x73: {  	_ =	shalt  }
0x74: {  	_ =	shalt  }
0x75: {  	_ =	shalt  }
0x76: {  	_ =	shalt  }
0x77: {  	_ =	shalt  }
0x78: {  	_ =	shalt  }
0x79: {  	_ =	shalt  }
0x7a: {  	_ =	shalt  }
0x7b: {  	_ =	shalt  }
0x7c: {  	_ =	shalt  }
0x7d: {  	_ =	shalt  }
0x7e: {  	_ =	shalt  }
0x7f: {  	_ =	shalt  }
0x80: {  	_ =	shalt  }
0x81: {  	_ =	shalt  }
0x82: {  	_ =	shalt  }
0x83: {  	_ =	shalt  }
0x84: {  	_ =	shalt  }
0x85: {  	_ =	shalt  }
0x86: {  	_ =	shalt  }
0x87: {  	_ =	shalt  }
.Lfunc_end0:
.L_simem_size_0:
called_computation.1_lowered:
.L_overlay_start_0:
0x88: {  	s2 =	sld [smem:$0x3FD9]  }
0x89: {  	s3 =	sld [smem:$0x3FFE];
	_ =	sdelay $0x1  }
0x8a: {  	s1 =	srdreg.scid  }
0x8b: {  	s0 =	sand.u32 $0x1, s1  }
0x8c: {  	s16 =	sshll.u32 s0, $0xA;
	s2 =	sadd.s32 s3, s2  }
0x8d: {  	s2 =	sadd.s32 s2, s16  }
0x8e: {  	[smem:$0x3FC6] =	sst s2  }
0x8f: {  	_ = 	snop  }
0x90: {  	(tm) =	ssettm $0x1  }
0x91: {  	s17 =	sld [smem:$0x3FFB];
	_ =	sdelay $0x3  }
0x92: {  	_ =	strace s17  }
0x93: {  	s2 =	sld [smem:$0x3FFC];
	_ =	sdelay $0x3  }
0x94: {  	_ =	strace s2  }
0x95: {  	s2 =	sld [smem:$0x3FFD];
	_ =	sdelay $0x3  }
0x96: {  	_ =	strace s2  }
0x97: {  	_ =	strace $0x8FFFFFFF  }
0x98: {  	s18 =	sld [smem:$0x3FDB];
	_ =	sdelay $0x1  }
0x99: {  	s19 =	simm.s32 $_scs_section_size  }
0x9a: {  	s4 =	simm.s32 $_size__tile_overlayer_lowered;
	s5 =	simm.s32 $_tile_overlayer_lowered  }
0x9b: {  	s22 =	simm.s32 $0x1BFF;
	s21 =	sshll.u32 s5, $0x1;
	s2 =	sadd.s32 s19, s18  }
0x9c: {  	s6 =	simm.s32 $0x0;
	s20 =	sshll.u32 s4, $0x1;
	s4 =	sadd.s32 s21, s2  }
0x9d: {  	[timem:s6], [sflag:s22] =	dma.local [hbm:s4], s20  }
0x9e: {  	_ =	swait.ge [sflag:s22], s20  }
0x9f: {  	s3 =	ssub.s32 $0x0, s20;
	[sflag:s22] =	ssyncset.done $0x0  }
0xa0: {  	[sflag:s22] =	ssyncadd.s32 s3;
	_ =	sdelay $0x1  }
0xa1: {  	s23 =	simm.s32 $0x1B8B  }
0xa2: {  	_ =	swait.ge [sflag:s23], $0x1  }
0xa3: {  	[sflag:s23] =	ssyncset.done $0x0  }
0xa4: {  	s25 =	simm.s32 $0x1B8E;
	s24 =	sld [smem:$0x3FFE];
	[sflag:s23] =	ssyncadd.s32 $0xFFFFFFFF  }
0xa5: {  	s26 =	simm.s32 $execute0_lowered;
	[smem:$0x3FD2] =	sst s25  }
0xa6: {  	s4 =	sshll.u32 s26, $0x1;
	_ =	strace $0x80000046;
	[dreg:$0x1] =	wrdreg $0xFFFFFFFF  }
0xa7: {  	s28 =	simm.s32 $_size_execute0_lowered;
	s2 =	sadd.s32 s2, s4;
	[dreg:$0x0] =	wrdreg $0x0  }
0xa8: {  	s4 =	sshll.u32 s28, $0x1;
	[dreg:$0x2] =	wrdreg s2  }
0xa9: {  	[dreg:$0x3] =	wrdreg s4  }
0xaa: {  	[dreg:$0x4] =	wrdreg $0xC0  }
0xab: {  	_ =	task [dreg:s6], $0x5FFFF  }
0xac: {  	[dreg:$0x1] =	wrdreg $0xFFFFFFFF  }
0xad: {  	[dreg:$0x0] =	wrdreg $0x60  }
0xae: {  	[dreg:$0x2] =	wrdreg s24  }
0xaf: {  	[dreg:$0x3] =	wrdreg $0x9  }
0xb0: {  	_ =	task.clear_ibuf [dreg:s6], $0x4FFFF;
	_ =	strace $0x90000046  }
0xb1: {  	s29 =	simm.s32 $0x9;
	_ =	strace $0x80000048  }
0xb2: {  	_ =	swait.ge [sflag:s29], $0x1  }
0xb3: {  	[sflag:s29] =	ssyncadd.s32 $0xFFFFFFFF  }
0xb4: {  	_ =	strace $0x90000048  }
0xb5: {  	_ =	sfence  }
0xb6: {  	s30 =	sld [smem:$0x0];
	_ =	sdelay $0x2  }
0xb7: {  	s31 =	sshll.u32 s1, $0xD;
	s1 =	sshrl.u32 s1, $0x2  }
0xb8: {  	s3 =	sand.u32 $0x4000, s31;
	s1 =	sadd.s32 s1, s30  }
0xb9: {  	s0 =	sor.u32 s3, s0;
	s1 =	sshll.u32 s1, $0x11  }
0xba: {  	s0 =	sor.u32 s1, s0  }
0xbb: {  	s0 =	sadd.s32 $0x8F2B, s0  }
0xbc: {  	[sflag:s0] =	ssyncadd.remote.s32 $0x1  }
0xbd: {  	_ =	sfence.sel $0xFFFF  }
0xbe: {  	[dreg:$0x0] =	wrdreg $0xFFFFFFFF;
	(pc) =	sbr.abs _section_cstart, $3  }
0xbf: {  	[dreg:$0x1] =	wrdreg $0xFFFFFFFF  }
0xc0: {  	_ =	task.clear_ibuf [dreg:s6], $0x2FFFF;
	_ =	strace $0x9FFFFFFF  }
0xc1: {  	(tm) =	ssettm $0x7FFFFFFF  }
tec
execute0_lowered:
.L_overlay_start_1:
0x0: {  	(tag) =	ssettag $0x1  }
0x1: {  	s0 =	srdreg.scid  }
0x2: {  	s8 =	stileid.u32;
	s21 =	rddreg [dreg:$0x0]  }
0x3: {  	s3 =	simm.s32 $0x0;
	s12 =	simm.s32 $0x10;
	s19 =	simm.s32 $0x40  }
0x4: {  	s28 =	simm.s32 $0x80;
	s17 =	simm.s32 $0xB400;
	s29 =	simm.s32 $0xDC00  }
0x5: {  	s9 =	simm.s32 $0x10400;
	s13 =	simm.s32 $0x11000;
	s20 =	simm.s32 $0x11800  }
0x6: {  	s30 =	simm.s32 $0x12800;
	s15 =	simm.s32 $0x4;
	s18 =	simm.s32 $0x5  }
0x7: {  	s0 =	sand.u32 $0x1, s0;
	s1 =	sshll.u32 s8, $0x6;
	s4 =	smul.u32 $0xC800, s8  }
0x8: {  	[smem:$0x7FF] =	sst s3;
	s3 =	sadd.s32 $0x19800, s21;
	s24 =	smul.u32 $0xC8000, s8  }
0x9: {  	s8 =	simm.s32 $0x2;
	s2 =	sshll.u32 s0, $0x5;
	s5 =	smul.u32 $0x6400, s0  }
0xa: {  	s6 =	ssub.s32 $0x2, s0;
	s0 =	smul.u32 $0x64000, s0;
	s1 =	sor.u32 s2, s1  }
0xb: {  	_ =	strace $0x80000047;
	s7 =	sshrl.u32 s6, $0x1;
	s1 =	smul.u32 $0x64, s1  }
0xc: {  	s2 =	sadd.s32 $0xDCE00, s21;
	s4 =	sadd.s32 s5, s4;
	s22 =	ssub.s32 s6, s7  }
0xd: {  	s4 =	sshll.u32 s4, $0x4;
	s5 =	smax.u32 s22, $0x1;
	s1 =	sadd.s32 s1, s21  }
0xe: {  	s23 =	sadd.s32 s4, s2;
	[dreg:$0x3] =	wrdreg s5;
	s1 =	sadd.s32 $0x800, s1  }
0xf: {  	s22 =	simm.s32 $0x11C00;
	s25 =	sadd.s32 $0x2800, s23;
	[dreg:$0x2] =	wrdreg s1  }
0x10: {  	s2 =	sadd.s32 s24, s2;
	s26 =	sadd.s32 $0x1E00, s23;
	[dreg:$0x4] =	wrdreg s25  }
.Ltmp0:
0x11: {  	s31 =	sadd.s32 $0x1400, s23;
	[dreg:$0x5] =	wrdreg s26;
	(pc) =	sbr.rel .LBB2_1-.Ltmp0, $4  }
0x12: {  	s24 =	simm.s32 $0x12000;
	s0 =	sadd.s32 s0, s2;
	[dreg:$0x6] =	wrdreg s31  }
0x13: {  	s5 =	simm.s32 $0x0;
	s1 =	sadd.s32 $0xA00, s23;
	[dreg:$0x8] =	wrdreg s0  }
0x14: {  	s25 =	simm.s32 $0x1;
	s0 =	simm.s32 $0x11400;
	s26 =	simm.s32 $0x12400  }
0x15: {  	s23 =	simm.s32 $0x8;
	[dreg:$0x7] =	wrdreg s1;
	s1 =	simm.s32 $0x3  }
.LBB2_4:
0x16: {  	s2 =	simm.s32 $0x6  }
0x17: {  	_ =	swait.ge [sflag:s2], $0x2800  }
0x18: {  	[sflag:s2] =	ssyncset.done $0x0  }
0x19: {  	s16 =	simm.s32 $0x7;
	[sflag:s2] =	ssyncadd.s32 $0xFFFFD800  }
0x1a: {  	_ =	swait.ge [sflag:s16], $0x2800  }
0x1b: {  	[sflag:s16] =	ssyncset.done $0x0  }
0x1c: {  	[sflag:s16] =	ssyncadd.s32 $0xFFFFD800  }
0x1d: {  	_ =	swait.ge [sflag:s23], $0x2800  }
0x1e: {  	[sflag:s23] =	ssyncset.done $0x0  }
0x1f: {  	s21 =	simm.s32 $0x9;
	[sflag:s23] =	ssyncadd.s32 $0xFFFFD800  }
0x20: {  	_ =	swait.ge [sflag:s21], $0x2800  }
0x21: {  	[sflag:s21] =	ssyncset.done $0x0  }
0x22: {  	s4 =	simm.s32 $0xA;
	[sflag:s21] =	ssyncadd.s32 $0xFFFFD800  }
0x23: {  	_ =	swait.ge [sflag:s4], $0x2800  }
0x24: {  	s5 =	rddreg [dreg:$0x9]  }
0x25: {  	s31 =	rddreg [dreg:$0x3];
	s5 =	sadd.s32 $0x1, s5  }
0x26: {  	p0 =	sne.s32 s5, s31  }
.Ltmp1:
0x27: {  	_ = 	snop;
	(pc) =	sbr.rel @!p0 .LBB2_5-.Ltmp1, $3  }
0x28: {  	_ =	sdelay $0x1  }
0x29: {  	[sflag:s4] =	ssyncset.done $0x0  }
0x2a: {  	[sflag:s4] =	ssyncadd.s32 $0xFFFFD800  }
.LBB2_1:
0x2b: {  	[dreg:$0x9] =	wrdreg s5  }
0x2c: {  	s2 =	simm.s32 $0x0;
	s4 =	rddreg [dreg:$0x2];
	s10 =	simm.s32 $0xB  }
0x2d: {  	[tilespmem:s2], [sflag:$0xB] =	stream.linear.gather [hbm4b:s4+s2], $0x6400, $0x38;
	[tilespmem:$0x12C00] =	vst v63  }
0x2e: {  	_ =	swait.ge [sflag:s10], $0x6400  }
0x2f: {  	[sflag:s10] =	ssyncset.done $0x0  }
0x30: {  	s11 =	simm.s32 $0x6400;
	[sflag:s10] =	ssyncadd.s32 $0xFFFF9C00  }
0x31: {  	[tilespmem:s11], [sflag:$0x1] =	stream.indirect.gather [hbm4b:s3+s12], $0x40, s2, s12, $0xb8;
	[tilespmem:$0x12C00] =	vst v63  }
0x32: {  	s14 =	simm.s32 $0x6800  }
0x33: {  	[tilespmem:s14], [sflag:$0x1] =	stream.indirect.gather [hbm4b:s3+s12], $0x40, s12, s12, $0xb8;
	[tilespmem:$0x12C00] =	vst v63  }
0x34: {  	s16 =	simm.s32 $0x20;
	s21 =	simm.s32 $0x6C00  }
0x35: {  	[tilespmem:s21], [sflag:$0x1] =	stream.indirect.gather [hbm4b:s3+s12], $0x40, s16, s12, $0xb8;
	[tilespmem:$0x12C00] =	vst v63  }
0x36: {  	s5 =	simm.s32 $0x7000;
	s4 =	simm.s32 $0x30  }
0x37: {  	[tilespmem:s5], [sflag:$0x1] =	stream.indirect.gather [hbm4b:s3+s12], $0x40, s4, s12, $0xb8;
	[tilespmem:$0x12C00] =	vst v63  }
0x38: {  	s6 =	simm.s32 $0x7400  }
0x39: {  	[tilespmem:s6], [sflag:$0x1] =	stream.indirect.gather [hbm4b:s3+s12], $0x40, s19, s12, $0xb8;
	[tilespmem:$0x12C00] =	vst v63  }
0x3a: {  	s7 =	simm.s32 $0x50;
	s10 =	simm.s32 $0x7800  }
0x3b: {  	[tilespmem:s10], [sflag:$0x1] =	stream.indirect.gather [hbm4b:s3+s12], $0x40, s7, s12, $0xb8;
	[tilespmem:$0x12C00] =	vst v63  }
0x3c: {  	s11 =	simm.s32 $0x60;
	s14 =	simm.s32 $0x7C00  }
0x3d: {  	[tilespmem:s14], [sflag:$0x1] =	stream.indirect.gather [hbm4b:s3+s12], $0x40, s11, s12, $0xb8;
	[tilespmem:$0x12C00] =	vst v63  }
0x3e: {  	s16 =	simm.s32 $0x70;
	s21 =	simm.s32 $0x8000  }
0x3f: {  	[tilespmem:s21], [sflag:$0x1] =	stream.indirect.gather [hbm4b:s3+s12], $0x40, s16, s12, $0xb8;
	[tilespmem:$0x12C00] =	vst v63  }
0x40: {  	s4 =	simm.s32 $0x8400  }
0x41: {  	[tilespmem:s4], [sflag:$0x1] =	stream.indirect.gather [hbm4b:s3+s12], $0x40, s28, s12, $0xb8;
	[tilespmem:$0x12C00] =	vst v63  }
0x42: {  	s5 =	simm.s32 $0x90;
	s6 =	simm.s32 $0x8800  }
0x43: {  	[tilespmem:s6], [sflag:$0x1] =	stream.indirect.gather [hbm4b:s3+s12], $0x40, s5, s12, $0xb8;
	[tilespmem:$0x12C00] =	vst v63  }
0x44: {  	s7 =	simm.s32 $0xA0;
	s10 =	simm.s32 $0x8C00  }
0x45: {  	[tilespmem:s10], [sflag:$0x2] =	stream.indirect.gather [hbm4b:s3+s12], $0x40, s7, s12, $0xb8;
	[tilespmem:$0x12C00] =	vst v63  }
0x46: {  	s11 =	simm.s32 $0xB0;
	s14 =	simm.s32 $0x9000  }
0x47: {  	[tilespmem:s14], [sflag:$0x2] =	stream.indirect.gather [hbm4b:s3+s12], $0x40, s11, s12, $0xb8;
	[tilespmem:$0x12C00] =	vst v63  }
0x48: {  	s16 =	simm.s32 $0xC0;
	s21 =	simm.s32 $0x9400  }
0x49: {  	[tilespmem:s21], [sflag:$0x2] =	stream.indirect.gather [hbm4b:s3+s12], $0x40, s16, s12, $0xb8;
	[tilespmem:$0x12C00] =	vst v63  }
0x4a: {  	s5 =	simm.s32 $0xD0;
	s6 =	simm.s32 $0x9800  }
0x4b: {  	[tilespmem:s6], [sflag:$0x2] =	stream.indirect.gather [hbm4b:s3+s12], $0x40, s5, s12, $0xb8;
	[tilespmem:$0x12C00] =	vst v63  }
0x4c: {  	s7 =	simm.s32 $0xE0;
	s10 =	simm.s32 $0x9C00  }
0x4d: {  	[tilespmem:s10], [sflag:$0x2] =	stream.indirect.gather [hbm4b:s3+s12], $0x40, s7, s12, $0xb8;
	[tilespmem:$0x12C00] =	vst v63  }
0x4e: {  	s11 =	simm.s32 $0xF0;
	s14 =	simm.s32 $0xA000  }
0x4f: {  	[tilespmem:s14], [sflag:$0x2] =	stream.indirect.gather [hbm4b:s3+s12], $0x40, s11, s12, $0xb8;
	[tilespmem:$0x12C00] =	vst v63  }
0x50: {  	s16 =	simm.s32 $0x100;
	s21 =	simm.s32 $0xA400  }
0x51: {  	[tilespmem:s21], [sflag:$0x2] =	stream.indirect.gather [hbm4b:s3+s12], $0x40, s16, s12, $0xb8;
	[tilespmem:$0x12C00] =	vst v63  }
0x52: {  	s4 =	simm.s32 $0x110;
	s5 =	simm.s32 $0xA800  }
0x53: {  	[tilespmem:s5], [sflag:$0x2] =	stream.indirect.gather [hbm4b:s3+s12], $0x40, s4, s12, $0xb8;
	[tilespmem:$0x12C00] =	vst v63  }
0x54: {  	s6 =	simm.s32 $0x120;
	s7 =	simm.s32 $0xAC00  }
0x55: {  	[tilespmem:s7], [sflag:$0x2] =	stream.indirect.gather [hbm4b:s3+s12], $0x40, s6, s12, $0xb8;
	[tilespmem:$0x12C00] =	vst v63  }
0x56: {  	s10 =	simm.s32 $0x130;
	s11 =	simm.s32 $0xB000  }
0x57: {  	[tilespmem:s11], [sflag:$0x2] =	stream.indirect.gather [hbm4b:s3+s12], $0x40, s10, s12, $0xb8;
	[tilespmem:$0x12C00] =	vst v63  }
0x58: {  	s14 =	simm.s32 $0x140  }
0x59: {  	[tilespmem:s17], [sflag:$0x3] =	stream.indirect.gather [hbm4b:s3+s12], $0x40, s14, s12, $0xb8;
	[tilespmem:$0x12C00] =	vst v63  }
0x5a: {  	s16 =	simm.s32 $0x150;
	s21 =	simm.s32 $0xB800  }
0x5b: {  	[tilespmem:s21], [sflag:$0x3] =	stream.indirect.gather [hbm4b:s3+s12], $0x40, s16, s12, $0xb8;
	[tilespmem:$0x12C00] =	vst v63  }
0x5c: {  	s5 =	simm.s32 $0x160;
	s6 =	simm.s32 $0xBC00  }
0x5d: {  	[tilespmem:s6], [sflag:$0x3] =	stream.indirect.gather [hbm4b:s3+s12], $0x40, s5, s12, $0xb8;
	[tilespmem:$0x12C00] =	vst v63  }
0x5e: {  	s7 =	simm.s32 $0x170;
	s10 =	simm.s32 $0xC000  }
0x5f: {  	[tilespmem:s10], [sflag:$0x3] =	stream.indirect.gather [hbm4b:s3+s12], $0x40, s7, s12, $0xb8;
	[tilespmem:$0x12C00] =	vst v63  }
0x60: {  	s11 =	simm.s32 $0x180;
	s14 =	simm.s32 $0xC400  }
0x61: {  	[tilespmem:s14], [sflag:$0x3] =	stream.indirect.gather [hbm4b:s3+s12], $0x40, s11, s12, $0xb8;
	[tilespmem:$0x12C00] =	vst v63  }
0x62: {  	s16 =	simm.s32 $0x190;
	s21 =	simm.s32 $0xC800  }
0x63: {  	[tilespmem:s21], [sflag:$0x3] =	stream.indirect.gather [hbm4b:s3+s12], $0x40, s16, s12, $0xb8;
	[tilespmem:$0x12C00] =	vst v63  }
0x64: {  	s5 =	simm.s32 $0x1A0;
	s6 =	simm.s32 $0xCC00  }
0x65: {  	[tilespmem:s6], [sflag:$0x3] =	stream.indirect.gather [hbm4b:s3+s12], $0x40, s5, s12, $0xb8;
	[tilespmem:$0x12C00] =	vst v63  }
0x66: {  	s31 =	rddreg [dreg:$0x8];
	s7 =	simm.s32 $0x1B0;
	s10 =	simm.s32 $0xD000  }
0x67: {  	[tilespmem:s10], [sflag:$0x3] =	stream.indirect.gather [hbm4b:s3+s12], $0x40, s7, s12, $0xb8;
	[tilespmem:$0x12C00] =	vst v63  }
0x68: {  	s2 =	rddreg [dreg:$0x4];
	s11 =	simm.s32 $0x1C0;
	s14 =	simm.s32 $0xD400  }
0x69: {  	[tilespmem:s14], [sflag:$0x3] =	stream.indirect.gather [hbm4b:s3+s12], $0x40, s11, s12, $0xb8;
	[tilespmem:$0x12C00] =	vst v63  }
0x6a: {  	s16 =	simm.s32 $0x1D0;
	s21 =	simm.s32 $0xD800;
	s14 =	rddreg [dreg:$0x7]  }
0x6b: {  	[tilespmem:s21], [sflag:$0x3] =	stream.indirect.gather [hbm4b:s3+s12], $0x40, s16, s12, $0xb8;
	[tilespmem:$0x12C00] =	vst v63  }
0x6c: {  	s16 =	rddreg [dreg:$0x6]  }
0x6d: {  	s4 =	simm.s32 $0x0;
	s21 =	rddreg [dreg:$0x5]  }
.LBB2_2:
0x6e: {  	_ =	swait.ge [sflag:s25], $0x2800  }
0x6f: {  	p0 =	seq.s32 s4, $0x0;
	[sflag:s25] =	ssyncset.done $0x0  }
0x70: {  	s5 =	simm.s32 $0x6400;
	s6 =	simm.s32 @!p0 $0x9;
	[sflag:s25] =	ssyncadd.s32 $0xFFFFD800  }
0x71: {  	[hbm4b:s31+s19] =	stream.strided.scatter [tilespmem:s5], [sflag:$0x6], $0x2800, s28, s19, $0x38;
	[tilespmem:$0x12C00] =	vst v63  }
0x72: {  	_ =	swait.ge @!p0 [sflag:s6], $0x2800  }
0x73: {  	s5 =	sshra.s32 s4, $0x2;
	[sflag:s6] =	ssyncset.done @!p0 $0x0  }
0x74: {  	s10 =	sadd.s32 $0x1E0, s5;
	[sflag:s6] =	ssyncadd.s32 @!p0 $0xFFFFD800  }
0x75: {  	[tilespmem:s29], [sflag:$0x4] =	stream.indirect.gather [hbm4b:s3+s12], $0x40, s10, s12, $0xb8;
	[tilespmem:$0x12C00] =	vst v63  }
0x76: {  	s7 =	simm.s32 $0xE000;
	s11 =	sadd.s32 $0x1F0, s5  }
0x77: {  	[tilespmem:s7], [sflag:$0x4] =	stream.indirect.gather [hbm4b:s3+s12], $0x40, s11, s12, $0xb8;
	[tilespmem:$0x12C00] =	vst v63  }
0x78: {  	s10 =	sadd.s32 $0x200, s5;
	s11 =	simm.s32 $0xE400  }
0x79: {  	[tilespmem:s11], [sflag:$0x4] =	stream.indirect.gather [hbm4b:s3+s12], $0x40, s10, s12, $0xb8;
	[tilespmem:$0x12C00] =	vst v63  }
0x7a: {  	s10 =	sadd.s32 $0x210, s5;
	s11 =	simm.s32 $0xE800  }
0x7b: {  	[tilespmem:s11], [sflag:$0x4] =	stream.indirect.gather [hbm4b:s3+s12], $0x40, s10, s12, $0xb8;
	[tilespmem:$0x12C00] =	vst v63  }
0x7c: {  	s10 =	sadd.s32 $0x220, s5;
	s11 =	simm.s32 $0xEC00  }
0x7d: {  	[tilespmem:s11], [sflag:$0x4] =	stream.indirect.gather [hbm4b:s3+s12], $0x40, s10, s12, $0xb8;
	[tilespmem:$0x12C00] =	vst v63  }
0x7e: {  	s10 =	sadd.s32 $0x230, s5;
	s11 =	simm.s32 $0xF000  }
0x7f: {  	[tilespmem:s11], [sflag:$0x4] =	stream.indirect.gather [hbm4b:s3+s12], $0x40, s10, s12, $0xb8;
	[tilespmem:$0x12C00] =	vst v63  }
0x80: {  	s10 =	sadd.s32 $0x240, s5;
	s11 =	simm.s32 $0xF400  }
0x81: {  	[tilespmem:s11], [sflag:$0x4] =	stream.indirect.gather [hbm4b:s3+s12], $0x40, s10, s12, $0xb8;
	[tilespmem:$0x12C00] =	vst v63  }
0x82: {  	s10 =	sadd.s32 $0x250, s5;
	s11 =	simm.s32 $0xF800  }
0x83: {  	[tilespmem:s11], [sflag:$0x4] =	stream.indirect.gather [hbm4b:s3+s12], $0x40, s10, s12, $0xb8;
	[tilespmem:$0x12C00] =	vst v63  }
0x84: {  	s10 =	sadd.s32 $0x260, s5;
	s11 =	simm.s32 $0xFC00  }
0x85: {  	[tilespmem:s11], [sflag:$0x4] =	stream.indirect.gather [hbm4b:s3+s12], $0x40, s10, s12, $0xb8;
	[tilespmem:$0x12C00] =	vst v63  }
0x86: {  	s7 =	sadd.s32 $0x270, s5;
	s10 =	simm.s32 $0x10000  }
0x87: {  	[tilespmem:s10], [sflag:$0x4] =	stream.indirect.gather [hbm4b:s3+s12], $0x40, s7, s12, $0xb8;
	[tilespmem:$0x12C00] =	vst v63  }
0x88: {  	_ =	swait.ge [sflag:s8], $0x2800  }
0x89: {  	[sflag:s8] =	ssyncset.done $0x0  }
0x8a: {  	s6 =	simm.s32 @!p0 $0xA;
	s11 =	simm.s32 $0x8C00;
	[sflag:s8] =	ssyncadd.s32 $0xFFFFD800  }
0x8b: {  	[hbm4b:s14+s19] =	stream.strided.scatter [tilespmem:s11], [sflag:$0x7], $0x2800, s28, s19, $0x38;
	[tilespmem:$0x12C00] =	vst v63  }
0x8c: {  	_ =	swait.ge @!p0 [sflag:s6], $0x2800  }
0x8d: {  	[sflag:s6] =	ssyncset.done @!p0 $0x0  }
0x8e: {  	s7 =	sadd.s32 $0x280, s5;
	[sflag:s6] =	ssyncadd.s32 @!p0 $0xFFFFD800  }
0x8f: {  	[tilespmem:s9], [sflag:$0x5] =	stream.indirect.gather [hbm4b:s3+s12], $0x40, s7, s12, $0xb8;
	[tilespmem:$0x12C00] =	vst v63  }
0x90: {  	s10 =	sadd.s32 $0x290, s5;
	s11 =	simm.s32 $0x10800  }
0x91: {  	[tilespmem:s11], [sflag:$0x5] =	stream.indirect.gather [hbm4b:s3+s12], $0x40, s10, s12, $0xb8;
	[tilespmem:$0x12C00] =	vst v63  }
0x92: {  	s7 =	sadd.s32 $0x2A0, s5;
	s10 =	simm.s32 $0x10C00  }
0x93: {  	[tilespmem:s10], [sflag:$0x5] =	stream.indirect.gather [hbm4b:s3+s12], $0x40, s7, s12, $0xb8;
	[tilespmem:$0x12C00] =	vst v63  }
0x94: {  	s11 =	sadd.s32 $0x2B0, s5  }
0x95: {  	[tilespmem:s13], [sflag:$0x5] =	stream.indirect.gather [hbm4b:s3+s12], $0x40, s11, s12, $0xb8;
	[tilespmem:$0x12C00] =	vst v63  }
0x96: {  	s7 =	sadd.s32 $0x2C0, s5  }
0x97: {  	[tilespmem:s0], [sflag:$0x5] =	stream.indirect.gather [hbm4b:s3+s12], $0x40, s7, s12, $0xb8;
	[tilespmem:$0x12C00] =	vst v63  }
0x98: {  	s10 =	sadd.s32 $0x2D0, s5  }
0x99: {  	[tilespmem:s20], [sflag:$0x5] =	stream.indirect.gather [hbm4b:s3+s12], $0x40, s10, s12, $0xb8;
	[tilespmem:$0x12C00] =	vst v63  }
0x9a: {  	s11 =	sadd.s32 $0x2E0, s5  }
0x9b: {  	[tilespmem:s22], [sflag:$0x5] =	stream.indirect.gather [hbm4b:s3+s12], $0x40, s11, s12, $0xb8;
	[tilespmem:$0x12C00] =	vst v63  }
0x9c: {  	s7 =	sadd.s32 $0x2F0, s5  }
0x9d: {  	[tilespmem:s24], [sflag:$0x5] =	stream.indirect.gather [hbm4b:s3+s12], $0x40, s7, s12, $0xb8;
	[tilespmem:$0x12C00] =	vst v63  }
0x9e: {  	s10 =	sadd.s32 $0x300, s5  }
0x9f: {  	[tilespmem:s26], [sflag:$0x5] =	stream.indirect.gather [hbm4b:s3+s12], $0x40, s10, s12, $0xb8;
	[tilespmem:$0x12C00] =	vst v63  }
0xa0: {  	s11 =	sadd.s32 $0x310, s5  }
0xa1: {  	[tilespmem:s30], [sflag:$0x5] =	stream.indirect.gather [hbm4b:s3+s12], $0x40, s11, s12, $0xb8;
	[tilespmem:$0x12C00] =	vst v63  }
0xa2: {  	_ =	swait.ge [sflag:s1], $0x2800  }
0xa3: {  	p0 =	seq.s32 s4, $0x18380;
	[sflag:s1] =	ssyncset.done $0x0  }
0xa4: {  	s6 =	simm.s32 @!p0 $0x6;
	[sflag:s1] =	ssyncadd.s32 $0xFFFFD800  }
0xa5: {  	[hbm4b:s16+s19] =	stream.strided.scatter [tilespmem:s17], [sflag:$0x8], $0x2800, s28, s19, $0x38;
	[tilespmem:$0x12C00] =	vst v63  }
0xa6: {  	_ =	swait.ge @!p0 [sflag:s6], $0x2800  }
0xa7: {  	[sflag:s6] =	ssyncset.done @!p0 $0x0  }
0xa8: {  	[sflag:s6] =	ssyncadd.s32 @!p0 $0xFFFFD800;
	s6 =	sshra.s32 @!p0 s4, $0x2  }
0xa9: {  	s7 =	simm.s32 @!p0 $0x10;
	s11 =	simm.s32 @!p0 $0x6400;
	s10 =	sadd.s32 @!p0 $0x320, s6  }
0xaa: {  	[tilespmem:s11], [sflag:$0x1] =	stream.indirect.gather @!p0 [hbm4b:s3+s7], $0x40, s10, s7, $0xb8;
	[tilespmem:$0x12C00] =	vst v63  }
0xab: {  	s10 =	sadd.s32 @!p0 $0x330, s6;
	s11 =	simm.s32 @!p0 $0x6800  }
0xac: {  	[tilespmem:s11], [sflag:$0x1] =	stream.indirect.gather @!p0 [hbm4b:s3+s7], $0x40, s10, s7, $0xb8;
	[tilespmem:$0x12C00] =	vst v63  }
0xad: {  	s10 =	sadd.s32 @!p0 $0x340, s6;
	s11 =	simm.s32 @!p0 $0x6C00  }
0xae: {  	[tilespmem:s11], [sflag:$0x1] =	stream.indirect.gather @!p0 [hbm4b:s3+s7], $0x40, s10, s7, $0xb8;
	[tilespmem:$0x12C00] =	vst v63  }
0xaf: {  	s10 =	sadd.s32 @!p0 $0x350, s6;
	s11 =	simm.s32 @!p0 $0x7000  }
0xb0: {  	[tilespmem:s11], [sflag:$0x1] =	stream.indirect.gather @!p0 [hbm4b:s3+s7], $0x40, s10, s7, $0xb8;
	[tilespmem:$0x12C00] =	vst v63  }
0xb1: {  	s10 =	sadd.s32 @!p0 $0x360, s6;
	s11 =	simm.s32 @!p0 $0x7400  }
0xb2: {  	[tilespmem:s11], [sflag:$0x1] =	stream.indirect.gather @!p0 [hbm4b:s3+s7], $0x40, s10, s7, $0xb8;
	[tilespmem:$0x12C00] =	vst v63  }
0xb3: {  	s10 =	sadd.s32 @!p0 $0x370, s6;
	s11 =	simm.s32 @!p0 $0x7800  }
0xb4: {  	[tilespmem:s11], [sflag:$0x1] =	stream.indirect.gather @!p0 [hbm4b:s3+s7], $0x40, s10, s7, $0xb8;
	[tilespmem:$0x12C00] =	vst v63  }
0xb5: {  	s10 =	sadd.s32 @!p0 $0x380, s6;
	s11 =	simm.s32 @!p0 $0x7C00  }
0xb6: {  	[tilespmem:s11], [sflag:$0x1] =	stream.indirect.gather @!p0 [hbm4b:s3+s7], $0x40, s10, s7, $0xb8;
	[tilespmem:$0x12C00] =	vst v63  }
0xb7: {  	s10 =	sadd.s32 @!p0 $0x390, s6;
	s11 =	simm.s32 @!p0 $0x8000  }
0xb8: {  	[tilespmem:s11], [sflag:$0x1] =	stream.indirect.gather @!p0 [hbm4b:s3+s7], $0x40, s10, s7, $0xb8;
	[tilespmem:$0x12C00] =	vst v63  }
0xb9: {  	s10 =	sadd.s32 @!p0 $0x3A0, s6;
	s11 =	simm.s32 @!p0 $0x8400  }
0xba: {  	[tilespmem:s11], [sflag:$0x1] =	stream.indirect.gather @!p0 [hbm4b:s3+s7], $0x40, s10, s7, $0xb8;
	[tilespmem:$0x12C00] =	vst v63  }
0xbb: {  	s10 =	sadd.s32 @!p0 $0x3B0, s6;
	s11 =	simm.s32 @!p0 $0x8800  }
0xbc: {  	[tilespmem:s11], [sflag:$0x1] =	stream.indirect.gather @!p0 [hbm4b:s3+s7], $0x40, s10, s7, $0xb8;
	[tilespmem:$0x12C00] =	vst v63  }
0xbd: {  	_ =	swait.ge [sflag:s15], $0x2800  }
0xbe: {  	[sflag:s15] =	ssyncset.done $0x0  }
0xbf: {  	s10 =	simm.s32 @!p0 $0x7;
	[sflag:s15] =	ssyncadd.s32 $0xFFFFD800  }
0xc0: {  	[hbm4b:s21+s19] =	stream.strided.scatter [tilespmem:s29], [sflag:$0x9], $0x2800, s28, s19, $0x38;
	[tilespmem:$0x12C00] =	vst v63  }
0xc1: {  	_ =	swait.ge @!p0 [sflag:s10], $0x2800  }
0xc2: {  	[sflag:s10] =	ssyncset.done @!p0 $0x0  }
0xc3: {  	s11 =	simm.s32 @!p0 $0x8C00;
	[sflag:s10] =	ssyncadd.s32 @!p0 $0xFFFFD800;
	s10 =	sadd.s32 @!p0 $0x3C0, s6  }
0xc4: {  	[tilespmem:s11], [sflag:$0x2] =	stream.indirect.gather @!p0 [hbm4b:s3+s7], $0x40, s10, s7, $0xb8;
	[tilespmem:$0x12C00] =	vst v63  }
0xc5: {  	s10 =	sadd.s32 @!p0 $0x3D0, s6;
	s11 =	simm.s32 @!p0 $0x9000  }
0xc6: {  	[tilespmem:s11], [sflag:$0x2] =	stream.indirect.gather @!p0 [hbm4b:s3+s7], $0x40, s10, s7, $0xb8;
	[tilespmem:$0x12C00] =	vst v63  }
0xc7: {  	s10 =	sadd.s32 @!p0 $0x3E0, s6;
	s11 =	simm.s32 @!p0 $0x9400  }
0xc8: {  	[tilespmem:s11], [sflag:$0x2] =	stream.indirect.gather @!p0 [hbm4b:s3+s7], $0x40, s10, s7, $0xb8;
	[tilespmem:$0x12C00] =	vst v63  }
0xc9: {  	s10 =	sadd.s32 @!p0 $0x3F0, s6;
	s11 =	simm.s32 @!p0 $0x9800  }
0xca: {  	[tilespmem:s11], [sflag:$0x2] =	stream.indirect.gather @!p0 [hbm4b:s3+s7], $0x40, s10, s7, $0xb8;
	[tilespmem:$0x12C00] =	vst v63  }
0xcb: {  	s10 =	sadd.s32 @!p0 $0x400, s6;
	s11 =	simm.s32 @!p0 $0x9C00  }
0xcc: {  	[tilespmem:s11], [sflag:$0x2] =	stream.indirect.gather @!p0 [hbm4b:s3+s7], $0x40, s10, s7, $0xb8;
	[tilespmem:$0x12C00] =	vst v63  }
0xcd: {  	s10 =	sadd.s32 @!p0 $0x410, s6;
	s11 =	simm.s32 @!p0 $0xA000  }
0xce: {  	[tilespmem:s11], [sflag:$0x2] =	stream.indirect.gather @!p0 [hbm4b:s3+s7], $0x40, s10, s7, $0xb8;
	[tilespmem:$0x12C00] =	vst v63  }
0xcf: {  	s10 =	sadd.s32 @!p0 $0x420, s6;
	s11 =	simm.s32 @!p0 $0xA400  }
0xd0: {  	[tilespmem:s11], [sflag:$0x2] =	stream.indirect.gather @!p0 [hbm4b:s3+s7], $0x40, s10, s7, $0xb8;
	[tilespmem:$0x12C00] =	vst v63  }
0xd1: {  	s10 =	sadd.s32 @!p0 $0x430, s6;
	s11 =	simm.s32 @!p0 $0xA800  }
0xd2: {  	[tilespmem:s11], [sflag:$0x2] =	stream.indirect.gather @!p0 [hbm4b:s3+s7], $0x40, s10, s7, $0xb8;
	[tilespmem:$0x12C00] =	vst v63  }
0xd3: {  	s10 =	sadd.s32 @!p0 $0x440, s6;
	s11 =	simm.s32 @!p0 $0xAC00  }
0xd4: {  	[tilespmem:s11], [sflag:$0x2] =	stream.indirect.gather @!p0 [hbm4b:s3+s7], $0x40, s10, s7, $0xb8;
	[tilespmem:$0x12C00] =	vst v63  }
0xd5: {  	s6 =	sadd.s32 @!p0 $0x450, s6;
	s10 =	simm.s32 @!p0 $0xB000  }
0xd6: {  	[tilespmem:s10], [sflag:$0x2] =	stream.indirect.gather @!p0 [hbm4b:s3+s7], $0x40, s6, s7, $0xb8;
	[tilespmem:$0x12C00] =	vst v63  }
.Ltmp2:
0xd7: {  	_ = 	snop;
	(pc) =	sbr.rel @p0 .LBB2_4-.Ltmp2, $4  }
0xd8: {  	_ =	swait.ge [sflag:s18], $0x2800  }
0xd9: {  	[sflag:s18] =	ssyncset.done $0x0  }
0xda: {  	[sflag:s18] =	ssyncadd.s32 $0xFFFFD800  }
0xdb: {  	[hbm4b:s2+s19] =	stream.strided.scatter [tilespmem:s9], [sflag:$0xA], $0x2800, s28, s19, $0x38;
	[tilespmem:$0x12C00] =	vst v63  }
0xdc: {  	_ =	swait.ge [sflag:s23], $0x2800  }
0xdd: {  	[sflag:s23] =	ssyncset.done $0x0  }
0xde: {  	s6 =	sadd.s32 $0x460, s5;
	[sflag:s23] =	ssyncadd.s32 $0xFFFFD800  }
0xdf: {  	[tilespmem:s17], [sflag:$0x3] =	stream.indirect.gather [hbm4b:s3+s12], $0x40, s6, s12, $0xb8;
	[tilespmem:$0x12C00] =	vst v63  }
0xe0: {  	s11 =	sadd.s32 $0x470, s5;
	s7 =	simm.s32 $0xB800  }
0xe1: {  	[tilespmem:s7], [sflag:$0x3] =	stream.indirect.gather [hbm4b:s3+s12], $0x40, s11, s12, $0xb8;
	[tilespmem:$0x12C00] =	vst v63  }
0xe2: {  	s10 =	sadd.s32 $0x480, s5;
	s11 =	simm.s32 $0xBC00  }
0xe3: {  	[tilespmem:s11], [sflag:$0x3] =	stream.indirect.gather [hbm4b:s3+s12], $0x40, s10, s12, $0xb8;
	[tilespmem:$0x12C00] =	vst v63  }
0xe4: {  	s10 =	sadd.s32 $0x490, s5;
	s11 =	simm.s32 $0xC000  }
0xe5: {  	[tilespmem:s11], [sflag:$0x3] =	stream.indirect.gather [hbm4b:s3+s12], $0x40, s10, s12, $0xb8;
	[tilespmem:$0x12C00] =	vst v63  }
0xe6: {  	s10 =	sadd.s32 $0x4A0, s5;
	s11 =	simm.s32 $0xC400  }
0xe7: {  	[tilespmem:s11], [sflag:$0x3] =	stream.indirect.gather [hbm4b:s3+s12], $0x40, s10, s12, $0xb8;
	[tilespmem:$0x12C00] =	vst v63  }
0xe8: {  	s10 =	sadd.s32 $0x4B0, s5;
	s11 =	simm.s32 $0xC800  }
0xe9: {  	[tilespmem:s11], [sflag:$0x3] =	stream.indirect.gather [hbm4b:s3+s12], $0x40, s10, s12, $0xb8;
	[tilespmem:$0x12C00] =	vst v63  }
0xea: {  	s4 =	sadd.s32 $0xC80, s4;
	s10 =	sadd.s32 $0x4C0, s5;
	s11 =	simm.s32 $0xCC00  }
0xeb: {  	[tilespmem:s11], [sflag:$0x3] =	stream.indirect.gather [hbm4b:s3+s12], $0x40, s10, s12, $0xb8;
	[tilespmem:$0x12C00] =	vst v63  }
0xec: {  	s2 =	sadd.s32 $0x3200, s2;
	s10 =	sadd.s32 $0x4D0, s5;
	s11 =	simm.s32 $0xD000  }
0xed: {  	[tilespmem:s11], [sflag:$0x3] =	stream.indirect.gather [hbm4b:s3+s12], $0x40, s10, s12, $0xb8;
	[tilespmem:$0x12C00] =	vst v63  }
.Ltmp3:
0xee: {  	s21 =	sadd.s32 $0x3200, s21;
	s16 =	sadd.s32 $0x3200, s16;
	(pc) =	sbr.rel .LBB2_2-.Ltmp3, $4  }
0xef: {  	s14 =	sadd.s32 $0x3200, s14;
	s10 =	sadd.s32 $0x4E0, s5;
	s11 =	simm.s32 $0xD400  }
0xf0: {  	[tilespmem:s11], [sflag:$0x3] =	stream.indirect.gather [hbm4b:s3+s12], $0x40, s10, s12, $0xb8;
	[tilespmem:$0x12C00] =	vst v63  }
0xf1: {  	s31 =	sadd.s32 $0x3200, s31;
	s10 =	sadd.s32 $0x4F0, s5;
	s11 =	simm.s32 $0xD800  }
0xf2: {  	[tilespmem:s11], [sflag:$0x3] =	stream.indirect.gather [hbm4b:s3+s12], $0x40, s10, s12, $0xb8;
	[tilespmem:$0x12C00] =	vst v63  }
.LBB2_5:
0xf3: {  	_ =	sfence.sel $0x180000  }
0xf4: {  	[bflag:$0x0] =	sbarrier.arrive $0xFFFF  }
0xf5: {  	_ =	strace $0x90000047  }
0xf6: {  	s0 =	stileid.u32;
	[bflag:$0x2] =	sbarrier.arrive $0xFFFF  }
0xf7: {  	p0 =	sne.s32 s0, $0x0;
	s0 =	rddreg [dreg:$0x1]  }
0xf8: {  	s0 =	sadd.s32 @!p0 $0x100000, s0  }
0xf9: {  	[sflag:s0] =	ssyncadd.tile.s32 @!p0 $0x1;
	_ =	shalt  }
.Lfunc_end2:
_tile_overlayer_lowered:
.L_overlay_start_2:
0xfa: {  	(tag) =	ssettag $0x2  }
0xfb: {  	s0 =	rddreg [dreg:$0x0];
	s2 =	stileid.u32  }
0xfc: {  	s1 =	rddreg [dreg:$0x1];
	p0 =	sne.s32 s2, $0x0  }
0xfd: {  	s3 =	rddreg [dreg:$0x2];
	[bflag:$0x3] =	sbarrier.arrive $0xFFFF;
	s2 =	simm.s32 @!p0 $0x1C0B  }
0xfe: {  	[timem:s3], [sflag:s2] =	dma.local @!p0 [hbm:s0], s1  }
0xff: {  	s0 =	simm.s32 @!p0 $0xB  }
0x100: {  	_ =	swait.ge @!p0 [sflag:s0], s1  }
0x101: {  	s1 =	ssub.s32 @!p0 $0x0, s1;
	[sflag:s0] =	ssyncset.done @!p0 $0x0  }
0x102: {  	[sflag:s0] =	ssyncadd.s32 @!p0 s1  }
0x103: {  	[bflag:$0x3] =	sbarrier.arrive $0xFFFF  }
0x104: {  	_ =	shalt  }

// kernel: sparse-core-data-format-call.cloned.1.call-start
scs
called_computation_lowered:
.L_overlay_start_0:
0x0: {  	s2 =	sld [smem:$0x3FD9]  }
0x1: {  	s3 =	sld [smem:$0x3FFE];
	_ =	sdelay $0x1  }
0x2: {  	s1 =	srdreg.scid  }
0x3: {  	s0 =	sand.u32 $0x1, s1  }
0x4: {  	s18 =	sshll.u32 s0, $0xA;
	s2 =	sadd.s32 s3, s2  }
0x5: {  	s2 =	sadd.s32 s2, s18  }
0x6: {  	[smem:$0x3FC6] =	sst s2  }
0x7: {  	_ = 	snop  }
0x8: {  	s2 =	sld [smem:$0x3FD0];
	(tm) =	ssettm $0x1  }
0x9: {  	s19 =	sld [smem:$0x3FFB];
	_ =	sdelay $0x3  }
0xa: {  	_ =	strace s19  }
0xb: {  	s3 =	sld [smem:$0x3FFC];
	_ =	sdelay $0x3  }
0xc: {  	_ =	strace s3  }
0xd: {  	s3 =	sld [smem:$0x3FFD];
	_ =	sdelay $0x3  }
0xe: {  	_ =	strace s3  }
0xf: {  	_ =	strace $0x8FFFFFFF  }
0x10: {  	s20 =	sld [smem:$0x3FDB];
	_ =	sdelay $0x1  }
0x11: {  	s4 =	simm.s32 $_scs_section_size  }
0x12: {  	s5 =	simm.s32 $_size__tile_overlayer_lowered;
	s6 =	simm.s32 $_tile_overlayer_lowered  }
0x13: {  	s23 =	simm.s32 $0x1BFF;
	s22 =	sshll.u32 s6, $0x1;
	s3 =	sadd.s32 s4, s20  }
0x14: {  	s7 =	simm.s32 $0x0;
	s21 =	sshll.u32 s5, $0x1;
	s5 =	sadd.s32 s22, s3  }
0x15: {  	[timem:s7], [sflag:s23] =	dma.local [hbm:s5], s21  }
0x16: {  	_ =	swait.ge [sflag:s23], s21  }
0x17: {  	s4 =	ssub.s32 $0x0, s21;
	[sflag:s23] =	ssyncset.done $0x0  }
0x18: {  	[sflag:s23] =	ssyncadd.s32 s4;
	_ =	sdelay $0x1  }
0x19: {  	s24 =	simm.s32 $0x1B8B  }
0x1a: {  	_ =	swait.ge [sflag:s24], $0x1  }
0x1b: {  	[sflag:s24] =	ssyncset.done $0x0  }
0x1c: {  	s26 =	simm.s32 $0x1B8E;
	s25 =	sld [smem:$0x3FFE];
	[sflag:s24] =	ssyncadd.s32 $0xFFFFFFFF  }
0x1d: {  	s27 =	simm.s32 $execute0_lowered;
	[smem:$0x3FD2] =	sst s26  }
0x1e: {  	s5 =	sshll.u32 s27, $0x1;
	_ =	strace $0x80000049;
	[dreg:$0x1] =	wrdreg $0xFFFFFFFF  }
0x1f: {  	s28 =	simm.s32 $_size_execute0_lowered;
	s3 =	sadd.s32 s3, s5;
	[dreg:$0x0] =	wrdreg $0x0  }
0x20: {  	s5 =	sshll.u32 s28, $0x1;
	[dreg:$0x2] =	wrdreg s3  }
0x21: {  	[dreg:$0x3] =	wrdreg s5  }
0x22: {  	[dreg:$0x4] =	wrdreg $0xC0  }
0x23: {  	_ =	task [dreg:s7], $0x5FFFF  }
0x24: {  	[dreg:$0x1] =	wrdreg $0xFFFFFFFF  }
0x25: {  	[dreg:$0x0] =	wrdreg $0x60  }
0x26: {  	[dreg:$0x2] =	wrdreg s25  }
0x27: {  	[dreg:$0x3] =	wrdreg s2  }
0x28: {  	[dreg:$0x4] =	wrdreg $0x9  }
0x29: {  	_ =	task.clear_ibuf [dreg:s7], $0x5FFFF;
	_ =	strace $0x90000049  }
0x2a: {  	s29 =	simm.s32 $0x9;
	_ =	strace $0x8000004B  }
0x2b: {  	_ =	swait.ge [sflag:s29], $0x1  }
0x2c: {  	[sflag:s29] =	ssyncadd.s32 $0xFFFFFFFF  }
0x2d: {  	_ =	strace $0x9000004B  }
0x2e: {  	_ =	sfence  }
0x2f: {  	s30 =	sld [smem:$0x0];
	_ =	sdelay $0x2  }
0x30: {  	s31 =	sshll.u32 s1, $0xD;
	s1 =	sshrl.u32 s1, $0x2  }
0x31: {  	s3 =	sand.u32 $0x4000, s31;
	s1 =	sadd.s32 s1, s30  }
0x32: {  	s0 =	sor.u32 s3, s0;
	s1 =	sshll.u32 s1, $0x11  }
0x33: {  	s0 =	sor.u32 s1, s0  }
0x34: {  	s0 =	sadd.s32 $0x8F2B, s0  }
0x35: {  	[sflag:s0] =	ssyncadd.remote.s32 $0x1  }
0x36: {  	_ =	sfence.sel $0xFFFF  }
0x37: {  	[dreg:$0x0] =	wrdreg $0xFFFFFFFF;
	(pc) =	sbr.abs _section_cstart, $3  }
0x38: {  	[dreg:$0x1] =	wrdreg $0xFFFFFFFF  }
0x39: {  	_ =	task.clear_ibuf [dreg:s7], $0x2FFFF;
	_ =	strace $0x9FFFFFFF  }
0x3a: {  	(tm) =	ssettm $0x7FFFFFFF  }
0x3b: {  	_ =	shalt  }
tec
execute0_lowered:
.L_overlay_start_1:
0x0: {  	(tag) =	ssettag $0x1  }
0x1: {  	s4 =	rddreg [dreg:$0x0]  }
0x2: {  	s0 =	stileid.u32;
	s2 =	rddreg [dreg:$0x1]  }
0x3: {  	s7 =	srdreg.scid;
	s8 =	simm.s32 $0x2;
	s14 =	simm.s32 $0x0  }
0x4: {  	s9 =	simm.s32 $0x2000;
	s16 =	simm.s32 $0x0;
	s1 =	sshll.u32 s0, $0x7  }
0x5: {  	s15 =	simm.s32 $0x0;
	s11 =	simm.s32 $0x0;
	s3 =	sand.u32 $0x380, s1  }
0x6: {  	s13 =	simm.s32 $0x0;
	s7 =	sshll.u32 s7, $0x4;
	s5 =	ssub.s32 $0x400, s3  }
0x7: {  	s4 =	sadd.s32 $0xDCE00, s4;
	s1 =	rddreg [dreg:$0x2];
	s6 =	sand.u32 $0x380, s5  }
0x8: {  	s7 =	sand.u32 $0x10, s7;
	p0 =	sne.s32 s6, $0x0;
	s6 =	simm.s32 $0x1  }
.Ltmp0:
0x9: {  	s5 =	sshrl.u32 s5, $0xA;
	s6 =	simm.s32 @!p0 $0x0;
	(pc) =	sbr.rel .LBB1_1-.Ltmp0, $4  }
0xa: {  	_ =	strace $0x8000004A;
	s7 =	sor.u32 s0, s7;
	s6 =	sadd.s32 s6, s5  }
0xb: {  	s7 =	sshrl.u32 s7, $0x3;
	s5 =	simm.s32 $0x1;
	s6 =	smul.u32 $0xC8, s6  }
0xc: {  	s12 =	smov.u32 s3;
	s10 =	smov.u32 s7;
	[sflag:s5] =	ssyncpa.u1 $0x0  }
0xd: {  	p0 =	por $0x0, $0x0;
	[sflag:s8] =	ssyncpa.u1 $0x0;
	s8 =	sor.u32 $0x1, s6  }
.LBB1_4:
0xe: {  	s19 =	sand.u32 $0x1F80, s15  }
0xf: {  	s16 =	sshll.u32 s16, $0x11;
	s20 =	sshrl.u32 s15, $0x3;
	s19 =	sadd.s32 s2, s19  }
0x10: {  	[tilespmem:s18+$0x810 ss:$0x81] =	vst.msk $0xffff, v2;
	s31 =	sand.u32 $0x7, s15;
	s20 =	sand.u32 $0xF, s20;
	s16 =	sadd.s32 s16, s19  }
0x11: {  	[tilespmem:s18+$0x1020 ss:$0x81] =	vst.msk $0xffff, v0;
	s14 =	sshll.u32 s14, $0xD;
	s15 =	sshll.u32 s31, $0x12;
	s16 =	sadd.s32 s20, s16  }
0x12: {  	[tilespmem:s18+$0x0 ss:$0x81] =	vst.msk $0xffff, v1;
	s15 =	sor.u32 $0x400, s15;
	s14 =	sadd.s32 s14, s16  }
0x13: {  	[hbm4b:s14+s15] =	stream.strided.scatter [tilespmem:s17], [sflag:$0x2], $0x2000, s9, s15, $0x20;
	[tilespmem:$0x8080] =	vst v63  }
.LBB1_5:
0x14: {  	s17 =	sadd.s32 $0x4, s10  }
0x15: {  	s14 =	simm.s32 $0x1;
	p2 =	sgt.s32 s17, $0xF  }
0x16: {  	s14 =	simm.s32 @!p2 $0x0  }
0x17: {  	s18 =	sadd.s32 s14, s11  }
0x18: {  	s20 =	smov.u32 s12;
	s14 =	sadd.s32 $0x400, s12;
	p3 =	sgt.s32 s18, $0x31  }
0x19: {  	s20 =	smov.u32 @p3 s14  }
0x1a: {  	p1 =	slt.u32 s13, $0x2;
	s17 =	smov.u32 @p2 s7;
	p2 =	sgt.s32 s20, $0x3FF  }
0x1b: {  	s19 =	simm.s32 @!p1 $0x2;
	s20 =	smov.u32 @p2 s3;
	p2 =	sne.s32 s13, s8  }
.Ltmp1:
0x1c: {  	_ =	swait.ge @!p1 [sflag:s19], $0x2000;
	(pc) =	sbr.rel @!p2 .LBB1_6-.Ltmp1, $4  }
0x1d: {  	s16 =	smov.u32 s11;
	[sflag:s19] =	ssyncset.done @!p1 $0x0  }
0x1e: {  	s15 =	smov.u32 s12;
	p0 =	por !p0, !p0;
	[sflag:s19] =	ssyncadd.s32 @!p1 $0xFFFFE000  }
0x1f: {  	s18 =	simm.s32 @p3 $0x0;
	s14 =	smov.u32 s10;
	s10 =	smov.u32 s17  }
0x20: {  	s11 =	smov.u32 s18;
	s13 =	sadd.s32 $0x1, s13;
	s12 =	smov.u32 s20  }
.LBB1_1:
0x21: {  	p1 =	sge.u32 s13, s6  }
0x22: {  	s18 =	smul.u32 @!p1 $0x3200, s12  }
0x23: {  	s31 =	sadd.s32 $0xFFFFFFFF, s13;
	s17 =	sxor.u32 @!p1 $0xFFFFFFFF, s13;
	s19 =	sshll.u32 @!p1 s11, $0x8  }
0x24: {  	s20 =	sshll.u32 @!p1 s10, $0x4;
	s17 =	sshll.u32 @!p1 s17, $0xD;
	s18 =	sadd.s32 @!p1 s4, s18  }
0x25: {  	s20 =	sand.u32 @!p1 $0xF0, s20;
	s17 =	sand.u32 @!p1 $0x2000, s17;
	s18 =	sadd.s32 @!p1 s19, s18  }
0x26: {  	s19 =	simm.s32 @!p1 $0x40;
	s18 =	sadd.s32 @!p1 s20, s18;
	s20 =	simm.s32 @!p1 $0x19000  }
0x27: {  	[tilespmem:s17], [sflag:$0x1] =	stream.strided.gather @!p1 [hbm4b:s18+s19], $0x2000, s20, s19, $0x38;
	[tilespmem:$0x8080] =	vst v63  }
0x28: {  	p1 =	sge.u32 s31, s6  }
.Ltmp2:
0x29: {  	_ = 	snop;
	(pc) =	sbr.rel @p1 .LBB1_5-.Ltmp2, $1  }
0x2a: {  	_ =	sdelay $0x3  }
0x2b: {  	s17 =	simm.s32 $0x1  }
0x2c: {  	_ =	swait.ge [sflag:s5], $0x2000;
	s17 =	simm.s32 @!p0 $0x0  }
0x2d: {  	[sflag:s5] =	ssyncset.done $0x0;
	s18 =	sshll.u32 s17, $0xD  }
0x2e: {  	[sflag:s5] =	ssyncadd.s32 $0xFFFFE000;
	s21 =	sor.u32 $0x20, s18  }
0x2f: {  	s17 =	smul.u32 $0x8100, s17;
	v3 =	vld [tilespmem:s21+$0x10]  }
0x30: {  	s30 =	sand.u32 $0x1, s13;
	v2 =	vld [tilespmem:s21+$0xFFFFFFF0]  }
0x31: {  	s18 =	smul.u32 $0x8100, s30;
	s17 =	sshrl.u32 s17, $0x2;
	v0 =	vld [tilespmem:s21+$0x0]  }
0x32: {  	v1 =	vld [tilespmem:s21+$0xFFFFFFE0];
	s19 =	sor.u32 $0x4000, s17  }
0x33: {  	s31 =	sshrl.u32 s18, $0x2;
	s18 =	sadd.s32 $0x0, s19  }
0x34: {  	s20 =	simm.s32 $0x4;
	s21 =	sadd.s32 $0x40, s21;
	s17 =	sor.u32 $0x4000, s31;
	[tilespmem:s18+$0x1830 ss:$0x81] =	vst.msk $0xffff, v3  }
.LBB1_3:
0x35: {  	v3 =	vld [tilespmem:s21+$0x10];
	p1 =	sne.s32 s20, $0x1FC;
	[tilespmem:s18+$0x810 ss:$0x81] =	vst.msk $0xffff, v2;
	s22 =	smov.u32 s20;
	s20 =	sadd.s32 $0x4, s20  }
.Ltmp3:
0x36: {  	v2 =	vld [tilespmem:s21+$0xFFFFFFF0];
	[tilespmem:s18+$0x1020 ss:$0x81] =	vst.msk $0xffff, v0;
	(pc) =	sbr.rel @p1 .LBB1_3-.Ltmp3, $4  }
0x37: {  	v0 =	vld [tilespmem:s21+$0x0];
	[tilespmem:s18+$0x0 ss:$0x81] =	vst.msk $0xffff, v1  }
0x38: {  	s18 =	sshra.s32 s22, $0x2;
	v1 =	vld [tilespmem:s21+$0xFFFFFFE0]  }
0x39: {  	s18 =	sadd.s32 s18, s19  }
0x3a: {  	s21 =	sadd.s32 $0x40, s21;
	[tilespmem:s18+$0x1830 ss:$0x81] =	vst.msk $0xffff, v3  }
.Ltmp4:
0x3b: {  	_ = 	snop;
	(pc) =	sbr.rel .LBB1_4-.Ltmp4, $1  }
0x3c: {  	_ =	sdelay $0x3  }
.LBB1_6:
0x3d: {  	_ =	sfence.sel $0x180000  }
0x3e: {  	s2 =	simm.s32 $0x1;
	[bflag:$0x0] =	sbarrier.arrive $0xFFFF  }
0x3f: {  	s31 =	simm.s32 $0x2;
	[sflag:s2] =	ssyncpa.u1 $0x1  }
0x40: {  	[sflag:s31] =	ssyncpa.u1 $0x1  }
0x41: {  	p0 =	sne.s32 s0, $0x0;
	_ =	strace $0x9000004A  }
0x42: {  	s0 =	sadd.s32 @!p0 $0x100000, s1;
	[bflag:$0x2] =	sbarrier.arrive $0xFFFF  }
0x43: {  	[sflag:s0] =	ssyncadd.tile.s32 @!p0 $0x1;
	_ =	shalt  }
.Lfunc_end1:
_tile_overlayer_lowered:
.L_overlay_start_2:
0x44: {  	(tag) =	ssettag $0x2  }
0x45: {  	s0 =	rddreg [dreg:$0x0];
	s2 =	stileid.u32  }
0x46: {  	s1 =	rddreg [dreg:$0x1];
	p0 =	sne.s32 s2, $0x0  }
0x47: {  	s3 =	rddreg [dreg:$0x2];
	[bflag:$0x3] =	sbarrier.arrive $0xFFFF;
	s2 =	simm.s32 @!p0 $0x1C01  }
0x48: {  	[timem:s3], [sflag:s2] =	dma.local @!p0 [hbm:s0], s1  }
0x49: {  	s0 =	simm.s32 @!p0 $0x1  }
0x4a: {  	_ =	swait.ge @!p0 [sflag:s0], s1  }
0x4b: {  	s1 =	ssub.s32 @!p0 $0x0, s1;
	[sflag:s0] =	ssyncset.done @!p0 $0x0  }
0x4c: {  	[sflag:s0] =	ssyncadd.s32 @!p0 s1  }
0x4d: {  	[bflag:$0x3] =	sbarrier.arrive $0xFFFF  }
0x4e: {  	_ =	shalt  }

</sc_bundles>
